<compile_context>
chip_gen: v7x
topology: tpu7x:2x2x1
jax: 0.10.2.dev20260603
libtpu: 0.0.44.dev20260713+nightly
codegen_flags: <defaults>
</compile_context>

<pallas_src>
import dataclasses

import jax
import jax.numpy as jnp
from jax import lax
from jax.experimental import pallas as pl
from jax.experimental.pallas import tpu as pltpu
from jax.experimental.pallas import tpu_sc as plsc

N = 10000
E = 320000
D = 128

NC = 2
NS = 16
NW = NC * NS
CHUNK = 128
CHUNKS = E // CHUNK
FULL = CHUNKS // NW
TAIL = CHUNKS - FULL * NW
RC = 80
NRCH = N // RC
RFULL = NRCH // NS
RTAIL = NRCH - RFULL * NS
CNTW = 4
NP = 10240
CROWS = NP // 32
CSUB = 64
L = 16


def _sc_agg(x, src, dst, zd, with_cnt):
    mesh = plsc.VectorSubcoreMesh(core_axis_name="c", subcore_axis_name="s")
    NR = N + CROWS if with_cnt else N
    out_type = jax.ShapeDtypeStruct((NC, NR, D), jnp.float32)
    scratch = [
        pltpu.VMEM((CHUNK,), jnp.int32),
        pltpu.VMEM((CHUNK,), jnp.int32),
        pltpu.VMEM((CHUNK,), jnp.int32),
        pltpu.VMEM((CHUNK,), jnp.int32),
        pltpu.VMEM((CSUB,), jnp.int32),
        pltpu.VMEM((CHUNK, D), jnp.float32),
        pltpu.VMEM((CHUNK, D), jnp.float32),
        pltpu.VMEM((CSUB, D), jnp.float32),
        pltpu.VMEM_SHARED((N, D), jnp.float32),
        pltpu.VMEM_SHARED((CROWS, D), jnp.float32),
        pltpu.SemaphoreType.DMA,
        pltpu.SemaphoreType.DMA,
        pltpu.SemaphoreType.DMA,
        pltpu.SemaphoreType.DMA,
    ]

    def body(x_hbm, src_hbm, dst_hbm, zd_hbm, agg_out, *rest):
        (srcv0, srcv1, dstv0, dstv1, ridxv, rows0, rows1, crowsv,
         agg_sh, cnt_sh, sem0, sem1, isem0, isem1) = rest
        srcv = (srcv0, srcv1)
        dstv = (dstv0, dstv1)
        rows = (rows0, rows1)
        sems = (sem0, sem1)
        isems = (isem0, isem1)
        cid = lax.axis_index("c")
        sid = lax.axis_index("s")
        wid = sid * NC + cid

        def row_chunks(fn):
            @pl.loop(0, RFULL)
            def _(k):
                fn(pl.multiple_of((k * NS + sid) * RC, 8))

            @pl.when(sid < RTAIL)
            def _():
                fn(pl.multiple_of((RFULL * NS + sid) * RC, 8))

        row_chunks(lambda off: pltpu.sync_copy(zd_hbm, agg_sh.at[pl.ds(off, RC)]))
        if with_cnt:
            @pl.when(sid < CROWS // RC)
            def _():
                pltpu.sync_copy(
                    zd_hbm, cnt_sh.at[pl.ds(pl.multiple_of(sid * RC, 8), RC)])

            zv = jnp.zeros((L,), jnp.float32)

            @pl.loop(0, CSUB)
            def _(r):
                for j in range(D // L):
                    crowsv[r, pl.ds(j * L, L)] = zv
        plsc.subcore_barrier()

        lanes = lax.iota(jnp.int32, L)
        onev = jnp.full((L,), 1.0, jnp.float32)
        zerov = jnp.zeros((L,), jnp.float32)

        def cnt_work(dv):
            if not with_cnt:
                return
            for h in range(CHUNK // CSUB):
                for j in range(CSUB // L):
                    d = dv[pl.ds(h * CSUB + j * L, L)]
                    ridxv[pl.ds(j * L, L)] = lax.shift_right_logical(d, 5)
                    plsc.store_scatter(
                        crowsv, [j * L + lanes, (d & 31) * CNTW], onev)
                pltpu.sync_copy(crowsv, cnt_sh.at[ridxv], add=True)
                for j in range(CSUB // L):
                    d = dv[pl.ds(h * CSUB + j * L, L)]
                    plsc.store_scatter(
                        crowsv, [j * L + lanes, (d & 31) * CNTW], zerov)

        def prefetch(c, b):
            base = pl.multiple_of(c * CHUNK, CHUNK)
            pltpu.async_copy(src_hbm.at[pl.ds(base, CHUNK)], srcv[b], isems[b])
            pltpu.async_copy(dst_hbm.at[pl.ds(base, CHUNK)], dstv[b], isems[b])

        def start(c, b):
            base = pl.multiple_of(c * CHUNK, CHUNK)
            pltpu.make_async_copy(
                src_hbm.at[pl.ds(base, CHUNK)], srcv[b], isems[b]).wait()
            pltpu.make_async_copy(
                dst_hbm.at[pl.ds(base, CHUNK)], dstv[b], isems[b]).wait()
            pltpu.async_copy(x_hbm.at[srcv[b]], rows[b], sems[b])

        def finish(b):
            cnt_work(dstv[b])
            pltpu.make_async_copy(x_hbm.at[srcv[b]], rows[b], sems[b]).wait()
            pltpu.sync_copy(rows[b], agg_sh.at[dstv[b]], add=True)

        prefetch(wid, 0)
        prefetch(NW + wid, 1)
        start(wid, 0)

        @pl.loop(0, FULL // 2 - 1)
        def _(t):
            start((2 * t + 1) * NW + wid, 1)
            finish(0)
            prefetch((2 * t + 2) * NW + wid, 0)
            finish(1)
            prefetch((2 * t + 3) * NW + wid, 1)
            start((2 * t + 2) * NW + wid, 0)

        start((FULL - 1) * NW + wid, 1)
        finish(0)
        finish(1)

        @pl.when(wid < TAIL)
        def _():
            prefetch(FULL * NW + wid, 0)
            start(FULL * NW + wid, 0)
            finish(0)

        plsc.subcore_barrier()

        row_chunks(lambda off: pltpu.sync_copy(
            agg_sh.at[pl.ds(off, RC)], agg_out.at[cid, pl.ds(off, RC)]))
        if with_cnt:
            @pl.when(sid < CROWS // RC)
            def _():
                off = pl.multiple_of(sid * RC, 8)
                pltpu.sync_copy(cnt_sh.at[pl.ds(off, RC)],
                                agg_out.at[cid, pl.ds(N + off, RC)])

    cp = pltpu.CompilerParams()
    if "needs_layout_passes" in pltpu.CompilerParams.__dataclass_fields__:
        cp = dataclasses.replace(cp, needs_layout_passes=False)
    kern = pl.kernel(body, out_type=out_type, mesh=mesh,
                     scratch_types=scratch, compiler_params=cp)
    return kern(x, src, dst, zd)


BLK = 400


def _tc_dense(aggp, cntp, x, Wl, Wr, b, a):

    def body(aggp_ref, cntp_ref, x_ref, wl_ref, wr_ref, b_ref, a_ref, o_ref):
        s = aggp_ref[0] + aggp_ref[1]
        c = cntp_ref[0, :, 0:1] + cntp_ref[1, :, 0:1]
        agg = s / jnp.maximum(c, 1.0)
        h = (jnp.dot(agg, wl_ref[...], preferred_element_type=jnp.float32)
             + jnp.dot(x_ref[...], wr_ref[...], preferred_element_type=jnp.float32)
             + b_ref[...])
        o_ref[...] = jnp.where(h >= 0, h, a_ref[...] * h)

    return pl.pallas_call(
        body,
        grid=(N // BLK,),
        in_specs=[
            pl.BlockSpec((NC, BLK, D), lambda i: (0, i, 0)),
            pl.BlockSpec((NC, BLK, CNTW), lambda i: (0, i, 0)),
            pl.BlockSpec((BLK, D), lambda i: (i, 0)),
            pl.BlockSpec((D, D), lambda i: (0, 0)),
            pl.BlockSpec((D, D), lambda i: (0, 0)),
            pl.BlockSpec((1, D), lambda i: (0, 0)),
            pl.BlockSpec((1, D), lambda i: (0, 0)),
        ],
        out_specs=pl.BlockSpec((BLK, D), lambda i: (i, 0)),
        out_shape=jax.ShapeDtypeStruct((N, D), jnp.float32),
    )(aggp, cntp, x, Wl, Wr, b.reshape(1, D), a.reshape(1, D))


def kernel(x, edge_index, Wl1, Wr1, b1, a1, Wl2, Wr2, b2, a2):
    src = edge_index[0]
    dst = edge_index[1]
    zd = jnp.zeros((RC, D), jnp.float32)

    aggcnt = _sc_agg(x, src, dst, zd, with_cnt=True)
    agg1p = aggcnt[:, :N]
    cntp = aggcnt[:, N:].reshape(NC, NP, CNTW)[:, :N]
    h = _tc_dense(agg1p, cntp, x, Wl1, Wr1, b1, a1)
    agg2p = _sc_agg(h, src, dst, zd, with_cnt=False)
    return _tc_dense(agg2p, cntp, h, Wl2, Wr2, b2, a2)

# --- scband reference (transcript-rebuilt; emitter-appended) ---
"""Pipeline reference for scband-gnn-17489106829718 (READ-ONLY COPY).

The authoritative reference and input builder live on the scoring server;
editing this copy changes nothing except your own understanding.
"""

import jax, jax.numpy as jnp
import numpy as np

N = 10000
E = 320000
D = 128


def setup_inputs(seed: int = 0):
    key = jax.random.key(seed)
    ks = jax.random.split(key, 8)
    s = 1.0 / np.sqrt(D)
    return {
        "x": jax.random.normal(ks[0], (N, D), dtype=jnp.float32),
        "edge_index": jax.random.randint(ks[1], (2, E), 0, N),
        "Wl1": jax.random.uniform(ks[2], (D, D), jnp.float32, -s, s),
        "Wr1": jax.random.uniform(ks[3], (D, D), jnp.float32, -s, s),
        "b1": jnp.zeros((D,), jnp.float32),
        "a1": jnp.full((D,), 0.25, jnp.float32),
        "Wl2": jax.random.uniform(ks[4], (D, D), jnp.float32, -s, s),
        "Wr2": jax.random.uniform(ks[5], (D, D), jnp.float32, -s, s),
        "b2": jnp.zeros((D,), jnp.float32),
        "a2": jnp.full((D,), 0.25, jnp.float32),
    }


def _sage(x, src, dst, Wl, Wr, b):
    # SAGEConv with mean aggregation: out = mean_{j in N(i)} x_j @ Wl + x_i @ Wr + b
    msg = jnp.take(x, src, axis=0)
    agg = jax.ops.segment_sum(msg, dst, num_segments=N)
    cnt = jax.ops.segment_sum(jnp.ones((src.shape[0],), jnp.float32), dst, num_segments=N)
    agg = agg / jnp.maximum(cnt, 1.0)[:, None]
    return agg @ Wl + x @ Wr + b


def _prelu(x, a):
    return jnp.where(x >= 0, x, a * x)


def reference(x, edge_index, Wl1, Wr1, b1, a1, Wl2, Wr2, b2, a2):
    src, dst = edge_index[0], edge_index[1]
    h = _prelu(_sage(x, src, dst, Wl1, Wr1, b1), a1)
    h = _prelu(_sage(h, src, dst, Wl2, Wr2, b2), a2)
    return h

if __name__ == "__main__":
    import jax
    _d = setup_inputs()
    print(jax.jit(kernel)(*tuple(_d.values())))

</pallas_src>

<mosaic_0001>
#map = affine_map<(d0, d1) -> (0, 0)>
#map1 = affine_map<(d0, d1) -> (0)>
#map2 = affine_map<(d0, d1) -> (0, 0, 0)>
module attributes {stable_mosaic.version = 14 : i64} {
  func.func @body(%arg0: i32, %arg1: i32, %arg2: memref<10000x128xf32, #tpu.memory_space<hbm>>, %arg3: memref<320000xi32, #tpu.memory_space<hbm>>, %arg4: memref<320000xi32, #tpu.memory_space<hbm>>, %arg5: memref<80x128xf32, #tpu.memory_space<hbm>>, %arg6: memref<2x10000x128xf32, #tpu.memory_space<hbm>>, %arg7: memref<128xi32, #tpu.memory_space<vmem>>, %arg8: memref<128xi32, #tpu.memory_space<vmem>>, %arg9: memref<128xi32, #tpu.memory_space<vmem>>, %arg10: memref<128xi32, #tpu.memory_space<vmem>>, %arg11: memref<64xi32, #tpu.memory_space<vmem>>, %arg12: memref<128x128xf32, #tpu.memory_space<vmem>>, %arg13: memref<128x128xf32, #tpu.memory_space<vmem>>, %arg14: memref<64x128xf32, #tpu.memory_space<vmem>>, %arg15: memref<10000x128xf32, #tpu.memory_space<vmem_shared>>, %arg16: memref<320x128xf32, #tpu.memory_space<vmem_shared>>, %arg17: memref<!tpu.dma_semaphore, #tpu.memory_space<semaphore_mem>>, %arg18: memref<!tpu.dma_semaphore, #tpu.memory_space<semaphore_mem>>, %arg19: memref<!tpu.dma_semaphore, #tpu.memory_space<semaphore_mem>>, %arg20: memref<!tpu.dma_semaphore, #tpu.memory_space<semaphore_mem>>) attributes {dimension_semantics = [#tpu.dimension_semantics<core_parallel>, #tpu.dimension_semantics<subcore_parallel>], iteration_bounds = array<i64: 2, 16>, scalar_prefetch = 0 : i64, scratch_operands = 14 : i64, tpu.core_type = #tpu.core_type<sc_vector_subcore>, window_params = [{transform_indices = #map}, {transform_indices = #map1}, {transform_indices = #map1}, {transform_indices = #map}, {transform_indices = #map2}]} {
    %mul3A = arith.constant 2 : i32
    %mul3A_0 = arith.muli %arg1, %mul3A : i32
    %add3A = arith.addi %mul3A_0, %arg0 : i32
    %scan3A = arith.constant 0 : i32
    %scan3A_1 = arith.constant 7 : i32
    %scan3A_2 = arith.addi %scan3A, %scan3A_1 : i32
    %scan3A_3 = arith.constant 1 : i32
    scf.for %scan3A_72 = %scan3A to %scan3A_2 step %scan3A_3  : i32 {
      %mul3A_73 = arith.constant 1 : i32
      %mul3A_74 = arith.muli %scan3A_72, %mul3A_73 : i32
      %add3A_75 = arith.constant 0 : i32
      %add3A_76 = arith.addi %add3A_75, %mul3A_74 : i32
      %mul3A_77 = arith.constant 16 : i32
      %mul3A_78 = arith.muli %add3A_76, %mul3A_77 : i32
      %add3A_79 = arith.addi %mul3A_78, %arg1 : i32
      %mul3A_80 = arith.constant 80 : i32
      %mul3A_81 = arith.muli %add3A_79, %mul3A_80 : i32
      %multiple_of3A_82 = tpu.assume_multiple %mul3A_81, 8 : i32
      "tpu.region"() ({
        %run_scoped3A = tpu.sem_alloc : memref<!tpu.dma_semaphore, #tpu.memory_space<semaphore_mem>>
        %dma_start3A_83 = arith.constant 0 : i32
        %dma_start3A_84 = tpu.memref_slice %arg15[%multiple_of3A_82, %dma_start3A_83] : memref<10000x128xf32, #tpu.memory_space<vmem_shared>> -> memref<80x128xf32, #tpu.memory_space<vmem_shared>>
        tpu.enqueue_dma source(%arg5 : memref<80x128xf32, #tpu.memory_space<hbm>>) target(%dma_start3A_84 : memref<80x128xf32, #tpu.memory_space<vmem_shared>>) target_semaphore(%run_scoped3A : memref<!tpu.dma_semaphore, #tpu.memory_space<semaphore_mem>>)
        %dma_wait3A_85 = arith.constant 0 : i32
        %dma_wait3A_86 = tpu.memref_slice %arg15[%multiple_of3A_82, %dma_wait3A_85] : memref<10000x128xf32, #tpu.memory_space<vmem_shared>> -> memref<80x128xf32, #tpu.memory_space<vmem_shared>>
        tpu.wait_dma2 semaphore(%run_scoped3A : memref<!tpu.dma_semaphore, #tpu.memory_space<semaphore_mem>>) src(%arg5 : memref<80x128xf32, #tpu.memory_space<hbm>>) dst(%dma_wait3A_86 : memref<80x128xf32, #tpu.memory_space<vmem_shared>>)
        tpu.yield
      }) : () -> ()
    }
    %scan3A_4 = arith.constant 7 : i32
    %lt3A = arith.constant 13 : i32
    %lt3A_5 = arith.cmpi slt, %arg1, %lt3A : i32
    %convert_element_type3A = arith.extui %lt3A_5 : i1 to i32
    %cond3A = arith.constant 0 : i32
    %cond3A_6 = arith.cmpi ne, %convert_element_type3A, %cond3A : i32
    scf.if %cond3A_6 {
      %add3A_72 = arith.constant 112 : i32
      %add3A_73 = arith.addi %add3A_72, %arg1 : i32
      %mul3A_74 = arith.constant 80 : i32
      %mul3A_75 = arith.muli %add3A_73, %mul3A_74 : i32
      %multiple_of3A_76 = tpu.assume_multiple %mul3A_75, 8 : i32
      "tpu.region"() ({
        %run_scoped3A = tpu.sem_alloc : memref<!tpu.dma_semaphore, #tpu.memory_space<semaphore_mem>>
        %dma_start3A_77 = arith.constant 0 : i32
        %dma_start3A_78 = tpu.memref_slice %arg15[%multiple_of3A_76, %dma_start3A_77] : memref<10000x128xf32, #tpu.memory_space<vmem_shared>> -> memref<80x128xf32, #tpu.memory_space<vmem_shared>>
        tpu.enqueue_dma source(%arg5 : memref<80x128xf32, #tpu.memory_space<hbm>>) target(%dma_start3A_78 : memref<80x128xf32, #tpu.memory_space<vmem_shared>>) target_semaphore(%run_scoped3A : memref<!tpu.dma_semaphore, #tpu.memory_space<semaphore_mem>>)
        %dma_wait3A_79 = arith.constant 0 : i32
        %dma_wait3A_80 = tpu.memref_slice %arg15[%multiple_of3A_76, %dma_wait3A_79] : memref<10000x128xf32, #tpu.memory_space<vmem_shared>> -> memref<80x128xf32, #tpu.memory_space<vmem_shared>>
        tpu.wait_dma2 semaphore(%run_scoped3A : memref<!tpu.dma_semaphore, #tpu.memory_space<semaphore_mem>>) src(%arg5 : memref<80x128xf32, #tpu.memory_space<hbm>>) dst(%dma_wait3A_80 : memref<80x128xf32, #tpu.memory_space<vmem_shared>>)
        tpu.yield
      }) : () -> ()
    } else {
    }
    %barrier3A = arith.constant 0 : index
    tpu.barrier barrier_id(%barrier3A)
    %iota3A = tpu.iota {dimensions = array<i32: 0>} : vector<16xi32>
    %broadcast_in_dim3A = arith.constant 1.000000e+00 : f32
    %broadcast_in_dim3A_7 = vector.broadcast %broadcast_in_dim3A : f32 to vector<16xf32>
    %broadcast_in_dim3A_8 = arith.constant 0.000000e+00 : f32
    %broadcast_in_dim3A_9 = vector.broadcast %broadcast_in_dim3A_8 : f32 to vector<16xf32>
    %mul3A_10 = arith.constant 128 : i32
    %mul3A_11 = arith.muli %add3A, %mul3A_10 : i32
    %multiple_of3A = tpu.assume_multiple %mul3A_11, 128 : i32
    %dma_start3A = tpu.memref_slice %arg3[%multiple_of3A] : memref<320000xi32, #tpu.memory_space<hbm>> -> memref<128xi32, #tpu.memory_space<hbm>>
    %dma_start3A_12 = tpu.memref_slice %arg3[%multiple_of3A] : memref<320000xi32, #tpu.memory_space<hbm>> -> memref<128xi32, #tpu.memory_space<hbm>>
    tpu.enqueue_dma source(%dma_start3A_12 : memref<128xi32, #tpu.memory_space<hbm>>) target(%arg7 : memref<128xi32, #tpu.memory_space<vmem>>) target_semaphore(%arg19 : memref<!tpu.dma_semaphore, #tpu.memory_space<semaphore_mem>>)
    %dma_start3A_13 = tpu.memref_slice %arg4[%multiple_of3A] : memref<320000xi32, #tpu.memory_space<hbm>> -> memref<128xi32, #tpu.memory_space<hbm>>
    %dma_start3A_14 = tpu.memref_slice %arg4[%multiple_of3A] : memref<320000xi32, #tpu.memory_space<hbm>> -> memref<128xi32, #tpu.memory_space<hbm>>
    tpu.enqueue_dma source(%dma_start3A_14 : memref<128xi32, #tpu.memory_space<hbm>>) target(%arg9 : memref<128xi32, #tpu.memory_space<vmem>>) target_semaphore(%arg19 : memref<!tpu.dma_semaphore, #tpu.memory_space<semaphore_mem>>)
    %add3A_15 = arith.constant 32 : i32
    %add3A_16 = arith.addi %add3A_15, %add3A : i32
    %mul3A_17 = arith.constant 128 : i32
    %mul3A_18 = arith.muli %add3A_16, %mul3A_17 : i32
    %multiple_of3A_19 = tpu.assume_multiple %mul3A_18, 128 : i32
    %dma_start3A_20 = tpu.memref_slice %arg3[%multiple_of3A_19] : memref<320000xi32, #tpu.memory_space<hbm>> -> memref<128xi32, #tpu.memory_space<hbm>>
    %dma_start3A_21 = tpu.memref_slice %arg3[%multiple_of3A_19] : memref<320000xi32, #tpu.memory_space<hbm>> -> memref<128xi32, #tpu.memory_space<hbm>>
    tpu.enqueue_dma source(%dma_start3A_21 : memref<128xi32, #tpu.memory_space<hbm>>) target(%arg8 : memref<128xi32, #tpu.memory_space<vmem>>) target_semaphore(%arg20 : memref<!tpu.dma_semaphore, #tpu.memory_space<semaphore_mem>>)
    %dma_start3A_22 = tpu.memref_slice %arg4[%multiple_of3A_19] : memref<320000xi32, #tpu.memory_space<hbm>> -> memref<128xi32, #tpu.memory_space<hbm>>
    %dma_start3A_23 = tpu.memref_slice %arg4[%multiple_of3A_19] : memref<320000xi32, #tpu.memory_space<hbm>> -> memref<128xi32, #tpu.memory_space<hbm>>
    tpu.enqueue_dma source(%dma_start3A_23 : memref<128xi32, #tpu.memory_space<hbm>>) target(%arg10 : memref<128xi32, #tpu.memory_space<vmem>>) target_semaphore(%arg20 : memref<!tpu.dma_semaphore, #tpu.memory_space<semaphore_mem>>)
    %mul3A_24 = arith.constant 128 : i32
    %mul3A_25 = arith.muli %add3A, %mul3A_24 : i32
    %multiple_of3A_26 = tpu.assume_multiple %mul3A_25, 128 : i32
    %dma_wait3A = tpu.memref_slice %arg3[%multiple_of3A_26] : memref<320000xi32, #tpu.memory_space<hbm>> -> memref<128xi32, #tpu.memory_space<hbm>>
    %dma_wait3A_27 = tpu.memref_slice %arg3[%multiple_of3A_26] : memref<320000xi32, #tpu.memory_space<hbm>> -> memref<128xi32, #tpu.memory_space<hbm>>
    tpu.wait_dma2 semaphore(%arg19 : memref<!tpu.dma_semaphore, #tpu.memory_space<semaphore_mem>>) src(%dma_wait3A_27 : memref<128xi32, #tpu.memory_space<hbm>>) dst(%arg7 : memref<128xi32, #tpu.memory_space<vmem>>)
    %dma_wait3A_28 = tpu.memref_slice %arg4[%multiple_of3A_26] : memref<320000xi32, #tpu.memory_space<hbm>> -> memref<128xi32, #tpu.memory_space<hbm>>
    %dma_wait3A_29 = tpu.memref_slice %arg4[%multiple_of3A_26] : memref<320000xi32, #tpu.memory_space<hbm>> -> memref<128xi32, #tpu.memory_space<hbm>>
    tpu.wait_dma2 semaphore(%arg19 : memref<!tpu.dma_semaphore, #tpu.memory_space<semaphore_mem>>) src(%dma_wait3A_29 : memref<128xi32, #tpu.memory_space<hbm>>) dst(%arg9 : memref<128xi32, #tpu.memory_space<vmem>>)
    %dma_start3A_30 = arith.constant 0 : i32
    %dma_start3A_31 = arith.constant 0 : i32
    %dma_start3A_32 = tpu.memref_slice %arg2[%dma_start3A_30, %dma_start3A_31] : memref<10000x128xf32, #tpu.memory_space<hbm>> -> memref<10000x128xf32, #tpu.memory_space<hbm>>
    tpu.enqueue_indirect_dma source(%dma_start3A_32 : memref<10000x128xf32, #tpu.memory_space<hbm>>) target(%arg12 : memref<128x128xf32, #tpu.memory_space<vmem>>) offsets(%arg7 : memref<128xi32, #tpu.memory_space<vmem>>) semaphore(%arg17 : memref<!tpu.dma_semaphore, #tpu.memory_space<semaphore_mem>>)
    %scan3A_33 = arith.constant 0 : i32
    %scan3A_34 = arith.constant 38 : i32
    %scan3A_35 = arith.addi %scan3A_33, %scan3A_34 : i32
    %scan3A_36 = arith.constant 1 : i32
    scf.for %scan3A_72 = %scan3A_33 to %scan3A_35 step %scan3A_36  : i32 {
      %mul3A_73 = arith.constant 1 : i32
      %mul3A_74 = arith.muli %scan3A_72, %mul3A_73 : i32
      %add3A_75 = arith.constant 0 : i32
      %add3A_76 = arith.addi %add3A_75, %mul3A_74 : i32
      %mul3A_77 = arith.constant 2 : i32
      %mul3A_78 = arith.muli %mul3A_77, %add3A_76 : i32
      %add3A_79 = arith.constant 1 : i32
      %add3A_80 = arith.addi %mul3A_78, %add3A_79 : i32
      %mul3A_81 = arith.constant 32 : i32
      %mul3A_82 = arith.muli %add3A_80, %mul3A_81 : i32
      %add3A_83 = arith.addi %mul3A_82, %add3A : i32
      %mul3A_84 = arith.constant 128 : i32
      %mul3A_85 = arith.muli %add3A_83, %mul3A_84 : i32
      %multiple_of3A_86 = tpu.assume_multiple %mul3A_85, 128 : i32
      %dma_wait3A_87 = tpu.memref_slice %arg3[%multiple_of3A_86] : memref<320000xi32, #tpu.memory_space<hbm>> -> memref<128xi32, #tpu.memory_space<hbm>>
      %dma_wait3A_88 = tpu.memref_slice %arg3[%multiple_of3A_86] : memref<320000xi32, #tpu.memory_space<hbm>> -> memref<128xi32, #tpu.memory_space<hbm>>
      tpu.wait_dma2 semaphore(%arg20 : memref<!tpu.dma_semaphore, #tpu.memory_space<semaphore_mem>>) src(%dma_wait3A_88 : memref<128xi32, #tpu.memory_space<hbm>>) dst(%arg8 : memref<128xi32, #tpu.memory_space<vmem>>)
      %dma_wait3A_89 = tpu.memref_slice %arg4[%multiple_of3A_86] : memref<320000xi32, #tpu.memory_space<hbm>> -> memref<128xi32, #tpu.memory_space<hbm>>
      %dma_wait3A_90 = tpu.memref_slice %arg4[%multiple_of3A_86] : memref<320000xi32, #tpu.memory_space<hbm>> -> memref<128xi32, #tpu.memory_space<hbm>>
      tpu.wait_dma2 semaphore(%arg20 : memref<!tpu.dma_semaphore, #tpu.memory_space<semaphore_mem>>) src(%dma_wait3A_90 : memref<128xi32, #tpu.memory_space<hbm>>) dst(%arg10 : memref<128xi32, #tpu.memory_space<vmem>>)
      %dma_start3A_91 = arith.constant 0 : i32
      %dma_start3A_92 = arith.constant 0 : i32
      %dma_start3A_93 = tpu.memref_slice %arg2[%dma_start3A_91, %dma_start3A_92] : memref<10000x128xf32, #tpu.memory_space<hbm>> -> memref<10000x128xf32, #tpu.memory_space<hbm>>
      tpu.enqueue_indirect_dma source(%dma_start3A_93 : memref<10000x128xf32, #tpu.memory_space<hbm>>) target(%arg13 : memref<128x128xf32, #tpu.memory_space<vmem>>) offsets(%arg8 : memref<128xi32, #tpu.memory_space<vmem>>) semaphore(%arg18 : memref<!tpu.dma_semaphore, #tpu.memory_space<semaphore_mem>>)
      %dma_wait3A_94 = arith.constant 0 : i32
      %dma_wait3A_95 = arith.constant 0 : i32
      %dma_wait3A_96 = tpu.memref_slice %arg2[%dma_wait3A_94, %dma_wait3A_95] : memref<10000x128xf32, #tpu.memory_space<hbm>> -> memref<10000x128xf32, #tpu.memory_space<hbm>>
      tpu.wait_indirect_dma semaphore(%arg17 : memref<!tpu.dma_semaphore, #tpu.memory_space<semaphore_mem>>) src(%dma_wait3A_96 : memref<10000x128xf32, #tpu.memory_space<hbm>>) dst(%arg12 : memref<128x128xf32, #tpu.memory_space<vmem>>)
      "tpu.region"() ({
        %run_scoped3A = tpu.sem_alloc : memref<!tpu.dma_semaphore, #tpu.memory_space<semaphore_mem>>
        %dma_start3A_145 = arith.constant 0 : i32
        %dma_start3A_146 = arith.constant 0 : i32
        %dma_start3A_147 = tpu.memref_slice %arg15[%dma_start3A_145, %dma_start3A_146] : memref<10000x128xf32, #tpu.memory_space<vmem_shared>> -> memref<10000x128xf32, #tpu.memory_space<vmem_shared>>
        tpu.enqueue_indirect_dma source(%arg12 : memref<128x128xf32, #tpu.memory_space<vmem>>) target(%dma_start3A_147 : memref<10000x128xf32, #tpu.memory_space<vmem_shared>>) offsets(%arg9 : memref<128xi32, #tpu.memory_space<vmem>>) semaphore(%run_scoped3A : memref<!tpu.dma_semaphore, #tpu.memory_space<semaphore_mem>>) {add = true}
        %dma_wait3A_148 = arith.constant 0 : i32
        %dma_wait3A_149 = arith.constant 0 : i32
        %dma_wait3A_150 = tpu.memref_slice %arg15[%dma_wait3A_148, %dma_wait3A_149] : memref<10000x128xf32, #tpu.memory_space<vmem_shared>> -> memref<10000x128xf32, #tpu.memory_space<vmem_shared>>
        tpu.wait_indirect_dma semaphore(%run_scoped3A : memref<!tpu.dma_semaphore, #tpu.memory_space<semaphore_mem>>) src(%arg12 : memref<128x128xf32, #tpu.memory_space<vmem>>) dst(%dma_wait3A_150 : memref<10000x128xf32, #tpu.memory_space<vmem_shared>>)
        tpu.yield
      }) : () -> ()
      %mul3A_97 = arith.constant 2 : i32
      %mul3A_98 = arith.muli %mul3A_97, %add3A_76 : i32
      %add3A_99 = arith.constant 2 : i32
      %add3A_100 = arith.addi %mul3A_98, %add3A_99 : i32
      %mul3A_101 = arith.constant 32 : i32
      %mul3A_102 = arith.muli %add3A_100, %mul3A_101 : i32
      %add3A_103 = arith.addi %mul3A_102, %add3A : i32
      %mul3A_104 = arith.constant 128 : i32
      %mul3A_105 = arith.muli %add3A_103, %mul3A_104 : i32
      %multiple_of3A_106 = tpu.assume_multiple %mul3A_105, 128 : i32
      %dma_start3A_107 = tpu.memref_slice %arg3[%multiple_of3A_106] : memref<320000xi32, #tpu.memory_space<hbm>> -> memref<128xi32, #tpu.memory_space<hbm>>
      %dma_start3A_108 = tpu.memref_slice %arg3[%multiple_of3A_106] : memref<320000xi32, #tpu.memory_space<hbm>> -> memref<128xi32, #tpu.memory_space<hbm>>
      tpu.enqueue_dma source(%dma_start3A_108 : memref<128xi32, #tpu.memory_space<hbm>>) target(%arg7 : memref<128xi32, #tpu.memory_space<vmem>>) target_semaphore(%arg19 : memref<!tpu.dma_semaphore, #tpu.memory_space<semaphore_mem>>)
      %dma_start3A_109 = tpu.memref_slice %arg4[%multiple_of3A_106] : memref<320000xi32, #tpu.memory_space<hbm>> -> memref<128xi32, #tpu.memory_space<hbm>>
      %dma_start3A_110 = tpu.memref_slice %arg4[%multiple_of3A_106] : memref<320000xi32, #tpu.memory_space<hbm>> -> memref<128xi32, #tpu.memory_space<hbm>>
      tpu.enqueue_dma source(%dma_start3A_110 : memref<128xi32, #tpu.memory_space<hbm>>) target(%arg9 : memref<128xi32, #tpu.memory_space<vmem>>) target_semaphore(%arg19 : memref<!tpu.dma_semaphore, #tpu.memory_space<semaphore_mem>>)
      %dma_wait3A_111 = arith.constant 0 : i32
      %dma_wait3A_112 = arith.constant 0 : i32
      %dma_wait3A_113 = tpu.memref_slice %arg2[%dma_wait3A_111, %dma_wait3A_112] : memref<10000x128xf32, #tpu.memory_space<hbm>> -> memref<10000x128xf32, #tpu.memory_space<hbm>>
      tpu.wait_indirect_dma semaphore(%arg18 : memref<!tpu.dma_semaphore, #tpu.memory_space<semaphore_mem>>) src(%dma_wait3A_113 : memref<10000x128xf32, #tpu.memory_space<hbm>>) dst(%arg13 : memref<128x128xf32, #tpu.memory_space<vmem>>)
      "tpu.region"() ({
        %run_scoped3A = tpu.sem_alloc : memref<!tpu.dma_semaphore, #tpu.memory_space<semaphore_mem>>
        %dma_start3A_145 = arith.constant 0 : i32
        %dma_start3A_146 = arith.constant 0 : i32
        %dma_start3A_147 = tpu.memref_slice %arg15[%dma_start3A_145, %dma_start3A_146] : memref<10000x128xf32, #tpu.memory_space<vmem_shared>> -> memref<10000x128xf32, #tpu.memory_space<vmem_shared>>
        tpu.enqueue_indirect_dma source(%arg13 : memref<128x128xf32, #tpu.memory_space<vmem>>) target(%dma_start3A_147 : memref<10000x128xf32, #tpu.memory_space<vmem_shared>>) offsets(%arg10 : memref<128xi32, #tpu.memory_space<vmem>>) semaphore(%run_scoped3A : memref<!tpu.dma_semaphore, #tpu.memory_space<semaphore_mem>>) {add = true}
        %dma_wait3A_148 = arith.constant 0 : i32
        %dma_wait3A_149 = arith.constant 0 : i32
        %dma_wait3A_150 = tpu.memref_slice %arg15[%dma_wait3A_148, %dma_wait3A_149] : memref<10000x128xf32, #tpu.memory_space<vmem_shared>> -> memref<10000x128xf32, #tpu.memory_space<vmem_shared>>
        tpu.wait_indirect_dma semaphore(%run_scoped3A : memref<!tpu.dma_semaphore, #tpu.memory_space<semaphore_mem>>) src(%arg13 : memref<128x128xf32, #tpu.memory_space<vmem>>) dst(%dma_wait3A_150 : memref<10000x128xf32, #tpu.memory_space<vmem_shared>>)
        tpu.yield
      }) : () -> ()
      %mul3A_114 = arith.constant 2 : i32
      %mul3A_115 = arith.muli %mul3A_114, %add3A_76 : i32
      %add3A_116 = arith.constant 3 : i32
      %add3A_117 = arith.addi %mul3A_115, %add3A_116 : i32
      %mul3A_118 = arith.constant 32 : i32
      %mul3A_119 = arith.muli %add3A_117, %mul3A_118 : i32
      %add3A_120 = arith.addi %mul3A_119, %add3A : i32
      %mul3A_121 = arith.constant 128 : i32
      %mul3A_122 = arith.muli %add3A_120, %mul3A_121 : i32
      %multiple_of3A_123 = tpu.assume_multiple %mul3A_122, 128 : i32
      %dma_start3A_124 = tpu.memref_slice %arg3[%multiple_of3A_123] : memref<320000xi32, #tpu.memory_space<hbm>> -> memref<128xi32, #tpu.memory_space<hbm>>
      %dma_start3A_125 = tpu.memref_slice %arg3[%multiple_of3A_123] : memref<320000xi32, #tpu.memory_space<hbm>> -> memref<128xi32, #tpu.memory_space<hbm>>
      tpu.enqueue_dma source(%dma_start3A_125 : memref<128xi32, #tpu.memory_space<hbm>>) target(%arg8 : memref<128xi32, #tpu.memory_space<vmem>>) target_semaphore(%arg20 : memref<!tpu.dma_semaphore, #tpu.memory_space<semaphore_mem>>)
      %dma_start3A_126 = tpu.memref_slice %arg4[%multiple_of3A_123] : memref<320000xi32, #tpu.memory_space<hbm>> -> memref<128xi32, #tpu.memory_space<hbm>>
      %dma_start3A_127 = tpu.memref_slice %arg4[%multiple_of3A_123] : memref<320000xi32, #tpu.memory_space<hbm>> -> memref<128xi32, #tpu.memory_space<hbm>>
      tpu.enqueue_dma source(%dma_start3A_127 : memref<128xi32, #tpu.memory_space<hbm>>) target(%arg10 : memref<128xi32, #tpu.memory_space<vmem>>) target_semaphore(%arg20 : memref<!tpu.dma_semaphore, #tpu.memory_space<semaphore_mem>>)
      %mul3A_128 = arith.constant 2 : i32
      %mul3A_129 = arith.muli %mul3A_128, %add3A_76 : i32
      %add3A_130 = arith.constant 2 : i32
      %add3A_131 = arith.addi %mul3A_129, %add3A_130 : i32
      %mul3A_132 = arith.constant 32 : i32
      %mul3A_133 = arith.muli %add3A_131, %mul3A_132 : i32
      %add3A_134 = arith.addi %mul3A_133, %add3A : i32
      %mul3A_135 = arith.constant 128 : i32
      %mul3A_136 = arith.muli %add3A_134, %mul3A_135 : i32
      %multiple_of3A_137 = tpu.assume_multiple %mul3A_136, 128 : i32
      %dma_wait3A_138 = tpu.memref_slice %arg3[%multiple_of3A_137] : memref<320000xi32, #tpu.memory_space<hbm>> -> memref<128xi32, #tpu.memory_space<hbm>>
      %dma_wait3A_139 = tpu.memref_slice %arg3[%multiple_of3A_137] : memref<320000xi32, #tpu.memory_space<hbm>> -> memref<128xi32, #tpu.memory_space<hbm>>
      tpu.wait_dma2 semaphore(%arg19 : memref<!tpu.dma_semaphore, #tpu.memory_space<semaphore_mem>>) src(%dma_wait3A_139 : memref<128xi32, #tpu.memory_space<hbm>>) dst(%arg7 : memref<128xi32, #tpu.memory_space<vmem>>)
      %dma_wait3A_140 = tpu.memref_slice %arg4[%multiple_of3A_137] : memref<320000xi32, #tpu.memory_space<hbm>> -> memref<128xi32, #tpu.memory_space<hbm>>
      %dma_wait3A_141 = tpu.memref_slice %arg4[%multiple_of3A_137] : memref<320000xi32, #tpu.memory_space<hbm>> -> memref<128xi32, #tpu.memory_space<hbm>>
      tpu.wait_dma2 semaphore(%arg19 : memref<!tpu.dma_semaphore, #tpu.memory_space<semaphore_mem>>) src(%dma_wait3A_141 : memref<128xi32, #tpu.memory_space<hbm>>) dst(%arg9 : memref<128xi32, #tpu.memory_space<vmem>>)
      %dma_start3A_142 = arith.constant 0 : i32
      %dma_start3A_143 = arith.constant 0 : i32
      %dma_start3A_144 = tpu.memref_slice %arg2[%dma_start3A_142, %dma_start3A_143] : memref<10000x128xf32, #tpu.memory_space<hbm>> -> memref<10000x128xf32, #tpu.memory_space<hbm>>
      tpu.enqueue_indirect_dma source(%dma_start3A_144 : memref<10000x128xf32, #tpu.memory_space<hbm>>) target(%arg12 : memref<128x128xf32, #tpu.memory_space<vmem>>) offsets(%arg7 : memref<128xi32, #tpu.memory_space<vmem>>) semaphore(%arg17 : memref<!tpu.dma_semaphore, #tpu.memory_space<semaphore_mem>>)
    }
    %scan3A_37 = arith.constant 38 : i32
    %add3A_38 = arith.constant 2464 : i32
    %add3A_39 = arith.addi %add3A_38, %add3A : i32
    %mul3A_40 = arith.constant 128 : i32
    %mul3A_41 = arith.muli %add3A_39, %mul3A_40 : i32
    %multiple_of3A_42 = tpu.assume_multiple %mul3A_41, 128 : i32
    %dma_wait3A_43 = tpu.memref_slice %arg3[%multiple_of3A_42] : memref<320000xi32, #tpu.memory_space<hbm>> -> memref<128xi32, #tpu.memory_space<hbm>>
    %dma_wait3A_44 = tpu.memref_slice %arg3[%multiple_of3A_42] : memref<320000xi32, #tpu.memory_space<hbm>> -> memref<128xi32, #tpu.memory_space<hbm>>
    tpu.wait_dma2 semaphore(%arg20 : memref<!tpu.dma_semaphore, #tpu.memory_space<semaphore_mem>>) src(%dma_wait3A_44 : memref<128xi32, #tpu.memory_space<hbm>>) dst(%arg8 : memref<128xi32, #tpu.memory_space<vmem>>)
    %dma_wait3A_45 = tpu.memref_slice %arg4[%multiple_of3A_42] : memref<320000xi32, #tpu.memory_space<hbm>> -> memref<128xi32, #tpu.memory_space<hbm>>
    %dma_wait3A_46 = tpu.memref_slice %arg4[%multiple_of3A_42] : memref<320000xi32, #tpu.memory_space<hbm>> -> memref<128xi32, #tpu.memory_space<hbm>>
    tpu.wait_dma2 semaphore(%arg20 : memref<!tpu.dma_semaphore, #tpu.memory_space<semaphore_mem>>) src(%dma_wait3A_46 : memref<128xi32, #tpu.memory_space<hbm>>) dst(%arg10 : memref<128xi32, #tpu.memory_space<vmem>>)
    %dma_start3A_47 = arith.constant 0 : i32
    %dma_start3A_48 = arith.constant 0 : i32
    %dma_start3A_49 = tpu.memref_slice %arg2[%dma_start3A_47, %dma_start3A_48] : memref<10000x128xf32, #tpu.memory_space<hbm>> -> memref<10000x128xf32, #tpu.memory_space<hbm>>
    tpu.enqueue_indirect_dma source(%dma_start3A_49 : memref<10000x128xf32, #tpu.memory_space<hbm>>) target(%arg13 : memref<128x128xf32, #tpu.memory_space<vmem>>) offsets(%arg8 : memref<128xi32, #tpu.memory_space<vmem>>) semaphore(%arg18 : memref<!tpu.dma_semaphore, #tpu.memory_space<semaphore_mem>>)
    %dma_wait3A_50 = arith.constant 0 : i32
    %dma_wait3A_51 = arith.constant 0 : i32
    %dma_wait3A_52 = tpu.memref_slice %arg2[%dma_wait3A_50, %dma_wait3A_51] : memref<10000x128xf32, #tpu.memory_space<hbm>> -> memref<10000x128xf32, #tpu.memory_space<hbm>>
    tpu.wait_indirect_dma semaphore(%arg17 : memref<!tpu.dma_semaphore, #tpu.memory_space<semaphore_mem>>) src(%dma_wait3A_52 : memref<10000x128xf32, #tpu.memory_space<hbm>>) dst(%arg12 : memref<128x128xf32, #tpu.memory_space<vmem>>)
    "tpu.region"() ({
      %run_scoped3A = tpu.sem_alloc : memref<!tpu.dma_semaphore, #tpu.memory_space<semaphore_mem>>
      %dma_start3A_72 = arith.constant 0 : i32
      %dma_start3A_73 = arith.constant 0 : i32
      %dma_start3A_74 = tpu.memref_slice %arg15[%dma_start3A_72, %dma_start3A_73] : memref<10000x128xf32, #tpu.memory_space<vmem_shared>> -> memref<10000x128xf32, #tpu.memory_space<vmem_shared>>
      tpu.enqueue_indirect_dma source(%arg12 : memref<128x128xf32, #tpu.memory_space<vmem>>) target(%dma_start3A_74 : memref<10000x128xf32, #tpu.memory_space<vmem_shared>>) offsets(%arg9 : memref<128xi32, #tpu.memory_space<vmem>>) semaphore(%run_scoped3A : memref<!tpu.dma_semaphore, #tpu.memory_space<semaphore_mem>>) {add = true}
      %dma_wait3A_75 = arith.constant 0 : i32
      %dma_wait3A_76 = arith.constant 0 : i32
      %dma_wait3A_77 = tpu.memref_slice %arg15[%dma_wait3A_75, %dma_wait3A_76] : memref<10000x128xf32, #tpu.memory_space<vmem_shared>> -> memref<10000x128xf32, #tpu.memory_space<vmem_shared>>
      tpu.wait_indirect_dma semaphore(%run_scoped3A : memref<!tpu.dma_semaphore, #tpu.memory_space<semaphore_mem>>) src(%arg12 : memref<128x128xf32, #tpu.memory_space<vmem>>) dst(%dma_wait3A_77 : memref<10000x128xf32, #tpu.memory_space<vmem_shared>>)
      tpu.yield
    }) : () -> ()
    %dma_wait3A_53 = arith.constant 0 : i32
    %dma_wait3A_54 = arith.constant 0 : i32
    %dma_wait3A_55 = tpu.memref_slice %arg2[%dma_wait3A_53, %dma_wait3A_54] : memref<10000x128xf32, #tpu.memory_space<hbm>> -> memref<10000x128xf32, #tpu.memory_space<hbm>>
    tpu.wait_indirect_dma semaphore(%arg18 : memref<!tpu.dma_semaphore, #tpu.memory_space<semaphore_mem>>) src(%dma_wait3A_55 : memref<10000x128xf32, #tpu.memory_space<hbm>>) dst(%arg13 : memref<128x128xf32, #tpu.memory_space<vmem>>)
    "tpu.region"() ({
      %run_scoped3A = tpu.sem_alloc : memref<!tpu.dma_semaphore, #tpu.memory_space<semaphore_mem>>
      %dma_start3A_72 = arith.constant 0 : i32
      %dma_start3A_73 = arith.constant 0 : i32
      %dma_start3A_74 = tpu.memref_slice %arg15[%dma_start3A_72, %dma_start3A_73] : memref<10000x128xf32, #tpu.memory_space<vmem_shared>> -> memref<10000x128xf32, #tpu.memory_space<vmem_shared>>
      tpu.enqueue_indirect_dma source(%arg13 : memref<128x128xf32, #tpu.memory_space<vmem>>) target(%dma_start3A_74 : memref<10000x128xf32, #tpu.memory_space<vmem_shared>>) offsets(%arg10 : memref<128xi32, #tpu.memory_space<vmem>>) semaphore(%run_scoped3A : memref<!tpu.dma_semaphore, #tpu.memory_space<semaphore_mem>>) {add = true}
      %dma_wait3A_75 = arith.constant 0 : i32
      %dma_wait3A_76 = arith.constant 0 : i32
      %dma_wait3A_77 = tpu.memref_slice %arg15[%dma_wait3A_75, %dma_wait3A_76] : memref<10000x128xf32, #tpu.memory_space<vmem_shared>> -> memref<10000x128xf32, #tpu.memory_space<vmem_shared>>
      tpu.wait_indirect_dma semaphore(%run_scoped3A : memref<!tpu.dma_semaphore, #tpu.memory_space<semaphore_mem>>) src(%arg13 : memref<128x128xf32, #tpu.memory_space<vmem>>) dst(%dma_wait3A_77 : memref<10000x128xf32, #tpu.memory_space<vmem_shared>>)
      tpu.yield
    }) : () -> ()
    %lt3A_56 = arith.constant 4 : i32
    %lt3A_57 = arith.cmpi slt, %add3A, %lt3A_56 : i32
    %convert_element_type3A_58 = arith.extui %lt3A_57 : i1 to i32
    %cond3A_59 = arith.constant 0 : i32
    %cond3A_60 = arith.cmpi ne, %convert_element_type3A_58, %cond3A_59 : i32
    scf.if %cond3A_60 {
      %add3A_72 = arith.constant 2496 : i32
      %add3A_73 = arith.addi %add3A_72, %add3A : i32
      %mul3A_74 = arith.constant 128 : i32
      %mul3A_75 = arith.muli %add3A_73, %mul3A_74 : i32
      %multiple_of3A_76 = tpu.assume_multiple %mul3A_75, 128 : i32
      %dma_start3A_77 = tpu.memref_slice %arg3[%multiple_of3A_76] : memref<320000xi32, #tpu.memory_space<hbm>> -> memref<128xi32, #tpu.memory_space<hbm>>
      %dma_start3A_78 = tpu.memref_slice %arg3[%multiple_of3A_76] : memref<320000xi32, #tpu.memory_space<hbm>> -> memref<128xi32, #tpu.memory_space<hbm>>
      tpu.enqueue_dma source(%dma_start3A_78 : memref<128xi32, #tpu.memory_space<hbm>>) target(%arg7 : memref<128xi32, #tpu.memory_space<vmem>>) target_semaphore(%arg19 : memref<!tpu.dma_semaphore, #tpu.memory_space<semaphore_mem>>)
      %dma_start3A_79 = tpu.memref_slice %arg4[%multiple_of3A_76] : memref<320000xi32, #tpu.memory_space<hbm>> -> memref<128xi32, #tpu.memory_space<hbm>>
      %dma_start3A_80 = tpu.memref_slice %arg4[%multiple_of3A_76] : memref<320000xi32, #tpu.memory_space<hbm>> -> memref<128xi32, #tpu.memory_space<hbm>>
      tpu.enqueue_dma source(%dma_start3A_80 : memref<128xi32, #tpu.memory_space<hbm>>) target(%arg9 : memref<128xi32, #tpu.memory_space<vmem>>) target_semaphore(%arg19 : memref<!tpu.dma_semaphore, #tpu.memory_space<semaphore_mem>>)
      %add3A_81 = arith.constant 2496 : i32
      %add3A_82 = arith.addi %add3A_81, %add3A : i32
      %mul3A_83 = arith.constant 128 : i32
      %mul3A_84 = arith.muli %add3A_82, %mul3A_83 : i32
      %multiple_of3A_85 = tpu.assume_multiple %mul3A_84, 128 : i32
      %dma_wait3A_86 = tpu.memref_slice %arg3[%multiple_of3A_85] : memref<320000xi32, #tpu.memory_space<hbm>> -> memref<128xi32, #tpu.memory_space<hbm>>
      %dma_wait3A_87 = tpu.memref_slice %arg3[%multiple_of3A_85] : memref<320000xi32, #tpu.memory_space<hbm>> -> memref<128xi32, #tpu.memory_space<hbm>>
      tpu.wait_dma2 semaphore(%arg19 : memref<!tpu.dma_semaphore, #tpu.memory_space<semaphore_mem>>) src(%dma_wait3A_87 : memref<128xi32, #tpu.memory_space<hbm>>) dst(%arg7 : memref<128xi32, #tpu.memory_space<vmem>>)
      %dma_wait3A_88 = tpu.memref_slice %arg4[%multiple_of3A_85] : memref<320000xi32, #tpu.memory_space<hbm>> -> memref<128xi32, #tpu.memory_space<hbm>>
      %dma_wait3A_89 = tpu.memref_slice %arg4[%multiple_of3A_85] : memref<320000xi32, #tpu.memory_space<hbm>> -> memref<128xi32, #tpu.memory_space<hbm>>
      tpu.wait_dma2 semaphore(%arg19 : memref<!tpu.dma_semaphore, #tpu.memory_space<semaphore_mem>>) src(%dma_wait3A_89 : memref<128xi32, #tpu.memory_space<hbm>>) dst(%arg9 : memref<128xi32, #tpu.memory_space<vmem>>)
      %dma_start3A_90 = arith.constant 0 : i32
      %dma_start3A_91 = arith.constant 0 : i32
      %dma_start3A_92 = tpu.memref_slice %arg2[%dma_start3A_90, %dma_start3A_91] : memref<10000x128xf32, #tpu.memory_space<hbm>> -> memref<10000x128xf32, #tpu.memory_space<hbm>>
      tpu.enqueue_indirect_dma source(%dma_start3A_92 : memref<10000x128xf32, #tpu.memory_space<hbm>>) target(%arg12 : memref<128x128xf32, #tpu.memory_space<vmem>>) offsets(%arg7 : memref<128xi32, #tpu.memory_space<vmem>>) semaphore(%arg17 : memref<!tpu.dma_semaphore, #tpu.memory_space<semaphore_mem>>)
      %dma_wait3A_93 = arith.constant 0 : i32
      %dma_wait3A_94 = arith.constant 0 : i32
      %dma_wait3A_95 = tpu.memref_slice %arg2[%dma_wait3A_93, %dma_wait3A_94] : memref<10000x128xf32, #tpu.memory_space<hbm>> -> memref<10000x128xf32, #tpu.memory_space<hbm>>
      tpu.wait_indirect_dma semaphore(%arg17 : memref<!tpu.dma_semaphore, #tpu.memory_space<semaphore_mem>>) src(%dma_wait3A_95 : memref<10000x128xf32, #tpu.memory_space<hbm>>) dst(%arg12 : memref<128x128xf32, #tpu.memory_space<vmem>>)
      "tpu.region"() ({
        %run_scoped3A = tpu.sem_alloc : memref<!tpu.dma_semaphore, #tpu.memory_space<semaphore_mem>>
        %dma_start3A_96 = arith.constant 0 : i32
        %dma_start3A_97 = arith.constant 0 : i32
        %dma_start3A_98 = tpu.memref_slice %arg15[%dma_start3A_96, %dma_start3A_97] : memref<10000x128xf32, #tpu.memory_space<vmem_shared>> -> memref<10000x128xf32, #tpu.memory_space<vmem_shared>>
        tpu.enqueue_indirect_dma source(%arg12 : memref<128x128xf32, #tpu.memory_space<vmem>>) target(%dma_start3A_98 : memref<10000x128xf32, #tpu.memory_space<vmem_shared>>) offsets(%arg9 : memref<128xi32, #tpu.memory_space<vmem>>) semaphore(%run_scoped3A : memref<!tpu.dma_semaphore, #tpu.memory_space<semaphore_mem>>) {add = true}
        %dma_wait3A_99 = arith.constant 0 : i32
        %dma_wait3A_100 = arith.constant 0 : i32
        %dma_wait3A_101 = tpu.memref_slice %arg15[%dma_wait3A_99, %dma_wait3A_100] : memref<10000x128xf32, #tpu.memory_space<vmem_shared>> -> memref<10000x128xf32, #tpu.memory_space<vmem_shared>>
        tpu.wait_indirect_dma semaphore(%run_scoped3A : memref<!tpu.dma_semaphore, #tpu.memory_space<semaphore_mem>>) src(%arg12 : memref<128x128xf32, #tpu.memory_space<vmem>>) dst(%dma_wait3A_101 : memref<10000x128xf32, #tpu.memory_space<vmem_shared>>)
        tpu.yield
      }) : () -> ()
    } else {
    }
    %barrier3A_61 = arith.constant 0 : index
    tpu.barrier barrier_id(%barrier3A_61)
    %scan3A_62 = arith.constant 0 : i32
    %scan3A_63 = arith.constant 7 : i32
    %scan3A_64 = arith.addi %scan3A_62, %scan3A_63 : i32
    %scan3A_65 = arith.constant 1 : i32
    scf.for %scan3A_72 = %scan3A_62 to %scan3A_64 step %scan3A_65  : i32 {
      %mul3A_73 = arith.constant 1 : i32
      %mul3A_74 = arith.muli %scan3A_72, %mul3A_73 : i32
      %add3A_75 = arith.constant 0 : i32
      %add3A_76 = arith.addi %add3A_75, %mul3A_74 : i32
      %mul3A_77 = arith.constant 16 : i32
      %mul3A_78 = arith.muli %add3A_76, %mul3A_77 : i32
      %add3A_79 = arith.addi %mul3A_78, %arg1 : i32
      %mul3A_80 = arith.constant 80 : i32
      %mul3A_81 = arith.muli %add3A_79, %mul3A_80 : i32
      %multiple_of3A_82 = tpu.assume_multiple %mul3A_81, 8 : i32
      "tpu.region"() ({
        %run_scoped3A = tpu.sem_alloc : memref<!tpu.dma_semaphore, #tpu.memory_space<semaphore_mem>>
        %dma_start3A_83 = arith.constant 0 : i32
        %dma_start3A_84 = tpu.memref_slice %arg6[%arg0, %multiple_of3A_82, %dma_start3A_83] : memref<2x10000x128xf32, #tpu.memory_space<hbm>> -> memref<1x80x128xf32, #tpu.memory_space<hbm>>
        %dma_start3A_85 = tpu.memref_squeeze %dma_start3A_84 : memref<1x80x128xf32, #tpu.memory_space<hbm>> -> memref<80x128xf32, #tpu.memory_space<hbm>>
        %dma_start3A_86 = arith.constant 0 : i32
        %dma_start3A_87 = tpu.memref_slice %arg15[%multiple_of3A_82, %dma_start3A_86] : memref<10000x128xf32, #tpu.memory_space<vmem_shared>> -> memref<80x128xf32, #tpu.memory_space<vmem_shared>>
        tpu.enqueue_dma source(%dma_start3A_87 : memref<80x128xf32, #tpu.memory_space<vmem_shared>>) target(%dma_start3A_85 : memref<80x128xf32, #tpu.memory_space<hbm>>) target_semaphore(%run_scoped3A : memref<!tpu.dma_semaphore, #tpu.memory_space<semaphore_mem>>)
        %dma_wait3A_88 = arith.constant 0 : i32
        %dma_wait3A_89 = tpu.memref_slice %arg6[%arg0, %multiple_of3A_82, %dma_wait3A_88] : memref<2x10000x128xf32, #tpu.memory_space<hbm>> -> memref<1x80x128xf32, #tpu.memory_space<hbm>>
        %dma_wait3A_90 = tpu.memref_squeeze %dma_wait3A_89 : memref<1x80x128xf32, #tpu.memory_space<hbm>> -> memref<80x128xf32, #tpu.memory_space<hbm>>
        %dma_wait3A_91 = arith.constant 0 : i32
        %dma_wait3A_92 = tpu.memref_slice %arg15[%multiple_of3A_82, %dma_wait3A_91] : memref<10000x128xf32, #tpu.memory_space<vmem_shared>> -> memref<80x128xf32, #tpu.memory_space<vmem_shared>>
        tpu.wait_dma2 semaphore(%run_scoped3A : memref<!tpu.dma_semaphore, #tpu.memory_space<semaphore_mem>>) src(%dma_wait3A_92 : memref<80x128xf32, #tpu.memory_space<vmem_shared>>) dst(%dma_wait3A_90 : memref<80x128xf32, #tpu.memory_space<hbm>>)
        tpu.yield
      }) : () -> ()
    }
    %scan3A_66 = arith.constant 7 : i32
    %lt3A_67 = arith.constant 13 : i32
    %lt3A_68 = arith.cmpi slt, %arg1, %lt3A_67 : i32
    %convert_element_type3A_69 = arith.extui %lt3A_68 : i1 to i32
    %cond3A_70 = arith.constant 0 : i32
    %cond3A_71 = arith.cmpi ne, %convert_element_type3A_69, %cond3A_70 : i32
    scf.if %cond3A_71 {
      %add3A_72 = arith.constant 112 : i32
      %add3A_73 = arith.addi %add3A_72, %arg1 : i32
      %mul3A_74 = arith.constant 80 : i32
      %mul3A_75 = arith.muli %add3A_73, %mul3A_74 : i32
      %multiple_of3A_76 = tpu.assume_multiple %mul3A_75, 8 : i32
      "tpu.region"() ({
        %run_scoped3A = tpu.sem_alloc : memref<!tpu.dma_semaphore, #tpu.memory_space<semaphore_mem>>
        %dma_start3A_77 = arith.constant 0 : i32
        %dma_start3A_78 = tpu.memref_slice %arg6[%arg0, %multiple_of3A_76, %dma_start3A_77] : memref<2x10000x128xf32, #tpu.memory_space<hbm>> -> memref<1x80x128xf32, #tpu.memory_space<hbm>>
        %dma_start3A_79 = tpu.memref_squeeze %dma_start3A_78 : memref<1x80x128xf32, #tpu.memory_space<hbm>> -> memref<80x128xf32, #tpu.memory_space<hbm>>
        %dma_start3A_80 = arith.constant 0 : i32
        %dma_start3A_81 = tpu.memref_slice %arg15[%multiple_of3A_76, %dma_start3A_80] : memref<10000x128xf32, #tpu.memory_space<vmem_shared>> -> memref<80x128xf32, #tpu.memory_space<vmem_shared>>
        tpu.enqueue_dma source(%dma_start3A_81 : memref<80x128xf32, #tpu.memory_space<vmem_shared>>) target(%dma_start3A_79 : memref<80x128xf32, #tpu.memory_space<hbm>>) target_semaphore(%run_scoped3A : memref<!tpu.dma_semaphore, #tpu.memory_space<semaphore_mem>>)
        %dma_wait3A_82 = arith.constant 0 : i32
        %dma_wait3A_83 = tpu.memref_slice %arg6[%arg0, %multiple_of3A_76, %dma_wait3A_82] : memref<2x10000x128xf32, #tpu.memory_space<hbm>> -> memref<1x80x128xf32, #tpu.memory_space<hbm>>
        %dma_wait3A_84 = tpu.memref_squeeze %dma_wait3A_83 : memref<1x80x128xf32, #tpu.memory_space<hbm>> -> memref<80x128xf32, #tpu.memory_space<hbm>>
        %dma_wait3A_85 = arith.constant 0 : i32
        %dma_wait3A_86 = tpu.memref_slice %arg15[%multiple_of3A_76, %dma_wait3A_85] : memref<10000x128xf32, #tpu.memory_space<vmem_shared>> -> memref<80x128xf32, #tpu.memory_space<vmem_shared>>
        tpu.wait_dma2 semaphore(%run_scoped3A : memref<!tpu.dma_semaphore, #tpu.memory_space<semaphore_mem>>) src(%dma_wait3A_86 : memref<80x128xf32, #tpu.memory_space<vmem_shared>>) dst(%dma_wait3A_84 : memref<80x128xf32, #tpu.memory_space<hbm>>)
        tpu.yield
      }) : () -> ()
    } else {
    }
    return
  }
}

#map = affine_map<(d0, d1) -> (0, 0)>
#map1 = affine_map<(d0, d1) -> (0)>
#map2 = affine_map<(d0, d1) -> (0, 0, 0)>
module attributes {stable_mosaic.version = 14 : i64} {
  func.func @body(%arg0: i32, %arg1: i32, %arg2: memref<10000x128xf32, #tpu.memory_space<hbm>>, %arg3: memref<320000xi32, #tpu.memory_space<hbm>>, %arg4: memref<320000xi32, #tpu.memory_space<hbm>>, %arg5: memref<80x128xf32, #tpu.memory_space<hbm>>, %arg6: memref<2x10320x128xf32, #tpu.memory_space<hbm>>, %arg7: memref<128xi32, #tpu.memory_space<vmem>>, %arg8: memref<128xi32, #tpu.memory_space<vmem>>, %arg9: memref<128xi32, #tpu.memory_space<vmem>>, %arg10: memref<128xi32, #tpu.memory_space<vmem>>, %arg11: memref<64xi32, #tpu.memory_space<vmem>>, %arg12: memref<128x128xf32, #tpu.memory_space<vmem>>, %arg13: memref<128x128xf32, #tpu.memory_space<vmem>>, %arg14: memref<64x128xf32, #tpu.memory_space<vmem>>, %arg15: memref<10000x128xf32, #tpu.memory_space<vmem_shared>>, %arg16: memref<320x128xf32, #tpu.memory_space<vmem_shared>>, %arg17: memref<!tpu.dma_semaphore, #tpu.memory_space<semaphore_mem>>, %arg18: memref<!tpu.dma_semaphore, #tpu.memory_space<semaphore_mem>>, %arg19: memref<!tpu.dma_semaphore, #tpu.memory_space<semaphore_mem>>, %arg20: memref<!tpu.dma_semaphore, #tpu.memory_space<semaphore_mem>>) attributes {dimension_semantics = [#tpu.dimension_semantics<core_parallel>, #tpu.dimension_semantics<subcore_parallel>], iteration_bounds = array<i64: 2, 16>, scalar_prefetch = 0 : i64, scratch_operands = 14 : i64, tpu.core_type = #tpu.core_type<sc_vector_subcore>, window_params = [{transform_indices = #map}, {transform_indices = #map1}, {transform_indices = #map1}, {transform_indices = #map}, {transform_indices = #map2}]} {
    %mul3A = arith.constant 2 : i32
    %mul3A_0 = arith.muli %arg1, %mul3A : i32
    %add3A = arith.addi %mul3A_0, %arg0 : i32
    %scan3A = arith.constant 0 : i32
    %scan3A_1 = arith.constant 7 : i32
    %scan3A_2 = arith.addi %scan3A, %scan3A_1 : i32
    %scan3A_3 = arith.constant 1 : i32
    scf.for %scan3A_517 = %scan3A to %scan3A_2 step %scan3A_3  : i32 {
      %mul3A_518 = arith.constant 1 : i32
      %mul3A_519 = arith.muli %scan3A_517, %mul3A_518 : i32
      %add3A_520 = arith.constant 0 : i32
      %add3A_521 = arith.addi %add3A_520, %mul3A_519 : i32
      %mul3A_522 = arith.constant 16 : i32
      %mul3A_523 = arith.muli %add3A_521, %mul3A_522 : i32
      %add3A_524 = arith.addi %mul3A_523, %arg1 : i32
      %mul3A_525 = arith.constant 80 : i32
      %mul3A_526 = arith.muli %add3A_524, %mul3A_525 : i32
      %multiple_of3A_527 = tpu.assume_multiple %mul3A_526, 8 : i32
      "tpu.region"() ({
        %run_scoped3A = tpu.sem_alloc : memref<!tpu.dma_semaphore, #tpu.memory_space<semaphore_mem>>
        %dma_start3A_528 = arith.constant 0 : i32
        %dma_start3A_529 = tpu.memref_slice %arg15[%multiple_of3A_527, %dma_start3A_528] : memref<10000x128xf32, #tpu.memory_space<vmem_shared>> -> memref<80x128xf32, #tpu.memory_space<vmem_shared>>
        tpu.enqueue_dma source(%arg5 : memref<80x128xf32, #tpu.memory_space<hbm>>) target(%dma_start3A_529 : memref<80x128xf32, #tpu.memory_space<vmem_shared>>) target_semaphore(%run_scoped3A : memref<!tpu.dma_semaphore, #tpu.memory_space<semaphore_mem>>)
        %dma_wait3A_530 = arith.constant 0 : i32
        %dma_wait3A_531 = tpu.memref_slice %arg15[%multiple_of3A_527, %dma_wait3A_530] : memref<10000x128xf32, #tpu.memory_space<vmem_shared>> -> memref<80x128xf32, #tpu.memory_space<vmem_shared>>
        tpu.wait_dma2 semaphore(%run_scoped3A : memref<!tpu.dma_semaphore, #tpu.memory_space<semaphore_mem>>) src(%arg5 : memref<80x128xf32, #tpu.memory_space<hbm>>) dst(%dma_wait3A_531 : memref<80x128xf32, #tpu.memory_space<vmem_shared>>)
        tpu.yield
      }) : () -> ()
    }
    %scan3A_4 = arith.constant 7 : i32
    %lt3A = arith.constant 13 : i32
    %lt3A_5 = arith.cmpi slt, %arg1, %lt3A : i32
    %convert_element_type3A = arith.extui %lt3A_5 : i1 to i32
    %cond3A = arith.constant 0 : i32
    %cond3A_6 = arith.cmpi ne, %convert_element_type3A, %cond3A : i32
    scf.if %cond3A_6 {
      %add3A_517 = arith.constant 112 : i32
      %add3A_518 = arith.addi %add3A_517, %arg1 : i32
      %mul3A_519 = arith.constant 80 : i32
      %mul3A_520 = arith.muli %add3A_518, %mul3A_519 : i32
      %multiple_of3A_521 = tpu.assume_multiple %mul3A_520, 8 : i32
      "tpu.region"() ({
        %run_scoped3A = tpu.sem_alloc : memref<!tpu.dma_semaphore, #tpu.memory_space<semaphore_mem>>
        %dma_start3A_522 = arith.constant 0 : i32
        %dma_start3A_523 = tpu.memref_slice %arg15[%multiple_of3A_521, %dma_start3A_522] : memref<10000x128xf32, #tpu.memory_space<vmem_shared>> -> memref<80x128xf32, #tpu.memory_space<vmem_shared>>
        tpu.enqueue_dma source(%arg5 : memref<80x128xf32, #tpu.memory_space<hbm>>) target(%dma_start3A_523 : memref<80x128xf32, #tpu.memory_space<vmem_shared>>) target_semaphore(%run_scoped3A : memref<!tpu.dma_semaphore, #tpu.memory_space<semaphore_mem>>)
        %dma_wait3A_524 = arith.constant 0 : i32
        %dma_wait3A_525 = tpu.memref_slice %arg15[%multiple_of3A_521, %dma_wait3A_524] : memref<10000x128xf32, #tpu.memory_space<vmem_shared>> -> memref<80x128xf32, #tpu.memory_space<vmem_shared>>
        tpu.wait_dma2 semaphore(%run_scoped3A : memref<!tpu.dma_semaphore, #tpu.memory_space<semaphore_mem>>) src(%arg5 : memref<80x128xf32, #tpu.memory_space<hbm>>) dst(%dma_wait3A_525 : memref<80x128xf32, #tpu.memory_space<vmem_shared>>)
        tpu.yield
      }) : () -> ()
    } else {
    }
    %lt3A_7 = arith.constant 4 : i32
    %lt3A_8 = arith.cmpi slt, %arg1, %lt3A_7 : i32
    %convert_element_type3A_9 = arith.extui %lt3A_8 : i1 to i32
    %cond3A_10 = arith.constant 0 : i32
    %cond3A_11 = arith.cmpi ne, %convert_element_type3A_9, %cond3A_10 : i32
    scf.if %cond3A_11 {
      %mul3A_517 = arith.constant 80 : i32
      %mul3A_518 = arith.muli %arg1, %mul3A_517 : i32
      %multiple_of3A_519 = tpu.assume_multiple %mul3A_518, 8 : i32
      "tpu.region"() ({
        %run_scoped3A = tpu.sem_alloc : memref<!tpu.dma_semaphore, #tpu.memory_space<semaphore_mem>>
        %dma_start3A_520 = arith.constant 0 : i32
        %dma_start3A_521 = tpu.memref_slice %arg16[%multiple_of3A_519, %dma_start3A_520] : memref<320x128xf32, #tpu.memory_space<vmem_shared>> -> memref<80x128xf32, #tpu.memory_space<vmem_shared>>
        tpu.enqueue_dma source(%arg5 : memref<80x128xf32, #tpu.memory_space<hbm>>) target(%dma_start3A_521 : memref<80x128xf32, #tpu.memory_space<vmem_shared>>) target_semaphore(%run_scoped3A : memref<!tpu.dma_semaphore, #tpu.memory_space<semaphore_mem>>)
        %dma_wait3A_522 = arith.constant 0 : i32
        %dma_wait3A_523 = tpu.memref_slice %arg16[%multiple_of3A_519, %dma_wait3A_522] : memref<320x128xf32, #tpu.memory_space<vmem_shared>> -> memref<80x128xf32, #tpu.memory_space<vmem_shared>>
        tpu.wait_dma2 semaphore(%run_scoped3A : memref<!tpu.dma_semaphore, #tpu.memory_space<semaphore_mem>>) src(%arg5 : memref<80x128xf32, #tpu.memory_space<hbm>>) dst(%dma_wait3A_523 : memref<80x128xf32, #tpu.memory_space<vmem_shared>>)
        tpu.yield
      }) : () -> ()
    } else {
    }
    %broadcast_in_dim3A = arith.constant 0.000000e+00 : f32
    %broadcast_in_dim3A_12 = vector.broadcast %broadcast_in_dim3A : f32 to vector<16xf32>
    %scan3A_13 = arith.constant 0 : i32
    %scan3A_14 = arith.constant 64 : i32
    %scan3A_15 = arith.addi %scan3A_13, %scan3A_14 : i32
    %scan3A_16 = arith.constant 1 : i32
    scf.for %scan3A_517 = %scan3A_13 to %scan3A_15 step %scan3A_16  : i32 {
      %mul3A_518 = arith.constant 1 : i32
      %mul3A_519 = arith.muli %scan3A_517, %mul3A_518 : i32
      %add3A_520 = arith.constant 0 : i32
      %add3A_521 = arith.addi %add3A_520, %mul3A_519 : i32
      %swap3A_522 = arith.index_cast %add3A_521 : i32 to index
      %swap3A_523 = arith.constant 0 : index
      %swap3A_524 = tpu.vector_load %arg14[%swap3A_522, %swap3A_523] {strides = array<i32>} : memref<64x128xf32, #tpu.memory_space<vmem>>, vector<16xf32>,
      tpu.vector_store %arg14[%swap3A_522, %swap3A_523], %broadcast_in_dim3A_12 {strides = array<i32>} : memref<64x128xf32, #tpu.memory_space<vmem>>, vector<16xf32>,
      %swap3A_525 = arith.index_cast %add3A_521 : i32 to index
      %swap3A_526 = arith.constant 16 : index
      %swap3A_527 = tpu.vector_load %arg14[%swap3A_525, %swap3A_526] {strides = array<i32>} : memref<64x128xf32, #tpu.memory_space<vmem>>, vector<16xf32>,
      tpu.vector_store %arg14[%swap3A_525, %swap3A_526], %broadcast_in_dim3A_12 {strides = array<i32>} : memref<64x128xf32, #tpu.memory_space<vmem>>, vector<16xf32>,
      %swap3A_528 = arith.index_cast %add3A_521 : i32 to index
      %swap3A_529 = arith.constant 32 : index
      %swap3A_530 = tpu.vector_load %arg14[%swap3A_528, %swap3A_529] {strides = array<i32>} : memref<64x128xf32, #tpu.memory_space<vmem>>, vector<16xf32>,
      tpu.vector_store %arg14[%swap3A_528, %swap3A_529], %broadcast_in_dim3A_12 {strides = array<i32>} : memref<64x128xf32, #tpu.memory_space<vmem>>, vector<16xf32>,
      %swap3A_531 = arith.index_cast %add3A_521 : i32 to index
      %swap3A_532 = arith.constant 48 : index
      %swap3A_533 = tpu.vector_load %arg14[%swap3A_531, %swap3A_532] {strides = array<i32>} : memref<64x128xf32, #tpu.memory_space<vmem>>, vector<16xf32>,
      tpu.vector_store %arg14[%swap3A_531, %swap3A_532], %broadcast_in_dim3A_12 {strides = array<i32>} : memref<64x128xf32, #tpu.memory_space<vmem>>, vector<16xf32>,
      %swap3A_534 = arith.index_cast %add3A_521 : i32 to index
      %swap3A_535 = arith.constant 64 : index
      %swap3A_536 = tpu.vector_load %arg14[%swap3A_534, %swap3A_535] {strides = array<i32>} : memref<64x128xf32, #tpu.memory_space<vmem>>, vector<16xf32>,
      tpu.vector_store %arg14[%swap3A_534, %swap3A_535], %broadcast_in_dim3A_12 {strides = array<i32>} : memref<64x128xf32, #tpu.memory_space<vmem>>, vector<16xf32>,
      %swap3A_537 = arith.index_cast %add3A_521 : i32 to index
      %swap3A_538 = arith.constant 80 : index
      %swap3A_539 = tpu.vector_load %arg14[%swap3A_537, %swap3A_538] {strides = array<i32>} : memref<64x128xf32, #tpu.memory_space<vmem>>, vector<16xf32>,
      tpu.vector_store %arg14[%swap3A_537, %swap3A_538], %broadcast_in_dim3A_12 {strides = array<i32>} : memref<64x128xf32, #tpu.memory_space<vmem>>, vector<16xf32>,
      %swap3A_540 = arith.index_cast %add3A_521 : i32 to index
      %swap3A_541 = arith.constant 96 : index
      %swap3A_542 = tpu.vector_load %arg14[%swap3A_540, %swap3A_541] {strides = array<i32>} : memref<64x128xf32, #tpu.memory_space<vmem>>, vector<16xf32>,
      tpu.vector_store %arg14[%swap3A_540, %swap3A_541], %broadcast_in_dim3A_12 {strides = array<i32>} : memref<64x128xf32, #tpu.memory_space<vmem>>, vector<16xf32>,
      %swap3A_543 = arith.index_cast %add3A_521 : i32 to index
      %swap3A_544 = arith.constant 112 : index
      %swap3A_545 = tpu.vector_load %arg14[%swap3A_543, %swap3A_544] {strides = array<i32>} : memref<64x128xf32, #tpu.memory_space<vmem>>, vector<16xf32>,
      tpu.vector_store %arg14[%swap3A_543, %swap3A_544], %broadcast_in_dim3A_12 {strides = array<i32>} : memref<64x128xf32, #tpu.memory_space<vmem>>, vector<16xf32>,
    }
    %scan3A_17 = arith.constant 64 : i32
    %barrier3A = arith.constant 0 : index
    tpu.barrier barrier_id(%barrier3A)
    %iota3A = tpu.iota {dimensions = array<i32: 0>} : vector<16xi32>
    %broadcast_in_dim3A_18 = arith.constant 1.000000e+00 : f32
    %broadcast_in_dim3A_19 = vector.broadcast %broadcast_in_dim3A_18 : f32 to vector<16xf32>
    %broadcast_in_dim3A_20 = arith.constant 0.000000e+00 : f32
    %broadcast_in_dim3A_21 = vector.broadcast %broadcast_in_dim3A_20 : f32 to vector<16xf32>
    %mul3A_22 = arith.constant 128 : i32
    %mul3A_23 = arith.muli %add3A, %mul3A_22 : i32
    %multiple_of3A = tpu.assume_multiple %mul3A_23, 128 : i32
    %dma_start3A = tpu.memref_slice %arg3[%multiple_of3A] : memref<320000xi32, #tpu.memory_space<hbm>> -> memref<128xi32, #tpu.memory_space<hbm>>
    %dma_start3A_24 = tpu.memref_slice %arg3[%multiple_of3A] : memref<320000xi32, #tpu.memory_space<hbm>> -> memref<128xi32, #tpu.memory_space<hbm>>
    tpu.enqueue_dma source(%dma_start3A_24 : memref<128xi32, #tpu.memory_space<hbm>>) target(%arg7 : memref<128xi32, #tpu.memory_space<vmem>>) target_semaphore(%arg19 : memref<!tpu.dma_semaphore, #tpu.memory_space<semaphore_mem>>)
    %dma_start3A_25 = tpu.memref_slice %arg4[%multiple_of3A] : memref<320000xi32, #tpu.memory_space<hbm>> -> memref<128xi32, #tpu.memory_space<hbm>>
    %dma_start3A_26 = tpu.memref_slice %arg4[%multiple_of3A] : memref<320000xi32, #tpu.memory_space<hbm>> -> memref<128xi32, #tpu.memory_space<hbm>>
    tpu.enqueue_dma source(%dma_start3A_26 : memref<128xi32, #tpu.memory_space<hbm>>) target(%arg9 : memref<128xi32, #tpu.memory_space<vmem>>) target_semaphore(%arg19 : memref<!tpu.dma_semaphore, #tpu.memory_space<semaphore_mem>>)
    %add3A_27 = arith.constant 32 : i32
    %add3A_28 = arith.addi %add3A_27, %add3A : i32
    %mul3A_29 = arith.constant 128 : i32
    %mul3A_30 = arith.muli %add3A_28, %mul3A_29 : i32
    %multiple_of3A_31 = tpu.assume_multiple %mul3A_30, 128 : i32
    %dma_start3A_32 = tpu.memref_slice %arg3[%multiple_of3A_31] : memref<320000xi32, #tpu.memory_space<hbm>> -> memref<128xi32, #tpu.memory_space<hbm>>
    %dma_start3A_33 = tpu.memref_slice %arg3[%multiple_of3A_31] : memref<320000xi32, #tpu.memory_space<hbm>> -> memref<128xi32, #tpu.memory_space<hbm>>
    tpu.enqueue_dma source(%dma_start3A_33 : memref<128xi32, #tpu.memory_space<hbm>>) target(%arg8 : memref<128xi32, #tpu.memory_space<vmem>>) target_semaphore(%arg20 : memref<!tpu.dma_semaphore, #tpu.memory_space<semaphore_mem>>)
    %dma_start3A_34 = tpu.memref_slice %arg4[%multiple_of3A_31] : memref<320000xi32, #tpu.memory_space<hbm>> -> memref<128xi32, #tpu.memory_space<hbm>>
    %dma_start3A_35 = tpu.memref_slice %arg4[%multiple_of3A_31] : memref<320000xi32, #tpu.memory_space<hbm>> -> memref<128xi32, #tpu.memory_space<hbm>>
    tpu.enqueue_dma source(%dma_start3A_35 : memref<128xi32, #tpu.memory_space<hbm>>) target(%arg10 : memref<128xi32, #tpu.memory_space<vmem>>) target_semaphore(%arg20 : memref<!tpu.dma_semaphore, #tpu.memory_space<semaphore_mem>>)
    %mul3A_36 = arith.constant 128 : i32
    %mul3A_37 = arith.muli %add3A, %mul3A_36 : i32
    %multiple_of3A_38 = tpu.assume_multiple %mul3A_37, 128 : i32
    %dma_wait3A = tpu.memref_slice %arg3[%multiple_of3A_38] : memref<320000xi32, #tpu.memory_space<hbm>> -> memref<128xi32, #tpu.memory_space<hbm>>
    %dma_wait3A_39 = tpu.memref_slice %arg3[%multiple_of3A_38] : memref<320000xi32, #tpu.memory_space<hbm>> -> memref<128xi32, #tpu.memory_space<hbm>>
    tpu.wait_dma2 semaphore(%arg19 : memref<!tpu.dma_semaphore, #tpu.memory_space<semaphore_mem>>) src(%dma_wait3A_39 : memref<128xi32, #tpu.memory_space<hbm>>) dst(%arg7 : memref<128xi32, #tpu.memory_space<vmem>>)
    %dma_wait3A_40 = tpu.memref_slice %arg4[%multiple_of3A_38] : memref<320000xi32, #tpu.memory_space<hbm>> -> memref<128xi32, #tpu.memory_space<hbm>>
    %dma_wait3A_41 = tpu.memref_slice %arg4[%multiple_of3A_38] : memref<320000xi32, #tpu.memory_space<hbm>> -> memref<128xi32, #tpu.memory_space<hbm>>
    tpu.wait_dma2 semaphore(%arg19 : memref<!tpu.dma_semaphore, #tpu.memory_space<semaphore_mem>>) src(%dma_wait3A_41 : memref<128xi32, #tpu.memory_space<hbm>>) dst(%arg9 : memref<128xi32, #tpu.memory_space<vmem>>)
    %dma_start3A_42 = arith.constant 0 : i32
    %dma_start3A_43 = arith.constant 0 : i32
    %dma_start3A_44 = tpu.memref_slice %arg2[%dma_start3A_42, %dma_start3A_43] : memref<10000x128xf32, #tpu.memory_space<hbm>> -> memref<10000x128xf32, #tpu.memory_space<hbm>>
    tpu.enqueue_indirect_dma source(%dma_start3A_44 : memref<10000x128xf32, #tpu.memory_space<hbm>>) target(%arg12 : memref<128x128xf32, #tpu.memory_space<vmem>>) offsets(%arg7 : memref<128xi32, #tpu.memory_space<vmem>>) semaphore(%arg17 : memref<!tpu.dma_semaphore, #tpu.memory_space<semaphore_mem>>)
    %scan3A_45 = arith.constant 0 : i32
    %scan3A_46 = arith.constant 38 : i32
    %scan3A_47 = arith.addi %scan3A_45, %scan3A_46 : i32
    %scan3A_48 = arith.constant 1 : i32
    scf.for %scan3A_517 = %scan3A_45 to %scan3A_47 step %scan3A_48  : i32 {
      %mul3A_518 = arith.constant 1 : i32
      %mul3A_519 = arith.muli %scan3A_517, %mul3A_518 : i32
      %add3A_520 = arith.constant 0 : i32
      %add3A_521 = arith.addi %add3A_520, %mul3A_519 : i32
      %mul3A_522 = arith.constant 2 : i32
      %mul3A_523 = arith.muli %mul3A_522, %add3A_521 : i32
      %add3A_524 = arith.constant 1 : i32
      %add3A_525 = arith.addi %mul3A_523, %add3A_524 : i32
      %mul3A_526 = arith.constant 32 : i32
      %mul3A_527 = arith.muli %add3A_525, %mul3A_526 : i32
      %add3A_528 = arith.addi %mul3A_527, %add3A : i32
      %mul3A_529 = arith.constant 128 : i32
      %mul3A_530 = arith.muli %add3A_528, %mul3A_529 : i32
      %multiple_of3A_531 = tpu.assume_multiple %mul3A_530, 128 : i32
      %dma_wait3A_532 = tpu.memref_slice %arg3[%multiple_of3A_531] : memref<320000xi32, #tpu.memory_space<hbm>> -> memref<128xi32, #tpu.memory_space<hbm>>
      %dma_wait3A_533 = tpu.memref_slice %arg3[%multiple_of3A_531] : memref<320000xi32, #tpu.memory_space<hbm>> -> memref<128xi32, #tpu.memory_space<hbm>>
      tpu.wait_dma2 semaphore(%arg20 : memref<!tpu.dma_semaphore, #tpu.memory_space<semaphore_mem>>) src(%dma_wait3A_533 : memref<128xi32, #tpu.memory_space<hbm>>) dst(%arg8 : memref<128xi32, #tpu.memory_space<vmem>>)
      %dma_wait3A_534 = tpu.memref_slice %arg4[%multiple_of3A_531] : memref<320000xi32, #tpu.memory_space<hbm>> -> memref<128xi32, #tpu.memory_space<hbm>>
      %dma_wait3A_535 = tpu.memref_slice %arg4[%multiple_of3A_531] : memref<320000xi32, #tpu.memory_space<hbm>> -> memref<128xi32, #tpu.memory_space<hbm>>
      tpu.wait_dma2 semaphore(%arg20 : memref<!tpu.dma_semaphore, #tpu.memory_space<semaphore_mem>>) src(%dma_wait3A_535 : memref<128xi32, #tpu.memory_space<hbm>>) dst(%arg10 : memref<128xi32, #tpu.memory_space<vmem>>)
      %dma_start3A_536 = arith.constant 0 : i32
      %dma_start3A_537 = arith.constant 0 : i32
      %dma_start3A_538 = tpu.memref_slice %arg2[%dma_start3A_536, %dma_start3A_537] : memref<10000x128xf32, #tpu.memory_space<hbm>> -> memref<10000x128xf32, #tpu.memory_space<hbm>>
      tpu.enqueue_indirect_dma source(%dma_start3A_538 : memref<10000x128xf32, #tpu.memory_space<hbm>>) target(%arg13 : memref<128x128xf32, #tpu.memory_space<vmem>>) offsets(%arg8 : memref<128xi32, #tpu.memory_space<vmem>>) semaphore(%arg18 : memref<!tpu.dma_semaphore, #tpu.memory_space<semaphore_mem>>)
      %get3A_539 = arith.constant 0 : index
      %get3A_540 = tpu.vector_load %arg9[%get3A_539] {strides = array<i32>} : memref<128xi32, #tpu.memory_space<vmem>>, vector<16xi32>,
      %shift_right_logical3A_541 = arith.constant 5 : i32
      %shift_right_logical3A_542 = vector.broadcast %shift_right_logical3A_541 : i32 to vector<16xi32>
      %shift_right_logical3A_543 = arith.shrui %get3A_540, %shift_right_logical3A_542 : vector<16xi32>
      %swap3A_544 = arith.constant 0 : index
      %swap3A_545 = tpu.vector_load %arg11[%swap3A_544] {strides = array<i32>} : memref<64xi32, #tpu.memory_space<vmem>>, vector<16xi32>,
      tpu.vector_store %arg11[%swap3A_544], %shift_right_logical3A_543 {strides = array<i32>} : memref<64xi32, #tpu.memory_space<vmem>>, vector<16xi32>,
      %add3A_546 = arith.constant 0 : i32
      %add3A_547 = vector.broadcast %add3A_546 : i32 to vector<16xi32>
      %add3A_548 = arith.addi %add3A_547, %iota3A : vector<16xi32>
      %and3A_549 = arith.constant 31 : i32
      %and3A_550 = vector.broadcast %and3A_549 : i32 to vector<16xi32>
      %and3A_551 = arith.andi %get3A_540, %and3A_550 : vector<16xi32>
      %mul3A_552 = arith.constant 4 : i32
      %mul3A_553 = vector.broadcast %mul3A_552 : i32 to vector<16xi32>
      %mul3A_554 = arith.muli %and3A_551, %mul3A_553 : vector<16xi32>
      tpu.vector_store_idx %arg14[%add3A_548, %mul3A_554], %broadcast_in_dim3A_19 : memref<64x128xf32, #tpu.memory_space<vmem>>[vector<16xi32>, vector<16xi32>], vector<16xf32>,
      %get3A_555 = arith.constant 16 : index
      %get3A_556 = tpu.vector_load %arg9[%get3A_555] {strides = array<i32>} : memref<128xi32, #tpu.memory_space<vmem>>, vector<16xi32>,
      %shift_right_logical3A_557 = arith.constant 5 : i32
      %shift_right_logical3A_558 = vector.broadcast %shift_right_logical3A_557 : i32 to vector<16xi32>
      %shift_right_logical3A_559 = arith.shrui %get3A_556, %shift_right_logical3A_558 : vector<16xi32>
      %swap3A_560 = arith.constant 16 : index
      %swap3A_561 = tpu.vector_load %arg11[%swap3A_560] {strides = array<i32>} : memref<64xi32, #tpu.memory_space<vmem>>, vector<16xi32>,
      tpu.vector_store %arg11[%swap3A_560], %shift_right_logical3A_559 {strides = array<i32>} : memref<64xi32, #tpu.memory_space<vmem>>, vector<16xi32>,
      %add3A_562 = arith.constant 16 : i32
      %add3A_563 = vector.broadcast %add3A_562 : i32 to vector<16xi32>
      %add3A_564 = arith.addi %add3A_563, %iota3A : vector<16xi32>
      %and3A_565 = arith.constant 31 : i32
      %and3A_566 = vector.broadcast %and3A_565 : i32 to vector<16xi32>
      %and3A_567 = arith.andi %get3A_556, %and3A_566 : vector<16xi32>
      %mul3A_568 = arith.constant 4 : i32
      %mul3A_569 = vector.broadcast %mul3A_568 : i32 to vector<16xi32>
      %mul3A_570 = arith.muli %and3A_567, %mul3A_569 : vector<16xi32>
      tpu.vector_store_idx %arg14[%add3A_564, %mul3A_570], %broadcast_in_dim3A_19 : memref<64x128xf32, #tpu.memory_space<vmem>>[vector<16xi32>, vector<16xi32>], vector<16xf32>,
      %get3A_571 = arith.constant 32 : index
      %get3A_572 = tpu.vector_load %arg9[%get3A_571] {strides = array<i32>} : memref<128xi32, #tpu.memory_space<vmem>>, vector<16xi32>,
      %shift_right_logical3A_573 = arith.constant 5 : i32
      %shift_right_logical3A_574 = vector.broadcast %shift_right_logical3A_573 : i32 to vector<16xi32>
      %shift_right_logical3A_575 = arith.shrui %get3A_572, %shift_right_logical3A_574 : vector<16xi32>
      %swap3A_576 = arith.constant 32 : index
      %swap3A_577 = tpu.vector_load %arg11[%swap3A_576] {strides = array<i32>} : memref<64xi32, #tpu.memory_space<vmem>>, vector<16xi32>,
      tpu.vector_store %arg11[%swap3A_576], %shift_right_logical3A_575 {strides = array<i32>} : memref<64xi32, #tpu.memory_space<vmem>>, vector<16xi32>,
      %add3A_578 = arith.constant 32 : i32
      %add3A_579 = vector.broadcast %add3A_578 : i32 to vector<16xi32>
      %add3A_580 = arith.addi %add3A_579, %iota3A : vector<16xi32>
      %and3A_581 = arith.constant 31 : i32
      %and3A_582 = vector.broadcast %and3A_581 : i32 to vector<16xi32>
      %and3A_583 = arith.andi %get3A_572, %and3A_582 : vector<16xi32>
      %mul3A_584 = arith.constant 4 : i32
      %mul3A_585 = vector.broadcast %mul3A_584 : i32 to vector<16xi32>
      %mul3A_586 = arith.muli %and3A_583, %mul3A_585 : vector<16xi32>
      tpu.vector_store_idx %arg14[%add3A_580, %mul3A_586], %broadcast_in_dim3A_19 : memref<64x128xf32, #tpu.memory_space<vmem>>[vector<16xi32>, vector<16xi32>], vector<16xf32>,
      %get3A_587 = arith.constant 48 : index
      %get3A_588 = tpu.vector_load %arg9[%get3A_587] {strides = array<i32>} : memref<128xi32, #tpu.memory_space<vmem>>, vector<16xi32>,
      %shift_right_logical3A_589 = arith.constant 5 : i32
      %shift_right_logical3A_590 = vector.broadcast %shift_right_logical3A_589 : i32 to vector<16xi32>
      %shift_right_logical3A_591 = arith.shrui %get3A_588, %shift_right_logical3A_590 : vector<16xi32>
      %swap3A_592 = arith.constant 48 : index
      %swap3A_593 = tpu.vector_load %arg11[%swap3A_592] {strides = array<i32>} : memref<64xi32, #tpu.memory_space<vmem>>, vector<16xi32>,
      tpu.vector_store %arg11[%swap3A_592], %shift_right_logical3A_591 {strides = array<i32>} : memref<64xi32, #tpu.memory_space<vmem>>, vector<16xi32>,
      %add3A_594 = arith.constant 48 : i32
      %add3A_595 = vector.broadcast %add3A_594 : i32 to vector<16xi32>
      %add3A_596 = arith.addi %add3A_595, %iota3A : vector<16xi32>
      %and3A_597 = arith.constant 31 : i32
      %and3A_598 = vector.broadcast %and3A_597 : i32 to vector<16xi32>
      %and3A_599 = arith.andi %get3A_588, %and3A_598 : vector<16xi32>
      %mul3A_600 = arith.constant 4 : i32
      %mul3A_601 = vector.broadcast %mul3A_600 : i32 to vector<16xi32>
      %mul3A_602 = arith.muli %and3A_599, %mul3A_601 : vector<16xi32>
      tpu.vector_store_idx %arg14[%add3A_596, %mul3A_602], %broadcast_in_dim3A_19 : memref<64x128xf32, #tpu.memory_space<vmem>>[vector<16xi32>, vector<16xi32>], vector<16xf32>,
      "tpu.region"() ({
        %run_scoped3A = tpu.sem_alloc : memref<!tpu.dma_semaphore, #tpu.memory_space<semaphore_mem>>
        %dma_start3A_1022 = arith.constant 0 : i32
        %dma_start3A_1023 = arith.constant 0 : i32
        %dma_start3A_1024 = tpu.memref_slice %arg16[%dma_start3A_1022, %dma_start3A_1023] : memref<320x128xf32, #tpu.memory_space<vmem_shared>> -> memref<320x128xf32, #tpu.memory_space<vmem_shared>>
        tpu.enqueue_indirect_dma source(%arg14 : memref<64x128xf32, #tpu.memory_space<vmem>>) target(%dma_start3A_1024 : memref<320x128xf32, #tpu.memory_space<vmem_shared>>) offsets(%arg11 : memref<64xi32, #tpu.memory_space<vmem>>) semaphore(%run_scoped3A : memref<!tpu.dma_semaphore, #tpu.memory_space<semaphore_mem>>) {add = true}
        %dma_wait3A_1025 = arith.constant 0 : i32
        %dma_wait3A_1026 = arith.constant 0 : i32
        %dma_wait3A_1027 = tpu.memref_slice %arg16[%dma_wait3A_1025, %dma_wait3A_1026] : memref<320x128xf32, #tpu.memory_space<vmem_shared>> -> memref<320x128xf32, #tpu.memory_space<vmem_shared>>
        tpu.wait_indirect_dma semaphore(%run_scoped3A : memref<!tpu.dma_semaphore, #tpu.memory_space<semaphore_mem>>) src(%arg14 : memref<64x128xf32, #tpu.memory_space<vmem>>) dst(%dma_wait3A_1027 : memref<320x128xf32, #tpu.memory_space<vmem_shared>>)
        tpu.yield
      }) : () -> ()
      %get3A_603 = arith.constant 0 : index
      %get3A_604 = tpu.vector_load %arg9[%get3A_603] {strides = array<i32>} : memref<128xi32, #tpu.memory_space<vmem>>, vector<16xi32>,
      %add3A_605 = arith.constant 0 : i32
      %add3A_606 = vector.broadcast %add3A_605 : i32 to vector<16xi32>
      %add3A_607 = arith.addi %add3A_606, %iota3A : vector<16xi32>
      %and3A_608 = arith.constant 31 : i32
      %and3A_609 = vector.broadcast %and3A_608 : i32 to vector<16xi32>
      %and3A_610 = arith.andi %get3A_604, %and3A_609 : vector<16xi32>
      %mul3A_611 = arith.constant 4 : i32
      %mul3A_612 = vector.broadcast %mul3A_611 : i32 to vector<16xi32>
      %mul3A_613 = arith.muli %and3A_610, %mul3A_612 : vector<16xi32>
      tpu.vector_store_idx %arg14[%add3A_607, %mul3A_613], %broadcast_in_dim3A_21 : memref<64x128xf32, #tpu.memory_space<vmem>>[vector<16xi32>, vector<16xi32>], vector<16xf32>,
      %get3A_614 = arith.constant 16 : index
      %get3A_615 = tpu.vector_load %arg9[%get3A_614] {strides = array<i32>} : memref<128xi32, #tpu.memory_space<vmem>>, vector<16xi32>,
      %add3A_616 = arith.constant 16 : i32
      %add3A_617 = vector.broadcast %add3A_616 : i32 to vector<16xi32>
      %add3A_618 = arith.addi %add3A_617, %iota3A : vector<16xi32>
      %and3A_619 = arith.constant 31 : i32
      %and3A_620 = vector.broadcast %and3A_619 : i32 to vector<16xi32>
      %and3A_621 = arith.andi %get3A_615, %and3A_620 : vector<16xi32>
      %mul3A_622 = arith.constant 4 : i32
      %mul3A_623 = vector.broadcast %mul3A_622 : i32 to vector<16xi32>
      %mul3A_624 = arith.muli %and3A_621, %mul3A_623 : vector<16xi32>
      tpu.vector_store_idx %arg14[%add3A_618, %mul3A_624], %broadcast_in_dim3A_21 : memref<64x128xf32, #tpu.memory_space<vmem>>[vector<16xi32>, vector<16xi32>], vector<16xf32>,
      %get3A_625 = arith.constant 32 : index
      %get3A_626 = tpu.vector_load %arg9[%get3A_625] {strides = array<i32>} : memref<128xi32, #tpu.memory_space<vmem>>, vector<16xi32>,
      %add3A_627 = arith.constant 32 : i32
      %add3A_628 = vector.broadcast %add3A_627 : i32 to vector<16xi32>
      %add3A_629 = arith.addi %add3A_628, %iota3A : vector<16xi32>
      %and3A_630 = arith.constant 31 : i32
      %and3A_631 = vector.broadcast %and3A_630 : i32 to vector<16xi32>
      %and3A_632 = arith.andi %get3A_626, %and3A_631 : vector<16xi32>
      %mul3A_633 = arith.constant 4 : i32
      %mul3A_634 = vector.broadcast %mul3A_633 : i32 to vector<16xi32>
      %mul3A_635 = arith.muli %and3A_632, %mul3A_634 : vector<16xi32>
      tpu.vector_store_idx %arg14[%add3A_629, %mul3A_635], %broadcast_in_dim3A_21 : memref<64x128xf32, #tpu.memory_space<vmem>>[vector<16xi32>, vector<16xi32>], vector<16xf32>,
      %get3A_636 = arith.constant 48 : index
      %get3A_637 = tpu.vector_load %arg9[%get3A_636] {strides = array<i32>} : memref<128xi32, #tpu.memory_space<vmem>>, vector<16xi32>,
      %add3A_638 = arith.constant 48 : i32
      %add3A_639 = vector.broadcast %add3A_638 : i32 to vector<16xi32>
      %add3A_640 = arith.addi %add3A_639, %iota3A : vector<16xi32>
      %and3A_641 = arith.constant 31 : i32
      %and3A_642 = vector.broadcast %and3A_641 : i32 to vector<16xi32>
      %and3A_643 = arith.andi %get3A_637, %and3A_642 : vector<16xi32>
      %mul3A_644 = arith.constant 4 : i32
      %mul3A_645 = vector.broadcast %mul3A_644 : i32 to vector<16xi32>
      %mul3A_646 = arith.muli %and3A_643, %mul3A_645 : vector<16xi32>
      tpu.vector_store_idx %arg14[%add3A_640, %mul3A_646], %broadcast_in_dim3A_21 : memref<64x128xf32, #tpu.memory_space<vmem>>[vector<16xi32>, vector<16xi32>], vector<16xf32>,
      %get3A_647 = arith.constant 64 : index
      %get3A_648 = tpu.vector_load %arg9[%get3A_647] {strides = array<i32>} : memref<128xi32, #tpu.memory_space<vmem>>, vector<16xi32>,
      %shift_right_logical3A_649 = arith.constant 5 : i32
      %shift_right_logical3A_650 = vector.broadcast %shift_right_logical3A_649 : i32 to vector<16xi32>
      %shift_right_logical3A_651 = arith.shrui %get3A_648, %shift_right_logical3A_650 : vector<16xi32>
      %swap3A_652 = arith.constant 0 : index
      %swap3A_653 = tpu.vector_load %arg11[%swap3A_652] {strides = array<i32>} : memref<64xi32, #tpu.memory_space<vmem>>, vector<16xi32>,
      tpu.vector_store %arg11[%swap3A_652], %shift_right_logical3A_651 {strides = array<i32>} : memref<64xi32, #tpu.memory_space<vmem>>, vector<16xi32>,
      %add3A_654 = arith.constant 0 : i32
      %add3A_655 = vector.broadcast %add3A_654 : i32 to vector<16xi32>
      %add3A_656 = arith.addi %add3A_655, %iota3A : vector<16xi32>
      %and3A_657 = arith.constant 31 : i32
      %and3A_658 = vector.broadcast %and3A_657 : i32 to vector<16xi32>
      %and3A_659 = arith.andi %get3A_648, %and3A_658 : vector<16xi32>
      %mul3A_660 = arith.constant 4 : i32
      %mul3A_661 = vector.broadcast %mul3A_660 : i32 to vector<16xi32>
      %mul3A_662 = arith.muli %and3A_659, %mul3A_661 : vector<16xi32>
      tpu.vector_store_idx %arg14[%add3A_656, %mul3A_662], %broadcast_in_dim3A_19 : memref<64x128xf32, #tpu.memory_space<vmem>>[vector<16xi32>, vector<16xi32>], vector<16xf32>,
      %get3A_663 = arith.constant 80 : index
      %get3A_664 = tpu.vector_load %arg9[%get3A_663] {strides = array<i32>} : memref<128xi32, #tpu.memory_space<vmem>>, vector<16xi32>,
      %shift_right_logical3A_665 = arith.constant 5 : i32
      %shift_right_logical3A_666 = vector.broadcast %shift_right_logical3A_665 : i32 to vector<16xi32>
      %shift_right_logical3A_667 = arith.shrui %get3A_664, %shift_right_logical3A_666 : vector<16xi32>
      %swap3A_668 = arith.constant 16 : index
      %swap3A_669 = tpu.vector_load %arg11[%swap3A_668] {strides = array<i32>} : memref<64xi32, #tpu.memory_space<vmem>>, vector<16xi32>,
      tpu.vector_store %arg11[%swap3A_668], %shift_right_logical3A_667 {strides = array<i32>} : memref<64xi32, #tpu.memory_space<vmem>>, vector<16xi32>,
      %add3A_670 = arith.constant 16 : i32
      %add3A_671 = vector.broadcast %add3A_670 : i32 to vector<16xi32>
      %add3A_672 = arith.addi %add3A_671, %iota3A : vector<16xi32>
      %and3A_673 = arith.constant 31 : i32
      %and3A_674 = vector.broadcast %and3A_673 : i32 to vector<16xi32>
      %and3A_675 = arith.andi %get3A_664, %and3A_674 : vector<16xi32>
      %mul3A_676 = arith.constant 4 : i32
      %mul3A_677 = vector.broadcast %mul3A_676 : i32 to vector<16xi32>
      %mul3A_678 = arith.muli %and3A_675, %mul3A_677 : vector<16xi32>
      tpu.vector_store_idx %arg14[%add3A_672, %mul3A_678], %broadcast_in_dim3A_19 : memref<64x128xf32, #tpu.memory_space<vmem>>[vector<16xi32>, vector<16xi32>], vector<16xf32>,
      %get3A_679 = arith.constant 96 : index
      %get3A_680 = tpu.vector_load %arg9[%get3A_679] {strides = array<i32>} : memref<128xi32, #tpu.memory_space<vmem>>, vector<16xi32>,
      %shift_right_logical3A_681 = arith.constant 5 : i32
      %shift_right_logical3A_682 = vector.broadcast %shift_right_logical3A_681 : i32 to vector<16xi32>
      %shift_right_logical3A_683 = arith.shrui %get3A_680, %shift_right_logical3A_682 : vector<16xi32>
      %swap3A_684 = arith.constant 32 : index
      %swap3A_685 = tpu.vector_load %arg11[%swap3A_684] {strides = array<i32>} : memref<64xi32, #tpu.memory_space<vmem>>, vector<16xi32>,
      tpu.vector_store %arg11[%swap3A_684], %shift_right_logical3A_683 {strides = array<i32>} : memref<64xi32, #tpu.memory_space<vmem>>, vector<16xi32>,
      %add3A_686 = arith.constant 32 : i32
      %add3A_687 = vector.broadcast %add3A_686 : i32 to vector<16xi32>
      %add3A_688 = arith.addi %add3A_687, %iota3A : vector<16xi32>
      %and3A_689 = arith.constant 31 : i32
      %and3A_690 = vector.broadcast %and3A_689 : i32 to vector<16xi32>
      %and3A_691 = arith.andi %get3A_680, %and3A_690 : vector<16xi32>
      %mul3A_692 = arith.constant 4 : i32
      %mul3A_693 = vector.broadcast %mul3A_692 : i32 to vector<16xi32>
      %mul3A_694 = arith.muli %and3A_691, %mul3A_693 : vector<16xi32>
      tpu.vector_store_idx %arg14[%add3A_688, %mul3A_694], %broadcast_in_dim3A_19 : memref<64x128xf32, #tpu.memory_space<vmem>>[vector<16xi32>, vector<16xi32>], vector<16xf32>,
      %get3A_695 = arith.constant 112 : index
      %get3A_696 = tpu.vector_load %arg9[%get3A_695] {strides = array<i32>} : memref<128xi32, #tpu.memory_space<vmem>>, vector<16xi32>,
      %shift_right_logical3A_697 = arith.constant 5 : i32
      %shift_right_logical3A_698 = vector.broadcast %shift_right_logical3A_697 : i32 to vector<16xi32>
      %shift_right_logical3A_699 = arith.shrui %get3A_696, %shift_right_logical3A_698 : vector<16xi32>
      %swap3A_700 = arith.constant 48 : index
      %swap3A_701 = tpu.vector_load %arg11[%swap3A_700] {strides = array<i32>} : memref<64xi32, #tpu.memory_space<vmem>>, vector<16xi32>,
      tpu.vector_store %arg11[%swap3A_700], %shift_right_logical3A_699 {strides = array<i32>} : memref<64xi32, #tpu.memory_space<vmem>>, vector<16xi32>,
      %add3A_702 = arith.constant 48 : i32
      %add3A_703 = vector.broadcast %add3A_702 : i32 to vector<16xi32>
      %add3A_704 = arith.addi %add3A_703, %iota3A : vector<16xi32>
      %and3A_705 = arith.constant 31 : i32
      %and3A_706 = vector.broadcast %and3A_705 : i32 to vector<16xi32>
      %and3A_707 = arith.andi %get3A_696, %and3A_706 : vector<16xi32>
      %mul3A_708 = arith.constant 4 : i32
      %mul3A_709 = vector.broadcast %mul3A_708 : i32 to vector<16xi32>
      %mul3A_710 = arith.muli %and3A_707, %mul3A_709 : vector<16xi32>
      tpu.vector_store_idx %arg14[%add3A_704, %mul3A_710], %broadcast_in_dim3A_19 : memref<64x128xf32, #tpu.memory_space<vmem>>[vector<16xi32>, vector<16xi32>], vector<16xf32>,
      "tpu.region"() ({
        %run_scoped3A = tpu.sem_alloc : memref<!tpu.dma_semaphore, #tpu.memory_space<semaphore_mem>>
        %dma_start3A_1022 = arith.constant 0 : i32
        %dma_start3A_1023 = arith.constant 0 : i32
        %dma_start3A_1024 = tpu.memref_slice %arg16[%dma_start3A_1022, %dma_start3A_1023] : memref<320x128xf32, #tpu.memory_space<vmem_shared>> -> memref<320x128xf32, #tpu.memory_space<vmem_shared>>
        tpu.enqueue_indirect_dma source(%arg14 : memref<64x128xf32, #tpu.memory_space<vmem>>) target(%dma_start3A_1024 : memref<320x128xf32, #tpu.memory_space<vmem_shared>>) offsets(%arg11 : memref<64xi32, #tpu.memory_space<vmem>>) semaphore(%run_scoped3A : memref<!tpu.dma_semaphore, #tpu.memory_space<semaphore_mem>>) {add = true}
        %dma_wait3A_1025 = arith.constant 0 : i32
        %dma_wait3A_1026 = arith.constant 0 : i32
        %dma_wait3A_1027 = tpu.memref_slice %arg16[%dma_wait3A_1025, %dma_wait3A_1026] : memref<320x128xf32, #tpu.memory_space<vmem_shared>> -> memref<320x128xf32, #tpu.memory_space<vmem_shared>>
        tpu.wait_indirect_dma semaphore(%run_scoped3A : memref<!tpu.dma_semaphore, #tpu.memory_space<semaphore_mem>>) src(%arg14 : memref<64x128xf32, #tpu.memory_space<vmem>>) dst(%dma_wait3A_1027 : memref<320x128xf32, #tpu.memory_space<vmem_shared>>)
        tpu.yield
      }) : () -> ()
      %get3A_711 = arith.constant 64 : index
      %get3A_712 = tpu.vector_load %arg9[%get3A_711] {strides = array<i32>} : memref<128xi32, #tpu.memory_space<vmem>>, vector<16xi32>,
      %add3A_713 = arith.constant 0 : i32
      %add3A_714 = vector.broadcast %add3A_713 : i32 to vector<16xi32>
      %add3A_715 = arith.addi %add3A_714, %iota3A : vector<16xi32>
      %and3A_716 = arith.constant 31 : i32
      %and3A_717 = vector.broadcast %and3A_716 : i32 to vector<16xi32>
      %and3A_718 = arith.andi %get3A_712, %and3A_717 : vector<16xi32>
      %mul3A_719 = arith.constant 4 : i32
      %mul3A_720 = vector.broadcast %mul3A_719 : i32 to vector<16xi32>
      %mul3A_721 = arith.muli %and3A_718, %mul3A_720 : vector<16xi32>
      tpu.vector_store_idx %arg14[%add3A_715, %mul3A_721], %broadcast_in_dim3A_21 : memref<64x128xf32, #tpu.memory_space<vmem>>[vector<16xi32>, vector<16xi32>], vector<16xf32>,
      %get3A_722 = arith.constant 80 : index
      %get3A_723 = tpu.vector_load %arg9[%get3A_722] {strides = array<i32>} : memref<128xi32, #tpu.memory_space<vmem>>, vector<16xi32>,
      %add3A_724 = arith.constant 16 : i32
      %add3A_725 = vector.broadcast %add3A_724 : i32 to vector<16xi32>
      %add3A_726 = arith.addi %add3A_725, %iota3A : vector<16xi32>
      %and3A_727 = arith.constant 31 : i32
      %and3A_728 = vector.broadcast %and3A_727 : i32 to vector<16xi32>
      %and3A_729 = arith.andi %get3A_723, %and3A_728 : vector<16xi32>
      %mul3A_730 = arith.constant 4 : i32
      %mul3A_731 = vector.broadcast %mul3A_730 : i32 to vector<16xi32>
      %mul3A_732 = arith.muli %and3A_729, %mul3A_731 : vector<16xi32>
      tpu.vector_store_idx %arg14[%add3A_726, %mul3A_732], %broadcast_in_dim3A_21 : memref<64x128xf32, #tpu.memory_space<vmem>>[vector<16xi32>, vector<16xi32>], vector<16xf32>,
      %get3A_733 = arith.constant 96 : index
      %get3A_734 = tpu.vector_load %arg9[%get3A_733] {strides = array<i32>} : memref<128xi32, #tpu.memory_space<vmem>>, vector<16xi32>,
      %add3A_735 = arith.constant 32 : i32
      %add3A_736 = vector.broadcast %add3A_735 : i32 to vector<16xi32>
      %add3A_737 = arith.addi %add3A_736, %iota3A : vector<16xi32>
      %and3A_738 = arith.constant 31 : i32
      %and3A_739 = vector.broadcast %and3A_738 : i32 to vector<16xi32>
      %and3A_740 = arith.andi %get3A_734, %and3A_739 : vector<16xi32>
      %mul3A_741 = arith.constant 4 : i32
      %mul3A_742 = vector.broadcast %mul3A_741 : i32 to vector<16xi32>
      %mul3A_743 = arith.muli %and3A_740, %mul3A_742 : vector<16xi32>
      tpu.vector_store_idx %arg14[%add3A_737, %mul3A_743], %broadcast_in_dim3A_21 : memref<64x128xf32, #tpu.memory_space<vmem>>[vector<16xi32>, vector<16xi32>], vector<16xf32>,
      %get3A_744 = arith.constant 112 : index
      %get3A_745 = tpu.vector_load %arg9[%get3A_744] {strides = array<i32>} : memref<128xi32, #tpu.memory_space<vmem>>, vector<16xi32>,
      %add3A_746 = arith.constant 48 : i32
      %add3A_747 = vector.broadcast %add3A_746 : i32 to vector<16xi32>
      %add3A_748 = arith.addi %add3A_747, %iota3A : vector<16xi32>
      %and3A_749 = arith.constant 31 : i32
      %and3A_750 = vector.broadcast %and3A_749 : i32 to vector<16xi32>
      %and3A_751 = arith.andi %get3A_745, %and3A_750 : vector<16xi32>
      %mul3A_752 = arith.constant 4 : i32
      %mul3A_753 = vector.broadcast %mul3A_752 : i32 to vector<16xi32>
      %mul3A_754 = arith.muli %and3A_751, %mul3A_753 : vector<16xi32>
      tpu.vector_store_idx %arg14[%add3A_748, %mul3A_754], %broadcast_in_dim3A_21 : memref<64x128xf32, #tpu.memory_space<vmem>>[vector<16xi32>, vector<16xi32>], vector<16xf32>,
      %dma_wait3A_755 = arith.constant 0 : i32
      %dma_wait3A_756 = arith.constant 0 : i32
      %dma_wait3A_757 = tpu.memref_slice %arg2[%dma_wait3A_755, %dma_wait3A_756] : memref<10000x128xf32, #tpu.memory_space<hbm>> -> memref<10000x128xf32, #tpu.memory_space<hbm>>
      tpu.wait_indirect_dma semaphore(%arg17 : memref<!tpu.dma_semaphore, #tpu.memory_space<semaphore_mem>>) src(%dma_wait3A_757 : memref<10000x128xf32, #tpu.memory_space<hbm>>) dst(%arg12 : memref<128x128xf32, #tpu.memory_space<vmem>>)
      "tpu.region"() ({
        %run_scoped3A = tpu.sem_alloc : memref<!tpu.dma_semaphore, #tpu.memory_space<semaphore_mem>>
        %dma_start3A_1022 = arith.constant 0 : i32
        %dma_start3A_1023 = arith.constant 0 : i32
        %dma_start3A_1024 = tpu.memref_slice %arg15[%dma_start3A_1022, %dma_start3A_1023] : memref<10000x128xf32, #tpu.memory_space<vmem_shared>> -> memref<10000x128xf32, #tpu.memory_space<vmem_shared>>
        tpu.enqueue_indirect_dma source(%arg12 : memref<128x128xf32, #tpu.memory_space<vmem>>) target(%dma_start3A_1024 : memref<10000x128xf32, #tpu.memory_space<vmem_shared>>) offsets(%arg9 : memref<128xi32, #tpu.memory_space<vmem>>) semaphore(%run_scoped3A : memref<!tpu.dma_semaphore, #tpu.memory_space<semaphore_mem>>) {add = true}
        %dma_wait3A_1025 = arith.constant 0 : i32
        %dma_wait3A_1026 = arith.constant 0 : i32
        %dma_wait3A_1027 = tpu.memref_slice %arg15[%dma_wait3A_1025, %dma_wait3A_1026] : memref<10000x128xf32, #tpu.memory_space<vmem_shared>> -> memref<10000x128xf32, #tpu.memory_space<vmem_shared>>
        tpu.wait_indirect_dma semaphore(%run_scoped3A : memref<!tpu.dma_semaphore, #tpu.memory_space<semaphore_mem>>) src(%arg12 : memref<128x128xf32, #tpu.memory_space<vmem>>) dst(%dma_wait3A_1027 : memref<10000x128xf32, #tpu.memory_space<vmem_shared>>)
        tpu.yield
      }) : () -> ()
      %mul3A_758 = arith.constant 2 : i32
      %mul3A_759 = arith.muli %mul3A_758, %add3A_521 : i32
      %add3A_760 = arith.constant 2 : i32
      %add3A_761 = arith.addi %mul3A_759, %add3A_760 : i32
      %mul3A_762 = arith.constant 32 : i32
      %mul3A_763 = arith.muli %add3A_761, %mul3A_762 : i32
      %add3A_764 = arith.addi %mul3A_763, %add3A : i32
      %mul3A_765 = arith.constant 128 : i32
      %mul3A_766 = arith.muli %add3A_764, %mul3A_765 : i32
      %multiple_of3A_767 = tpu.assume_multiple %mul3A_766, 128 : i32
      %dma_start3A_768 = tpu.memref_slice %arg3[%multiple_of3A_767] : memref<320000xi32, #tpu.memory_space<hbm>> -> memref<128xi32, #tpu.memory_space<hbm>>
      %dma_start3A_769 = tpu.memref_slice %arg3[%multiple_of3A_767] : memref<320000xi32, #tpu.memory_space<hbm>> -> memref<128xi32, #tpu.memory_space<hbm>>
      tpu.enqueue_dma source(%dma_start3A_769 : memref<128xi32, #tpu.memory_space<hbm>>) target(%arg7 : memref<128xi32, #tpu.memory_space<vmem>>) target_semaphore(%arg19 : memref<!tpu.dma_semaphore, #tpu.memory_space<semaphore_mem>>)
      %dma_start3A_770 = tpu.memref_slice %arg4[%multiple_of3A_767] : memref<320000xi32, #tpu.memory_space<hbm>> -> memref<128xi32, #tpu.memory_space<hbm>>
      %dma_start3A_771 = tpu.memref_slice %arg4[%multiple_of3A_767] : memref<320000xi32, #tpu.memory_space<hbm>> -> memref<128xi32, #tpu.memory_space<hbm>>
      tpu.enqueue_dma source(%dma_start3A_771 : memref<128xi32, #tpu.memory_space<hbm>>) target(%arg9 : memref<128xi32, #tpu.memory_space<vmem>>) target_semaphore(%arg19 : memref<!tpu.dma_semaphore, #tpu.memory_space<semaphore_mem>>)
      %get3A_772 = arith.constant 0 : index
      %get3A_773 = tpu.vector_load %arg10[%get3A_772] {strides = array<i32>} : memref<128xi32, #tpu.memory_space<vmem>>, vector<16xi32>,
      %shift_right_logical3A_774 = arith.constant 5 : i32
      %shift_right_logical3A_775 = vector.broadcast %shift_right_logical3A_774 : i32 to vector<16xi32>
      %shift_right_logical3A_776 = arith.shrui %get3A_773, %shift_right_logical3A_775 : vector<16xi32>
      %swap3A_777 = arith.constant 0 : index
      %swap3A_778 = tpu.vector_load %arg11[%swap3A_777] {strides = array<i32>} : memref<64xi32, #tpu.memory_space<vmem>>, vector<16xi32>,
      tpu.vector_store %arg11[%swap3A_777], %shift_right_logical3A_776 {strides = array<i32>} : memref<64xi32, #tpu.memory_space<vmem>>, vector<16xi32>,
      %add3A_779 = arith.constant 0 : i32
      %add3A_780 = vector.broadcast %add3A_779 : i32 to vector<16xi32>
      %add3A_781 = arith.addi %add3A_780, %iota3A : vector<16xi32>
      %and3A_782 = arith.constant 31 : i32
      %and3A_783 = vector.broadcast %and3A_782 : i32 to vector<16xi32>
      %and3A_784 = arith.andi %get3A_773, %and3A_783 : vector<16xi32>
      %mul3A_785 = arith.constant 4 : i32
      %mul3A_786 = vector.broadcast %mul3A_785 : i32 to vector<16xi32>
      %mul3A_787 = arith.muli %and3A_784, %mul3A_786 : vector<16xi32>
      tpu.vector_store_idx %arg14[%add3A_781, %mul3A_787], %broadcast_in_dim3A_19 : memref<64x128xf32, #tpu.memory_space<vmem>>[vector<16xi32>, vector<16xi32>], vector<16xf32>,
      %get3A_788 = arith.constant 16 : index
      %get3A_789 = tpu.vector_load %arg10[%get3A_788] {strides = array<i32>} : memref<128xi32, #tpu.memory_space<vmem>>, vector<16xi32>,
      %shift_right_logical3A_790 = arith.constant 5 : i32
      %shift_right_logical3A_791 = vector.broadcast %shift_right_logical3A_790 : i32 to vector<16xi32>
      %shift_right_logical3A_792 = arith.shrui %get3A_789, %shift_right_logical3A_791 : vector<16xi32>
      %swap3A_793 = arith.constant 16 : index
      %swap3A_794 = tpu.vector_load %arg11[%swap3A_793] {strides = array<i32>} : memref<64xi32, #tpu.memory_space<vmem>>, vector<16xi32>,
      tpu.vector_store %arg11[%swap3A_793], %shift_right_logical3A_792 {strides = array<i32>} : memref<64xi32, #tpu.memory_space<vmem>>, vector<16xi32>,
      %add3A_795 = arith.constant 16 : i32
      %add3A_796 = vector.broadcast %add3A_795 : i32 to vector<16xi32>
      %add3A_797 = arith.addi %add3A_796, %iota3A : vector<16xi32>
      %and3A_798 = arith.constant 31 : i32
      %and3A_799 = vector.broadcast %and3A_798 : i32 to vector<16xi32>
      %and3A_800 = arith.andi %get3A_789, %and3A_799 : vector<16xi32>
      %mul3A_801 = arith.constant 4 : i32
      %mul3A_802 = vector.broadcast %mul3A_801 : i32 to vector<16xi32>
      %mul3A_803 = arith.muli %and3A_800, %mul3A_802 : vector<16xi32>
      tpu.vector_store_idx %arg14[%add3A_797, %mul3A_803], %broadcast_in_dim3A_19 : memref<64x128xf32, #tpu.memory_space<vmem>>[vector<16xi32>, vector<16xi32>], vector<16xf32>,
      %get3A_804 = arith.constant 32 : index
      %get3A_805 = tpu.vector_load %arg10[%get3A_804] {strides = array<i32>} : memref<128xi32, #tpu.memory_space<vmem>>, vector<16xi32>,
      %shift_right_logical3A_806 = arith.constant 5 : i32
      %shift_right_logical3A_807 = vector.broadcast %shift_right_logical3A_806 : i32 to vector<16xi32>
      %shift_right_logical3A_808 = arith.shrui %get3A_805, %shift_right_logical3A_807 : vector<16xi32>
      %swap3A_809 = arith.constant 32 : index
      %swap3A_810 = tpu.vector_load %arg11[%swap3A_809] {strides = array<i32>} : memref<64xi32, #tpu.memory_space<vmem>>, vector<16xi32>,
      tpu.vector_store %arg11[%swap3A_809], %shift_right_logical3A_808 {strides = array<i32>} : memref<64xi32, #tpu.memory_space<vmem>>, vector<16xi32>,
      %add3A_811 = arith.constant 32 : i32
      %add3A_812 = vector.broadcast %add3A_811 : i32 to vector<16xi32>
      %add3A_813 = arith.addi %add3A_812, %iota3A : vector<16xi32>
      %and3A_814 = arith.constant 31 : i32
      %and3A_815 = vector.broadcast %and3A_814 : i32 to vector<16xi32>
      %and3A_816 = arith.andi %get3A_805, %and3A_815 : vector<16xi32>
      %mul3A_817 = arith.constant 4 : i32
      %mul3A_818 = vector.broadcast %mul3A_817 : i32 to vector<16xi32>
      %mul3A_819 = arith.muli %and3A_816, %mul3A_818 : vector<16xi32>
      tpu.vector_store_idx %arg14[%add3A_813, %mul3A_819], %broadcast_in_dim3A_19 : memref<64x128xf32, #tpu.memory_space<vmem>>[vector<16xi32>, vector<16xi32>], vector<16xf32>,
      %get3A_820 = arith.constant 48 : index
      %get3A_821 = tpu.vector_load %arg10[%get3A_820] {strides = array<i32>} : memref<128xi32, #tpu.memory_space<vmem>>, vector<16xi32>,
      %shift_right_logical3A_822 = arith.constant 5 : i32
      %shift_right_logical3A_823 = vector.broadcast %shift_right_logical3A_822 : i32 to vector<16xi32>
      %shift_right_logical3A_824 = arith.shrui %get3A_821, %shift_right_logical3A_823 : vector<16xi32>
      %swap3A_825 = arith.constant 48 : index
      %swap3A_826 = tpu.vector_load %arg11[%swap3A_825] {strides = array<i32>} : memref<64xi32, #tpu.memory_space<vmem>>, vector<16xi32>,
      tpu.vector_store %arg11[%swap3A_825], %shift_right_logical3A_824 {strides = array<i32>} : memref<64xi32, #tpu.memory_space<vmem>>, vector<16xi32>,
      %add3A_827 = arith.constant 48 : i32
      %add3A_828 = vector.broadcast %add3A_827 : i32 to vector<16xi32>
      %add3A_829 = arith.addi %add3A_828, %iota3A : vector<16xi32>
      %and3A_830 = arith.constant 31 : i32
      %and3A_831 = vector.broadcast %and3A_830 : i32 to vector<16xi32>
      %and3A_832 = arith.andi %get3A_821, %and3A_831 : vector<16xi32>
      %mul3A_833 = arith.constant 4 : i32
      %mul3A_834 = vector.broadcast %mul3A_833 : i32 to vector<16xi32>
      %mul3A_835 = arith.muli %and3A_832, %mul3A_834 : vector<16xi32>
      tpu.vector_store_idx %arg14[%add3A_829, %mul3A_835], %broadcast_in_dim3A_19 : memref<64x128xf32, #tpu.memory_space<vmem>>[vector<16xi32>, vector<16xi32>], vector<16xf32>,
      "tpu.region"() ({
        %run_scoped3A = tpu.sem_alloc : memref<!tpu.dma_semaphore, #tpu.memory_space<semaphore_mem>>
        %dma_start3A_1022 = arith.constant 0 : i32
        %dma_start3A_1023 = arith.constant 0 : i32
        %dma_start3A_1024 = tpu.memref_slice %arg16[%dma_start3A_1022, %dma_start3A_1023] : memref<320x128xf32, #tpu.memory_space<vmem_shared>> -> memref<320x128xf32, #tpu.memory_space<vmem_shared>>
        tpu.enqueue_indirect_dma source(%arg14 : memref<64x128xf32, #tpu.memory_space<vmem>>) target(%dma_start3A_1024 : memref<320x128xf32, #tpu.memory_space<vmem_shared>>) offsets(%arg11 : memref<64xi32, #tpu.memory_space<vmem>>) semaphore(%run_scoped3A : memref<!tpu.dma_semaphore, #tpu.memory_space<semaphore_mem>>) {add = true}
        %dma_wait3A_1025 = arith.constant 0 : i32
        %dma_wait3A_1026 = arith.constant 0 : i32
        %dma_wait3A_1027 = tpu.memref_slice %arg16[%dma_wait3A_1025, %dma_wait3A_1026] : memref<320x128xf32, #tpu.memory_space<vmem_shared>> -> memref<320x128xf32, #tpu.memory_space<vmem_shared>>
        tpu.wait_indirect_dma semaphore(%run_scoped3A : memref<!tpu.dma_semaphore, #tpu.memory_space<semaphore_mem>>) src(%arg14 : memref<64x128xf32, #tpu.memory_space<vmem>>) dst(%dma_wait3A_1027 : memref<320x128xf32, #tpu.memory_space<vmem_shared>>)
        tpu.yield
      }) : () -> ()
      %get3A_836 = arith.constant 0 : index
      %get3A_837 = tpu.vector_load %arg10[%get3A_836] {strides = array<i32>} : memref<128xi32, #tpu.memory_space<vmem>>, vector<16xi32>,
      %add3A_838 = arith.constant 0 : i32
      %add3A_839 = vector.broadcast %add3A_838 : i32 to vector<16xi32>
      %add3A_840 = arith.addi %add3A_839, %iota3A : vector<16xi32>
      %and3A_841 = arith.constant 31 : i32
      %and3A_842 = vector.broadcast %and3A_841 : i32 to vector<16xi32>
      %and3A_843 = arith.andi %get3A_837, %and3A_842 : vector<16xi32>
      %mul3A_844 = arith.constant 4 : i32
      %mul3A_845 = vector.broadcast %mul3A_844 : i32 to vector<16xi32>
      %mul3A_846 = arith.muli %and3A_843, %mul3A_845 : vector<16xi32>
      tpu.vector_store_idx %arg14[%add3A_840, %mul3A_846], %broadcast_in_dim3A_21 : memref<64x128xf32, #tpu.memory_space<vmem>>[vector<16xi32>, vector<16xi32>], vector<16xf32>,
      %get3A_847 = arith.constant 16 : index
      %get3A_848 = tpu.vector_load %arg10[%get3A_847] {strides = array<i32>} : memref<128xi32, #tpu.memory_space<vmem>>, vector<16xi32>,
      %add3A_849 = arith.constant 16 : i32
      %add3A_850 = vector.broadcast %add3A_849 : i32 to vector<16xi32>
      %add3A_851 = arith.addi %add3A_850, %iota3A : vector<16xi32>
      %and3A_852 = arith.constant 31 : i32
      %and3A_853 = vector.broadcast %and3A_852 : i32 to vector<16xi32>
      %and3A_854 = arith.andi %get3A_848, %and3A_853 : vector<16xi32>
      %mul3A_855 = arith.constant 4 : i32
      %mul3A_856 = vector.broadcast %mul3A_855 : i32 to vector<16xi32>
      %mul3A_857 = arith.muli %and3A_854, %mul3A_856 : vector<16xi32>
      tpu.vector_store_idx %arg14[%add3A_851, %mul3A_857], %broadcast_in_dim3A_21 : memref<64x128xf32, #tpu.memory_space<vmem>>[vector<16xi32>, vector<16xi32>], vector<16xf32>,
      %get3A_858 = arith.constant 32 : index
      %get3A_859 = tpu.vector_load %arg10[%get3A_858] {strides = array<i32>} : memref<128xi32, #tpu.memory_space<vmem>>, vector<16xi32>,
      %add3A_860 = arith.constant 32 : i32
      %add3A_861 = vector.broadcast %add3A_860 : i32 to vector<16xi32>
      %add3A_862 = arith.addi %add3A_861, %iota3A : vector<16xi32>
      %and3A_863 = arith.constant 31 : i32
      %and3A_864 = vector.broadcast %and3A_863 : i32 to vector<16xi32>
      %and3A_865 = arith.andi %get3A_859, %and3A_864 : vector<16xi32>
      %mul3A_866 = arith.constant 4 : i32
      %mul3A_867 = vector.broadcast %mul3A_866 : i32 to vector<16xi32>
      %mul3A_868 = arith.muli %and3A_865, %mul3A_867 : vector<16xi32>
      tpu.vector_store_idx %arg14[%add3A_862, %mul3A_868], %broadcast_in_dim3A_21 : memref<64x128xf32, #tpu.memory_space<vmem>>[vector<16xi32>, vector<16xi32>], vector<16xf32>,
      %get3A_869 = arith.constant 48 : index
      %get3A_870 = tpu.vector_load %arg10[%get3A_869] {strides = array<i32>} : memref<128xi32, #tpu.memory_space<vmem>>, vector<16xi32>,
      %add3A_871 = arith.constant 48 : i32
      %add3A_872 = vector.broadcast %add3A_871 : i32 to vector<16xi32>
      %add3A_873 = arith.addi %add3A_872, %iota3A : vector<16xi32>
      %and3A_874 = arith.constant 31 : i32
      %and3A_875 = vector.broadcast %and3A_874 : i32 to vector<16xi32>
      %and3A_876 = arith.andi %get3A_870, %and3A_875 : vector<16xi32>
      %mul3A_877 = arith.constant 4 : i32
      %mul3A_878 = vector.broadcast %mul3A_877 : i32 to vector<16xi32>
      %mul3A_879 = arith.muli %and3A_876, %mul3A_878 : vector<16xi32>
      tpu.vector_store_idx %arg14[%add3A_873, %mul3A_879], %broadcast_in_dim3A_21 : memref<64x128xf32, #tpu.memory_space<vmem>>[vector<16xi32>, vector<16xi32>], vector<16xf32>,
      %get3A_880 = arith.constant 64 : index
      %get3A_881 = tpu.vector_load %arg10[%get3A_880] {strides = array<i32>} : memref<128xi32, #tpu.memory_space<vmem>>, vector<16xi32>,
      %shift_right_logical3A_882 = arith.constant 5 : i32
      %shift_right_logical3A_883 = vector.broadcast %shift_right_logical3A_882 : i32 to vector<16xi32>
      %shift_right_logical3A_884 = arith.shrui %get3A_881, %shift_right_logical3A_883 : vector<16xi32>
      %swap3A_885 = arith.constant 0 : index
      %swap3A_886 = tpu.vector_load %arg11[%swap3A_885] {strides = array<i32>} : memref<64xi32, #tpu.memory_space<vmem>>, vector<16xi32>,
      tpu.vector_store %arg11[%swap3A_885], %shift_right_logical3A_884 {strides = array<i32>} : memref<64xi32, #tpu.memory_space<vmem>>, vector<16xi32>,
      %add3A_887 = arith.constant 0 : i32
      %add3A_888 = vector.broadcast %add3A_887 : i32 to vector<16xi32>
      %add3A_889 = arith.addi %add3A_888, %iota3A : vector<16xi32>
      %and3A_890 = arith.constant 31 : i32
      %and3A_891 = vector.broadcast %and3A_890 : i32 to vector<16xi32>
      %and3A_892 = arith.andi %get3A_881, %and3A_891 : vector<16xi32>
      %mul3A_893 = arith.constant 4 : i32
      %mul3A_894 = vector.broadcast %mul3A_893 : i32 to vector<16xi32>
      %mul3A_895 = arith.muli %and3A_892, %mul3A_894 : vector<16xi32>
      tpu.vector_store_idx %arg14[%add3A_889, %mul3A_895], %broadcast_in_dim3A_19 : memref<64x128xf32, #tpu.memory_space<vmem>>[vector<16xi32>, vector<16xi32>], vector<16xf32>,
      %get3A_896 = arith.constant 80 : index
      %get3A_897 = tpu.vector_load %arg10[%get3A_896] {strides = array<i32>} : memref<128xi32, #tpu.memory_space<vmem>>, vector<16xi32>,
      %shift_right_logical3A_898 = arith.constant 5 : i32
      %shift_right_logical3A_899 = vector.broadcast %shift_right_logical3A_898 : i32 to vector<16xi32>
      %shift_right_logical3A_900 = arith.shrui %get3A_897, %shift_right_logical3A_899 : vector<16xi32>
      %swap3A_901 = arith.constant 16 : index
      %swap3A_902 = tpu.vector_load %arg11[%swap3A_901] {strides = array<i32>} : memref<64xi32, #tpu.memory_space<vmem>>, vector<16xi32>,
      tpu.vector_store %arg11[%swap3A_901], %shift_right_logical3A_900 {strides = array<i32>} : memref<64xi32, #tpu.memory_space<vmem>>, vector<16xi32>,
      %add3A_903 = arith.constant 16 : i32
      %add3A_904 = vector.broadcast %add3A_903 : i32 to vector<16xi32>
      %add3A_905 = arith.addi %add3A_904, %iota3A : vector<16xi32>
      %and3A_906 = arith.constant 31 : i32
      %and3A_907 = vector.broadcast %and3A_906 : i32 to vector<16xi32>
      %and3A_908 = arith.andi %get3A_897, %and3A_907 : vector<16xi32>
      %mul3A_909 = arith.constant 4 : i32
      %mul3A_910 = vector.broadcast %mul3A_909 : i32 to vector<16xi32>
      %mul3A_911 = arith.muli %and3A_908, %mul3A_910 : vector<16xi32>
      tpu.vector_store_idx %arg14[%add3A_905, %mul3A_911], %broadcast_in_dim3A_19 : memref<64x128xf32, #tpu.memory_space<vmem>>[vector<16xi32>, vector<16xi32>], vector<16xf32>,
      %get3A_912 = arith.constant 96 : index
      %get3A_913 = tpu.vector_load %arg10[%get3A_912] {strides = array<i32>} : memref<128xi32, #tpu.memory_space<vmem>>, vector<16xi32>,
      %shift_right_logical3A_914 = arith.constant 5 : i32
      %shift_right_logical3A_915 = vector.broadcast %shift_right_logical3A_914 : i32 to vector<16xi32>
      %shift_right_logical3A_916 = arith.shrui %get3A_913, %shift_right_logical3A_915 : vector<16xi32>
      %swap3A_917 = arith.constant 32 : index
      %swap3A_918 = tpu.vector_load %arg11[%swap3A_917] {strides = array<i32>} : memref<64xi32, #tpu.memory_space<vmem>>, vector<16xi32>,
      tpu.vector_store %arg11[%swap3A_917], %shift_right_logical3A_916 {strides = array<i32>} : memref<64xi32, #tpu.memory_space<vmem>>, vector<16xi32>,
      %add3A_919 = arith.constant 32 : i32
      %add3A_920 = vector.broadcast %add3A_919 : i32 to vector<16xi32>
      %add3A_921 = arith.addi %add3A_920, %iota3A : vector<16xi32>
      %and3A_922 = arith.constant 31 : i32
      %and3A_923 = vector.broadcast %and3A_922 : i32 to vector<16xi32>
      %and3A_924 = arith.andi %get3A_913, %and3A_923 : vector<16xi32>
      %mul3A_925 = arith.constant 4 : i32
      %mul3A_926 = vector.broadcast %mul3A_925 : i32 to vector<16xi32>
      %mul3A_927 = arith.muli %and3A_924, %mul3A_926 : vector<16xi32>
      tpu.vector_store_idx %arg14[%add3A_921, %mul3A_927], %broadcast_in_dim3A_19 : memref<64x128xf32, #tpu.memory_space<vmem>>[vector<16xi32>, vector<16xi32>], vector<16xf32>,
      %get3A_928 = arith.constant 112 : index
      %get3A_929 = tpu.vector_load %arg10[%get3A_928] {strides = array<i32>} : memref<128xi32, #tpu.memory_space<vmem>>, vector<16xi32>,
      %shift_right_logical3A_930 = arith.constant 5 : i32
      %shift_right_logical3A_931 = vector.broadcast %shift_right_logical3A_930 : i32 to vector<16xi32>
      %shift_right_logical3A_932 = arith.shrui %get3A_929, %shift_right_logical3A_931 : vector<16xi32>
      %swap3A_933 = arith.constant 48 : index
      %swap3A_934 = tpu.vector_load %arg11[%swap3A_933] {strides = array<i32>} : memref<64xi32, #tpu.memory_space<vmem>>, vector<16xi32>,
      tpu.vector_store %arg11[%swap3A_933], %shift_right_logical3A_932 {strides = array<i32>} : memref<64xi32, #tpu.memory_space<vmem>>, vector<16xi32>,
      %add3A_935 = arith.constant 48 : i32
      %add3A_936 = vector.broadcast %add3A_935 : i32 to vector<16xi32>
      %add3A_937 = arith.addi %add3A_936, %iota3A : vector<16xi32>
      %and3A_938 = arith.constant 31 : i32
      %and3A_939 = vector.broadcast %and3A_938 : i32 to vector<16xi32>
      %and3A_940 = arith.andi %get3A_929, %and3A_939 : vector<16xi32>
      %mul3A_941 = arith.constant 4 : i32
      %mul3A_942 = vector.broadcast %mul3A_941 : i32 to vector<16xi32>
      %mul3A_943 = arith.muli %and3A_940, %mul3A_942 : vector<16xi32>
      tpu.vector_store_idx %arg14[%add3A_937, %mul3A_943], %broadcast_in_dim3A_19 : memref<64x128xf32, #tpu.memory_space<vmem>>[vector<16xi32>, vector<16xi32>], vector<16xf32>,
      "tpu.region"() ({
        %run_scoped3A = tpu.sem_alloc : memref<!tpu.dma_semaphore, #tpu.memory_space<semaphore_mem>>
        %dma_start3A_1022 = arith.constant 0 : i32
        %dma_start3A_1023 = arith.constant 0 : i32
        %dma_start3A_1024 = tpu.memref_slice %arg16[%dma_start3A_1022, %dma_start3A_1023] : memref<320x128xf32, #tpu.memory_space<vmem_shared>> -> memref<320x128xf32, #tpu.memory_space<vmem_shared>>
        tpu.enqueue_indirect_dma source(%arg14 : memref<64x128xf32, #tpu.memory_space<vmem>>) target(%dma_start3A_1024 : memref<320x128xf32, #tpu.memory_space<vmem_shared>>) offsets(%arg11 : memref<64xi32, #tpu.memory_space<vmem>>) semaphore(%run_scoped3A : memref<!tpu.dma_semaphore, #tpu.memory_space<semaphore_mem>>) {add = true}
        %dma_wait3A_1025 = arith.constant 0 : i32
        %dma_wait3A_1026 = arith.constant 0 : i32
        %dma_wait3A_1027 = tpu.memref_slice %arg16[%dma_wait3A_1025, %dma_wait3A_1026] : memref<320x128xf32, #tpu.memory_space<vmem_shared>> -> memref<320x128xf32, #tpu.memory_space<vmem_shared>>
        tpu.wait_indirect_dma semaphore(%run_scoped3A : memref<!tpu.dma_semaphore, #tpu.memory_space<semaphore_mem>>) src(%arg14 : memref<64x128xf32, #tpu.memory_space<vmem>>) dst(%dma_wait3A_1027 : memref<320x128xf32, #tpu.memory_space<vmem_shared>>)
        tpu.yield
      }) : () -> ()
      %get3A_944 = arith.constant 64 : index
      %get3A_945 = tpu.vector_load %arg10[%get3A_944] {strides = array<i32>} : memref<128xi32, #tpu.memory_space<vmem>>, vector<16xi32>,
      %add3A_946 = arith.constant 0 : i32
      %add3A_947 = vector.broadcast %add3A_946 : i32 to vector<16xi32>
      %add3A_948 = arith.addi %add3A_947, %iota3A : vector<16xi32>
      %and3A_949 = arith.constant 31 : i32
      %and3A_950 = vector.broadcast %and3A_949 : i32 to vector<16xi32>
      %and3A_951 = arith.andi %get3A_945, %and3A_950 : vector<16xi32>
      %mul3A_952 = arith.constant 4 : i32
      %mul3A_953 = vector.broadcast %mul3A_952 : i32 to vector<16xi32>
      %mul3A_954 = arith.muli %and3A_951, %mul3A_953 : vector<16xi32>
      tpu.vector_store_idx %arg14[%add3A_948, %mul3A_954], %broadcast_in_dim3A_21 : memref<64x128xf32, #tpu.memory_space<vmem>>[vector<16xi32>, vector<16xi32>], vector<16xf32>,
      %get3A_955 = arith.constant 80 : index
      %get3A_956 = tpu.vector_load %arg10[%get3A_955] {strides = array<i32>} : memref<128xi32, #tpu.memory_space<vmem>>, vector<16xi32>,
      %add3A_957 = arith.constant 16 : i32
      %add3A_958 = vector.broadcast %add3A_957 : i32 to vector<16xi32>
      %add3A_959 = arith.addi %add3A_958, %iota3A : vector<16xi32>
      %and3A_960 = arith.constant 31 : i32
      %and3A_961 = vector.broadcast %and3A_960 : i32 to vector<16xi32>
      %and3A_962 = arith.andi %get3A_956, %and3A_961 : vector<16xi32>
      %mul3A_963 = arith.constant 4 : i32
      %mul3A_964 = vector.broadcast %mul3A_963 : i32 to vector<16xi32>
      %mul3A_965 = arith.muli %and3A_962, %mul3A_964 : vector<16xi32>
      tpu.vector_store_idx %arg14[%add3A_959, %mul3A_965], %broadcast_in_dim3A_21 : memref<64x128xf32, #tpu.memory_space<vmem>>[vector<16xi32>, vector<16xi32>], vector<16xf32>,
      %get3A_966 = arith.constant 96 : index
      %get3A_967 = tpu.vector_load %arg10[%get3A_966] {strides = array<i32>} : memref<128xi32, #tpu.memory_space<vmem>>, vector<16xi32>,
      %add3A_968 = arith.constant 32 : i32
      %add3A_969 = vector.broadcast %add3A_968 : i32 to vector<16xi32>
      %add3A_970 = arith.addi %add3A_969, %iota3A : vector<16xi32>
      %and3A_971 = arith.constant 31 : i32
      %and3A_972 = vector.broadcast %and3A_971 : i32 to vector<16xi32>
      %and3A_973 = arith.andi %get3A_967, %and3A_972 : vector<16xi32>
      %mul3A_974 = arith.constant 4 : i32
      %mul3A_975 = vector.broadcast %mul3A_974 : i32 to vector<16xi32>
      %mul3A_976 = arith.muli %and3A_973, %mul3A_975 : vector<16xi32>
      tpu.vector_store_idx %arg14[%add3A_970, %mul3A_976], %broadcast_in_dim3A_21 : memref<64x128xf32, #tpu.memory_space<vmem>>[vector<16xi32>, vector<16xi32>], vector<16xf32>,
      %get3A_977 = arith.constant 112 : index
      %get3A_978 = tpu.vector_load %arg10[%get3A_977] {strides = array<i32>} : memref<128xi32, #tpu.memory_space<vmem>>, vector<16xi32>,
      %add3A_979 = arith.constant 48 : i32
      %add3A_980 = vector.broadcast %add3A_979 : i32 to vector<16xi32>
      %add3A_981 = arith.addi %add3A_980, %iota3A : vector<16xi32>
      %and3A_982 = arith.constant 31 : i32
      %and3A_983 = vector.broadcast %and3A_982 : i32 to vector<16xi32>
      %and3A_984 = arith.andi %get3A_978, %and3A_983 : vector<16xi32>
      %mul3A_985 = arith.constant 4 : i32
      %mul3A_986 = vector.broadcast %mul3A_985 : i32 to vector<16xi32>
      %mul3A_987 = arith.muli %and3A_984, %mul3A_986 : vector<16xi32>
      tpu.vector_store_idx %arg14[%add3A_981, %mul3A_987], %broadcast_in_dim3A_21 : memref<64x128xf32, #tpu.memory_space<vmem>>[vector<16xi32>, vector<16xi32>], vector<16xf32>,
      %dma_wait3A_988 = arith.constant 0 : i32
      %dma_wait3A_989 = arith.constant 0 : i32
      %dma_wait3A_990 = tpu.memref_slice %arg2[%dma_wait3A_988, %dma_wait3A_989] : memref<10000x128xf32, #tpu.memory_space<hbm>> -> memref<10000x128xf32, #tpu.memory_space<hbm>>
      tpu.wait_indirect_dma semaphore(%arg18 : memref<!tpu.dma_semaphore, #tpu.memory_space<semaphore_mem>>) src(%dma_wait3A_990 : memref<10000x128xf32, #tpu.memory_space<hbm>>) dst(%arg13 : memref<128x128xf32, #tpu.memory_space<vmem>>)
      "tpu.region"() ({
        %run_scoped3A = tpu.sem_alloc : memref<!tpu.dma_semaphore, #tpu.memory_space<semaphore_mem>>
        %dma_start3A_1022 = arith.constant 0 : i32
        %dma_start3A_1023 = arith.constant 0 : i32
        %dma_start3A_1024 = tpu.memref_slice %arg15[%dma_start3A_1022, %dma_start3A_1023] : memref<10000x128xf32, #tpu.memory_space<vmem_shared>> -> memref<10000x128xf32, #tpu.memory_space<vmem_shared>>
        tpu.enqueue_indirect_dma source(%arg13 : memref<128x128xf32, #tpu.memory_space<vmem>>) target(%dma_start3A_1024 : memref<10000x128xf32, #tpu.memory_space<vmem_shared>>) offsets(%arg10 : memref<128xi32, #tpu.memory_space<vmem>>) semaphore(%run_scoped3A : memref<!tpu.dma_semaphore, #tpu.memory_space<semaphore_mem>>) {add = true}
        %dma_wait3A_1025 = arith.constant 0 : i32
        %dma_wait3A_1026 = arith.constant 0 : i32
        %dma_wait3A_1027 = tpu.memref_slice %arg15[%dma_wait3A_1025, %dma_wait3A_1026] : memref<10000x128xf32, #tpu.memory_space<vmem_shared>> -> memref<10000x128xf32, #tpu.memory_space<vmem_shared>>
        tpu.wait_indirect_dma semaphore(%run_scoped3A : memref<!tpu.dma_semaphore, #tpu.memory_space<semaphore_mem>>) src(%arg13 : memref<128x128xf32, #tpu.memory_space<vmem>>) dst(%dma_wait3A_1027 : memref<10000x128xf32, #tpu.memory_space<vmem_shared>>)
        tpu.yield
      }) : () -> ()
      %mul3A_991 = arith.constant 2 : i32
      %mul3A_992 = arith.muli %mul3A_991, %add3A_521 : i32
      %add3A_993 = arith.constant 3 : i32
      %add3A_994 = arith.addi %mul3A_992, %add3A_993 : i32
      %mul3A_995 = arith.constant 32 : i32
      %mul3A_996 = arith.muli %add3A_994, %mul3A_995 : i32
      %add3A_997 = arith.addi %mul3A_996, %add3A : i32
      %mul3A_998 = arith.constant 128 : i32
      %mul3A_999 = arith.muli %add3A_997, %mul3A_998 : i32
      %multiple_of3A_1000 = tpu.assume_multiple %mul3A_999, 128 : i32
      %dma_start3A_1001 = tpu.memref_slice %arg3[%multiple_of3A_1000] : memref<320000xi32, #tpu.memory_space<hbm>> -> memref<128xi32, #tpu.memory_space<hbm>>
      %dma_start3A_1002 = tpu.memref_slice %arg3[%multiple_of3A_1000] : memref<320000xi32, #tpu.memory_space<hbm>> -> memref<128xi32, #tpu.memory_space<hbm>>
      tpu.enqueue_dma source(%dma_start3A_1002 : memref<128xi32, #tpu.memory_space<hbm>>) target(%arg8 : memref<128xi32, #tpu.memory_space<vmem>>) target_semaphore(%arg20 : memref<!tpu.dma_semaphore, #tpu.memory_space<semaphore_mem>>)
      %dma_start3A_1003 = tpu.memref_slice %arg4[%multiple_of3A_1000] : memref<320000xi32, #tpu.memory_space<hbm>> -> memref<128xi32, #tpu.memory_space<hbm>>
      %dma_start3A_1004 = tpu.memref_slice %arg4[%multiple_of3A_1000] : memref<320000xi32, #tpu.memory_space<hbm>> -> memref<128xi32, #tpu.memory_space<hbm>>
      tpu.enqueue_dma source(%dma_start3A_1004 : memref<128xi32, #tpu.memory_space<hbm>>) target(%arg10 : memref<128xi32, #tpu.memory_space<vmem>>) target_semaphore(%arg20 : memref<!tpu.dma_semaphore, #tpu.memory_space<semaphore_mem>>)
      %mul3A_1005 = arith.constant 2 : i32
      %mul3A_1006 = arith.muli %mul3A_1005, %add3A_521 : i32
      %add3A_1007 = arith.constant 2 : i32
      %add3A_1008 = arith.addi %mul3A_1006, %add3A_1007 : i32
      %mul3A_1009 = arith.constant 32 : i32
      %mul3A_1010 = arith.muli %add3A_1008, %mul3A_1009 : i32
      %add3A_1011 = arith.addi %mul3A_1010, %add3A : i32
      %mul3A_1012 = arith.constant 128 : i32
      %mul3A_1013 = arith.muli %add3A_1011, %mul3A_1012 : i32
      %multiple_of3A_1014 = tpu.assume_multiple %mul3A_1013, 128 : i32
      %dma_wait3A_1015 = tpu.memref_slice %arg3[%multiple_of3A_1014] : memref<320000xi32, #tpu.memory_space<hbm>> -> memref<128xi32, #tpu.memory_space<hbm>>
      %dma_wait3A_1016 = tpu.memref_slice %arg3[%multiple_of3A_1014] : memref<320000xi32, #tpu.memory_space<hbm>> -> memref<128xi32, #tpu.memory_space<hbm>>
      tpu.wait_dma2 semaphore(%arg19 : memref<!tpu.dma_semaphore, #tpu.memory_space<semaphore_mem>>) src(%dma_wait3A_1016 : memref<128xi32, #tpu.memory_space<hbm>>) dst(%arg7 : memref<128xi32, #tpu.memory_space<vmem>>)
      %dma_wait3A_1017 = tpu.memref_slice %arg4[%multiple_of3A_1014] : memref<320000xi32, #tpu.memory_space<hbm>> -> memref<128xi32, #tpu.memory_space<hbm>>
      %dma_wait3A_1018 = tpu.memref_slice %arg4[%multiple_of3A_1014] : memref<320000xi32, #tpu.memory_space<hbm>> -> memref<128xi32, #tpu.memory_space<hbm>>
      tpu.wait_dma2 semaphore(%arg19 : memref<!tpu.dma_semaphore, #tpu.memory_space<semaphore_mem>>) src(%dma_wait3A_1018 : memref<128xi32, #tpu.memory_space<hbm>>) dst(%arg9 : memref<128xi32, #tpu.memory_space<vmem>>)
      %dma_start3A_1019 = arith.constant 0 : i32
      %dma_start3A_1020 = arith.constant 0 : i32
      %dma_start3A_1021 = tpu.memref_slice %arg2[%dma_start3A_1019, %dma_start3A_1020] : memref<10000x128xf32, #tpu.memory_space<hbm>> -> memref<10000x128xf32, #tpu.memory_space<hbm>>
      tpu.enqueue_indirect_dma source(%dma_start3A_1021 : memref<10000x128xf32, #tpu.memory_space<hbm>>) target(%arg12 : memref<128x128xf32, #tpu.memory_space<vmem>>) offsets(%arg7 : memref<128xi32, #tpu.memory_space<vmem>>) semaphore(%arg17 : memref<!tpu.dma_semaphore, #tpu.memory_space<semaphore_mem>>)
    }
    %scan3A_49 = arith.constant 38 : i32
    %add3A_50 = arith.constant 2464 : i32
    %add3A_51 = arith.addi %add3A_50, %add3A : i32
    %mul3A_52 = arith.constant 128 : i32
    %mul3A_53 = arith.muli %add3A_51, %mul3A_52 : i32
    %multiple_of3A_54 = tpu.assume_multiple %mul3A_53, 128 : i32
    %dma_wait3A_55 = tpu.memref_slice %arg3[%multiple_of3A_54] : memref<320000xi32, #tpu.memory_space<hbm>> -> memref<128xi32, #tpu.memory_space<hbm>>
    %dma_wait3A_56 = tpu.memref_slice %arg3[%multiple_of3A_54] : memref<320000xi32, #tpu.memory_space<hbm>> -> memref<128xi32, #tpu.memory_space<hbm>>
    tpu.wait_dma2 semaphore(%arg20 : memref<!tpu.dma_semaphore, #tpu.memory_space<semaphore_mem>>) src(%dma_wait3A_56 : memref<128xi32, #tpu.memory_space<hbm>>) dst(%arg8 : memref<128xi32, #tpu.memory_space<vmem>>)
    %dma_wait3A_57 = tpu.memref_slice %arg4[%multiple_of3A_54] : memref<320000xi32, #tpu.memory_space<hbm>> -> memref<128xi32, #tpu.memory_space<hbm>>
    %dma_wait3A_58 = tpu.memref_slice %arg4[%multiple_of3A_54] : memref<320000xi32, #tpu.memory_space<hbm>> -> memref<128xi32, #tpu.memory_space<hbm>>
    tpu.wait_dma2 semaphore(%arg20 : memref<!tpu.dma_semaphore, #tpu.memory_space<semaphore_mem>>) src(%dma_wait3A_58 : memref<128xi32, #tpu.memory_space<hbm>>) dst(%arg10 : memref<128xi32, #tpu.memory_space<vmem>>)
    %dma_start3A_59 = arith.constant 0 : i32
    %dma_start3A_60 = arith.constant 0 : i32
    %dma_start3A_61 = tpu.memref_slice %arg2[%dma_start3A_59, %dma_start3A_60] : memref<10000x128xf32, #tpu.memory_space<hbm>> -> memref<10000x128xf32, #tpu.memory_space<hbm>>
    tpu.enqueue_indirect_dma source(%dma_start3A_61 : memref<10000x128xf32, #tpu.memory_space<hbm>>) target(%arg13 : memref<128x128xf32, #tpu.memory_space<vmem>>) offsets(%arg8 : memref<128xi32, #tpu.memory_space<vmem>>) semaphore(%arg18 : memref<!tpu.dma_semaphore, #tpu.memory_space<semaphore_mem>>)
    %get3A = arith.constant 0 : index
    %get3A_62 = tpu.vector_load %arg9[%get3A] {strides = array<i32>} : memref<128xi32, #tpu.memory_space<vmem>>, vector<16xi32>,
    %shift_right_logical3A = arith.constant 5 : i32
    %shift_right_logical3A_63 = vector.broadcast %shift_right_logical3A : i32 to vector<16xi32>
    %shift_right_logical3A_64 = arith.shrui %get3A_62, %shift_right_logical3A_63 : vector<16xi32>
    %swap3A = arith.constant 0 : index
    %swap3A_65 = tpu.vector_load %arg11[%swap3A] {strides = array<i32>} : memref<64xi32, #tpu.memory_space<vmem>>, vector<16xi32>,
    tpu.vector_store %arg11[%swap3A], %shift_right_logical3A_64 {strides = array<i32>} : memref<64xi32, #tpu.memory_space<vmem>>, vector<16xi32>,
    %add3A_66 = arith.constant 0 : i32
    %add3A_67 = vector.broadcast %add3A_66 : i32 to vector<16xi32>
    %add3A_68 = arith.addi %add3A_67, %iota3A : vector<16xi32>
    %and3A = arith.constant 31 : i32
    %and3A_69 = vector.broadcast %and3A : i32 to vector<16xi32>
    %and3A_70 = arith.andi %get3A_62, %and3A_69 : vector<16xi32>
    %mul3A_71 = arith.constant 4 : i32
    %mul3A_72 = vector.broadcast %mul3A_71 : i32 to vector<16xi32>
    %mul3A_73 = arith.muli %and3A_70, %mul3A_72 : vector<16xi32>
    tpu.vector_store_idx %arg14[%add3A_68, %mul3A_73], %broadcast_in_dim3A_19 : memref<64x128xf32, #tpu.memory_space<vmem>>[vector<16xi32>, vector<16xi32>], vector<16xf32>,
    %get3A_74 = arith.constant 16 : index
    %get3A_75 = tpu.vector_load %arg9[%get3A_74] {strides = array<i32>} : memref<128xi32, #tpu.memory_space<vmem>>, vector<16xi32>,
    %shift_right_logical3A_76 = arith.constant 5 : i32
    %shift_right_logical3A_77 = vector.broadcast %shift_right_logical3A_76 : i32 to vector<16xi32>
    %shift_right_logical3A_78 = arith.shrui %get3A_75, %shift_right_logical3A_77 : vector<16xi32>
    %swap3A_79 = arith.constant 16 : index
    %swap3A_80 = tpu.vector_load %arg11[%swap3A_79] {strides = array<i32>} : memref<64xi32, #tpu.memory_space<vmem>>, vector<16xi32>,
    tpu.vector_store %arg11[%swap3A_79], %shift_right_logical3A_78 {strides = array<i32>} : memref<64xi32, #tpu.memory_space<vmem>>, vector<16xi32>,
    %add3A_81 = arith.constant 16 : i32
    %add3A_82 = vector.broadcast %add3A_81 : i32 to vector<16xi32>
    %add3A_83 = arith.addi %add3A_82, %iota3A : vector<16xi32>
    %and3A_84 = arith.constant 31 : i32
    %and3A_85 = vector.broadcast %and3A_84 : i32 to vector<16xi32>
    %and3A_86 = arith.andi %get3A_75, %and3A_85 : vector<16xi32>
    %mul3A_87 = arith.constant 4 : i32
    %mul3A_88 = vector.broadcast %mul3A_87 : i32 to vector<16xi32>
    %mul3A_89 = arith.muli %and3A_86, %mul3A_88 : vector<16xi32>
    tpu.vector_store_idx %arg14[%add3A_83, %mul3A_89], %broadcast_in_dim3A_19 : memref<64x128xf32, #tpu.memory_space<vmem>>[vector<16xi32>, vector<16xi32>], vector<16xf32>,
    %get3A_90 = arith.constant 32 : index
    %get3A_91 = tpu.vector_load %arg9[%get3A_90] {strides = array<i32>} : memref<128xi32, #tpu.memory_space<vmem>>, vector<16xi32>,
    %shift_right_logical3A_92 = arith.constant 5 : i32
    %shift_right_logical3A_93 = vector.broadcast %shift_right_logical3A_92 : i32 to vector<16xi32>
    %shift_right_logical3A_94 = arith.shrui %get3A_91, %shift_right_logical3A_93 : vector<16xi32>
    %swap3A_95 = arith.constant 32 : index
    %swap3A_96 = tpu.vector_load %arg11[%swap3A_95] {strides = array<i32>} : memref<64xi32, #tpu.memory_space<vmem>>, vector<16xi32>,
    tpu.vector_store %arg11[%swap3A_95], %shift_right_logical3A_94 {strides = array<i32>} : memref<64xi32, #tpu.memory_space<vmem>>, vector<16xi32>,
    %add3A_97 = arith.constant 32 : i32
    %add3A_98 = vector.broadcast %add3A_97 : i32 to vector<16xi32>
    %add3A_99 = arith.addi %add3A_98, %iota3A : vector<16xi32>
    %and3A_100 = arith.constant 31 : i32
    %and3A_101 = vector.broadcast %and3A_100 : i32 to vector<16xi32>
    %and3A_102 = arith.andi %get3A_91, %and3A_101 : vector<16xi32>
    %mul3A_103 = arith.constant 4 : i32
    %mul3A_104 = vector.broadcast %mul3A_103 : i32 to vector<16xi32>
    %mul3A_105 = arith.muli %and3A_102, %mul3A_104 : vector<16xi32>
    tpu.vector_store_idx %arg14[%add3A_99, %mul3A_105], %broadcast_in_dim3A_19 : memref<64x128xf32, #tpu.memory_space<vmem>>[vector<16xi32>, vector<16xi32>], vector<16xf32>,
    %get3A_106 = arith.constant 48 : index
    %get3A_107 = tpu.vector_load %arg9[%get3A_106] {strides = array<i32>} : memref<128xi32, #tpu.memory_space<vmem>>, vector<16xi32>,
    %shift_right_logical3A_108 = arith.constant 5 : i32
    %shift_right_logical3A_109 = vector.broadcast %shift_right_logical3A_108 : i32 to vector<16xi32>
    %shift_right_logical3A_110 = arith.shrui %get3A_107, %shift_right_logical3A_109 : vector<16xi32>
    %swap3A_111 = arith.constant 48 : index
    %swap3A_112 = tpu.vector_load %arg11[%swap3A_111] {strides = array<i32>} : memref<64xi32, #tpu.memory_space<vmem>>, vector<16xi32>,
    tpu.vector_store %arg11[%swap3A_111], %shift_right_logical3A_110 {strides = array<i32>} : memref<64xi32, #tpu.memory_space<vmem>>, vector<16xi32>,
    %add3A_113 = arith.constant 48 : i32
    %add3A_114 = vector.broadcast %add3A_113 : i32 to vector<16xi32>
    %add3A_115 = arith.addi %add3A_114, %iota3A : vector<16xi32>
    %and3A_116 = arith.constant 31 : i32
    %and3A_117 = vector.broadcast %and3A_116 : i32 to vector<16xi32>
    %and3A_118 = arith.andi %get3A_107, %and3A_117 : vector<16xi32>
    %mul3A_119 = arith.constant 4 : i32
    %mul3A_120 = vector.broadcast %mul3A_119 : i32 to vector<16xi32>
    %mul3A_121 = arith.muli %and3A_118, %mul3A_120 : vector<16xi32>
    tpu.vector_store_idx %arg14[%add3A_115, %mul3A_121], %broadcast_in_dim3A_19 : memref<64x128xf32, #tpu.memory_space<vmem>>[vector<16xi32>, vector<16xi32>], vector<16xf32>,
    "tpu.region"() ({
      %run_scoped3A = tpu.sem_alloc : memref<!tpu.dma_semaphore, #tpu.memory_space<semaphore_mem>>
      %dma_start3A_517 = arith.constant 0 : i32
      %dma_start3A_518 = arith.constant 0 : i32
      %dma_start3A_519 = tpu.memref_slice %arg16[%dma_start3A_517, %dma_start3A_518] : memref<320x128xf32, #tpu.memory_space<vmem_shared>> -> memref<320x128xf32, #tpu.memory_space<vmem_shared>>
      tpu.enqueue_indirect_dma source(%arg14 : memref<64x128xf32, #tpu.memory_space<vmem>>) target(%dma_start3A_519 : memref<320x128xf32, #tpu.memory_space<vmem_shared>>) offsets(%arg11 : memref<64xi32, #tpu.memory_space<vmem>>) semaphore(%run_scoped3A : memref<!tpu.dma_semaphore, #tpu.memory_space<semaphore_mem>>) {add = true}
      %dma_wait3A_520 = arith.constant 0 : i32
      %dma_wait3A_521 = arith.constant 0 : i32
      %dma_wait3A_522 = tpu.memref_slice %arg16[%dma_wait3A_520, %dma_wait3A_521] : memref<320x128xf32, #tpu.memory_space<vmem_shared>> -> memref<320x128xf32, #tpu.memory_space<vmem_shared>>
      tpu.wait_indirect_dma semaphore(%run_scoped3A : memref<!tpu.dma_semaphore, #tpu.memory_space<semaphore_mem>>) src(%arg14 : memref<64x128xf32, #tpu.memory_space<vmem>>) dst(%dma_wait3A_522 : memref<320x128xf32, #tpu.memory_space<vmem_shared>>)
      tpu.yield
    }) : () -> ()
    %get3A_122 = arith.constant 0 : index
    %get3A_123 = tpu.vector_load %arg9[%get3A_122] {strides = array<i32>} : memref<128xi32, #tpu.memory_space<vmem>>, vector<16xi32>,
    %add3A_124 = arith.constant 0 : i32
    %add3A_125 = vector.broadcast %add3A_124 : i32 to vector<16xi32>
    %add3A_126 = arith.addi %add3A_125, %iota3A : vector<16xi32>
    %and3A_127 = arith.constant 31 : i32
    %and3A_128 = vector.broadcast %and3A_127 : i32 to vector<16xi32>
    %and3A_129 = arith.andi %get3A_123, %and3A_128 : vector<16xi32>
    %mul3A_130 = arith.constant 4 : i32
    %mul3A_131 = vector.broadcast %mul3A_130 : i32 to vector<16xi32>
    %mul3A_132 = arith.muli %and3A_129, %mul3A_131 : vector<16xi32>
    tpu.vector_store_idx %arg14[%add3A_126, %mul3A_132], %broadcast_in_dim3A_21 : memref<64x128xf32, #tpu.memory_space<vmem>>[vector<16xi32>, vector<16xi32>], vector<16xf32>,
    %get3A_133 = arith.constant 16 : index
    %get3A_134 = tpu.vector_load %arg9[%get3A_133] {strides = array<i32>} : memref<128xi32, #tpu.memory_space<vmem>>, vector<16xi32>,
    %add3A_135 = arith.constant 16 : i32
    %add3A_136 = vector.broadcast %add3A_135 : i32 to vector<16xi32>
    %add3A_137 = arith.addi %add3A_136, %iota3A : vector<16xi32>
    %and3A_138 = arith.constant 31 : i32
    %and3A_139 = vector.broadcast %and3A_138 : i32 to vector<16xi32>
    %and3A_140 = arith.andi %get3A_134, %and3A_139 : vector<16xi32>
    %mul3A_141 = arith.constant 4 : i32
    %mul3A_142 = vector.broadcast %mul3A_141 : i32 to vector<16xi32>
    %mul3A_143 = arith.muli %and3A_140, %mul3A_142 : vector<16xi32>
    tpu.vector_store_idx %arg14[%add3A_137, %mul3A_143], %broadcast_in_dim3A_21 : memref<64x128xf32, #tpu.memory_space<vmem>>[vector<16xi32>, vector<16xi32>], vector<16xf32>,
    %get3A_144 = arith.constant 32 : index
    %get3A_145 = tpu.vector_load %arg9[%get3A_144] {strides = array<i32>} : memref<128xi32, #tpu.memory_space<vmem>>, vector<16xi32>,
    %add3A_146 = arith.constant 32 : i32
    %add3A_147 = vector.broadcast %add3A_146 : i32 to vector<16xi32>
    %add3A_148 = arith.addi %add3A_147, %iota3A : vector<16xi32>
    %and3A_149 = arith.constant 31 : i32
    %and3A_150 = vector.broadcast %and3A_149 : i32 to vector<16xi32>
    %and3A_151 = arith.andi %get3A_145, %and3A_150 : vector<16xi32>
    %mul3A_152 = arith.constant 4 : i32
    %mul3A_153 = vector.broadcast %mul3A_152 : i32 to vector<16xi32>
    %mul3A_154 = arith.muli %and3A_151, %mul3A_153 : vector<16xi32>
    tpu.vector_store_idx %arg14[%add3A_148, %mul3A_154], %broadcast_in_dim3A_21 : memref<64x128xf32, #tpu.memory_space<vmem>>[vector<16xi32>, vector<16xi32>], vector<16xf32>,
    %get3A_155 = arith.constant 48 : index
    %get3A_156 = tpu.vector_load %arg9[%get3A_155] {strides = array<i32>} : memref<128xi32, #tpu.memory_space<vmem>>, vector<16xi32>,
    %add3A_157 = arith.constant 48 : i32
    %add3A_158 = vector.broadcast %add3A_157 : i32 to vector<16xi32>
    %add3A_159 = arith.addi %add3A_158, %iota3A : vector<16xi32>
    %and3A_160 = arith.constant 31 : i32
    %and3A_161 = vector.broadcast %and3A_160 : i32 to vector<16xi32>
    %and3A_162 = arith.andi %get3A_156, %and3A_161 : vector<16xi32>
    %mul3A_163 = arith.constant 4 : i32
    %mul3A_164 = vector.broadcast %mul3A_163 : i32 to vector<16xi32>
    %mul3A_165 = arith.muli %and3A_162, %mul3A_164 : vector<16xi32>
    tpu.vector_store_idx %arg14[%add3A_159, %mul3A_165], %broadcast_in_dim3A_21 : memref<64x128xf32, #tpu.memory_space<vmem>>[vector<16xi32>, vector<16xi32>], vector<16xf32>,
    %get3A_166 = arith.constant 64 : index
    %get3A_167 = tpu.vector_load %arg9[%get3A_166] {strides = array<i32>} : memref<128xi32, #tpu.memory_space<vmem>>, vector<16xi32>,
    %shift_right_logical3A_168 = arith.constant 5 : i32
    %shift_right_logical3A_169 = vector.broadcast %shift_right_logical3A_168 : i32 to vector<16xi32>
    %shift_right_logical3A_170 = arith.shrui %get3A_167, %shift_right_logical3A_169 : vector<16xi32>
    %swap3A_171 = arith.constant 0 : index
    %swap3A_172 = tpu.vector_load %arg11[%swap3A_171] {strides = array<i32>} : memref<64xi32, #tpu.memory_space<vmem>>, vector<16xi32>,
    tpu.vector_store %arg11[%swap3A_171], %shift_right_logical3A_170 {strides = array<i32>} : memref<64xi32, #tpu.memory_space<vmem>>, vector<16xi32>,
    %add3A_173 = arith.constant 0 : i32
    %add3A_174 = vector.broadcast %add3A_173 : i32 to vector<16xi32>
    %add3A_175 = arith.addi %add3A_174, %iota3A : vector<16xi32>
    %and3A_176 = arith.constant 31 : i32
    %and3A_177 = vector.broadcast %and3A_176 : i32 to vector<16xi32>
    %and3A_178 = arith.andi %get3A_167, %and3A_177 : vector<16xi32>
    %mul3A_179 = arith.constant 4 : i32
    %mul3A_180 = vector.broadcast %mul3A_179 : i32 to vector<16xi32>
    %mul3A_181 = arith.muli %and3A_178, %mul3A_180 : vector<16xi32>
    tpu.vector_store_idx %arg14[%add3A_175, %mul3A_181], %broadcast_in_dim3A_19 : memref<64x128xf32, #tpu.memory_space<vmem>>[vector<16xi32>, vector<16xi32>], vector<16xf32>,
    %get3A_182 = arith.constant 80 : index
    %get3A_183 = tpu.vector_load %arg9[%get3A_182] {strides = array<i32>} : memref<128xi32, #tpu.memory_space<vmem>>, vector<16xi32>,
    %shift_right_logical3A_184 = arith.constant 5 : i32
    %shift_right_logical3A_185 = vector.broadcast %shift_right_logical3A_184 : i32 to vector<16xi32>
    %shift_right_logical3A_186 = arith.shrui %get3A_183, %shift_right_logical3A_185 : vector<16xi32>
    %swap3A_187 = arith.constant 16 : index
    %swap3A_188 = tpu.vector_load %arg11[%swap3A_187] {strides = array<i32>} : memref<64xi32, #tpu.memory_space<vmem>>, vector<16xi32>,
    tpu.vector_store %arg11[%swap3A_187], %shift_right_logical3A_186 {strides = array<i32>} : memref<64xi32, #tpu.memory_space<vmem>>, vector<16xi32>,
    %add3A_189 = arith.constant 16 : i32
    %add3A_190 = vector.broadcast %add3A_189 : i32 to vector<16xi32>
    %add3A_191 = arith.addi %add3A_190, %iota3A : vector<16xi32>
    %and3A_192 = arith.constant 31 : i32
    %and3A_193 = vector.broadcast %and3A_192 : i32 to vector<16xi32>
    %and3A_194 = arith.andi %get3A_183, %and3A_193 : vector<16xi32>
    %mul3A_195 = arith.constant 4 : i32
    %mul3A_196 = vector.broadcast %mul3A_195 : i32 to vector<16xi32>
    %mul3A_197 = arith.muli %and3A_194, %mul3A_196 : vector<16xi32>
    tpu.vector_store_idx %arg14[%add3A_191, %mul3A_197], %broadcast_in_dim3A_19 : memref<64x128xf32, #tpu.memory_space<vmem>>[vector<16xi32>, vector<16xi32>], vector<16xf32>,
    %get3A_198 = arith.constant 96 : index
    %get3A_199 = tpu.vector_load %arg9[%get3A_198] {strides = array<i32>} : memref<128xi32, #tpu.memory_space<vmem>>, vector<16xi32>,
    %shift_right_logical3A_200 = arith.constant 5 : i32
    %shift_right_logical3A_201 = vector.broadcast %shift_right_logical3A_200 : i32 to vector<16xi32>
    %shift_right_logical3A_202 = arith.shrui %get3A_199, %shift_right_logical3A_201 : vector<16xi32>
    %swap3A_203 = arith.constant 32 : index
    %swap3A_204 = tpu.vector_load %arg11[%swap3A_203] {strides = array<i32>} : memref<64xi32, #tpu.memory_space<vmem>>, vector<16xi32>,
    tpu.vector_store %arg11[%swap3A_203], %shift_right_logical3A_202 {strides = array<i32>} : memref<64xi32, #tpu.memory_space<vmem>>, vector<16xi32>,
    %add3A_205 = arith.constant 32 : i32
    %add3A_206 = vector.broadcast %add3A_205 : i32 to vector<16xi32>
    %add3A_207 = arith.addi %add3A_206, %iota3A : vector<16xi32>
    %and3A_208 = arith.constant 31 : i32
    %and3A_209 = vector.broadcast %and3A_208 : i32 to vector<16xi32>
    %and3A_210 = arith.andi %get3A_199, %and3A_209 : vector<16xi32>
    %mul3A_211 = arith.constant 4 : i32
    %mul3A_212 = vector.broadcast %mul3A_211 : i32 to vector<16xi32>
    %mul3A_213 = arith.muli %and3A_210, %mul3A_212 : vector<16xi32>
    tpu.vector_store_idx %arg14[%add3A_207, %mul3A_213], %broadcast_in_dim3A_19 : memref<64x128xf32, #tpu.memory_space<vmem>>[vector<16xi32>, vector<16xi32>], vector<16xf32>,
    %get3A_214 = arith.constant 112 : index
    %get3A_215 = tpu.vector_load %arg9[%get3A_214] {strides = array<i32>} : memref<128xi32, #tpu.memory_space<vmem>>, vector<16xi32>,
    %shift_right_logical3A_216 = arith.constant 5 : i32
    %shift_right_logical3A_217 = vector.broadcast %shift_right_logical3A_216 : i32 to vector<16xi32>
    %shift_right_logical3A_218 = arith.shrui %get3A_215, %shift_right_logical3A_217 : vector<16xi32>
    %swap3A_219 = arith.constant 48 : index
    %swap3A_220 = tpu.vector_load %arg11[%swap3A_219] {strides = array<i32>} : memref<64xi32, #tpu.memory_space<vmem>>, vector<16xi32>,
    tpu.vector_store %arg11[%swap3A_219], %shift_right_logical3A_218 {strides = array<i32>} : memref<64xi32, #tpu.memory_space<vmem>>, vector<16xi32>,
    %add3A_221 = arith.constant 48 : i32
    %add3A_222 = vector.broadcast %add3A_221 : i32 to vector<16xi32>
    %add3A_223 = arith.addi %add3A_222, %iota3A : vector<16xi32>
    %and3A_224 = arith.constant 31 : i32
    %and3A_225 = vector.broadcast %and3A_224 : i32 to vector<16xi32>
    %and3A_226 = arith.andi %get3A_215, %and3A_225 : vector<16xi32>
    %mul3A_227 = arith.constant 4 : i32
    %mul3A_228 = vector.broadcast %mul3A_227 : i32 to vector<16xi32>
    %mul3A_229 = arith.muli %and3A_226, %mul3A_228 : vector<16xi32>
    tpu.vector_store_idx %arg14[%add3A_223, %mul3A_229], %broadcast_in_dim3A_19 : memref<64x128xf32, #tpu.memory_space<vmem>>[vector<16xi32>, vector<16xi32>], vector<16xf32>,
    "tpu.region"() ({
      %run_scoped3A = tpu.sem_alloc : memref<!tpu.dma_semaphore, #tpu.memory_space<semaphore_mem>>
      %dma_start3A_517 = arith.constant 0 : i32
      %dma_start3A_518 = arith.constant 0 : i32
      %dma_start3A_519 = tpu.memref_slice %arg16[%dma_start3A_517, %dma_start3A_518] : memref<320x128xf32, #tpu.memory_space<vmem_shared>> -> memref<320x128xf32, #tpu.memory_space<vmem_shared>>
      tpu.enqueue_indirect_dma source(%arg14 : memref<64x128xf32, #tpu.memory_space<vmem>>) target(%dma_start3A_519 : memref<320x128xf32, #tpu.memory_space<vmem_shared>>) offsets(%arg11 : memref<64xi32, #tpu.memory_space<vmem>>) semaphore(%run_scoped3A : memref<!tpu.dma_semaphore, #tpu.memory_space<semaphore_mem>>) {add = true}
      %dma_wait3A_520 = arith.constant 0 : i32
      %dma_wait3A_521 = arith.constant 0 : i32
      %dma_wait3A_522 = tpu.memref_slice %arg16[%dma_wait3A_520, %dma_wait3A_521] : memref<320x128xf32, #tpu.memory_space<vmem_shared>> -> memref<320x128xf32, #tpu.memory_space<vmem_shared>>
      tpu.wait_indirect_dma semaphore(%run_scoped3A : memref<!tpu.dma_semaphore, #tpu.memory_space<semaphore_mem>>) src(%arg14 : memref<64x128xf32, #tpu.memory_space<vmem>>) dst(%dma_wait3A_522 : memref<320x128xf32, #tpu.memory_space<vmem_shared>>)
      tpu.yield
    }) : () -> ()
    %get3A_230 = arith.constant 64 : index
    %get3A_231 = tpu.vector_load %arg9[%get3A_230] {strides = array<i32>} : memref<128xi32, #tpu.memory_space<vmem>>, vector<16xi32>,
    %add3A_232 = arith.constant 0 : i32
    %add3A_233 = vector.broadcast %add3A_232 : i32 to vector<16xi32>
    %add3A_234 = arith.addi %add3A_233, %iota3A : vector<16xi32>
    %and3A_235 = arith.constant 31 : i32
    %and3A_236 = vector.broadcast %and3A_235 : i32 to vector<16xi32>
    %and3A_237 = arith.andi %get3A_231, %and3A_236 : vector<16xi32>
    %mul3A_238 = arith.constant 4 : i32
    %mul3A_239 = vector.broadcast %mul3A_238 : i32 to vector<16xi32>
    %mul3A_240 = arith.muli %and3A_237, %mul3A_239 : vector<16xi32>
    tpu.vector_store_idx %arg14[%add3A_234, %mul3A_240], %broadcast_in_dim3A_21 : memref<64x128xf32, #tpu.memory_space<vmem>>[vector<16xi32>, vector<16xi32>], vector<16xf32>,
    %get3A_241 = arith.constant 80 : index
    %get3A_242 = tpu.vector_load %arg9[%get3A_241] {strides = array<i32>} : memref<128xi32, #tpu.memory_space<vmem>>, vector<16xi32>,
    %add3A_243 = arith.constant 16 : i32
    %add3A_244 = vector.broadcast %add3A_243 : i32 to vector<16xi32>
    %add3A_245 = arith.addi %add3A_244, %iota3A : vector<16xi32>
    %and3A_246 = arith.constant 31 : i32
    %and3A_247 = vector.broadcast %and3A_246 : i32 to vector<16xi32>
    %and3A_248 = arith.andi %get3A_242, %and3A_247 : vector<16xi32>
    %mul3A_249 = arith.constant 4 : i32
    %mul3A_250 = vector.broadcast %mul3A_249 : i32 to vector<16xi32>
    %mul3A_251 = arith.muli %and3A_248, %mul3A_250 : vector<16xi32>
    tpu.vector_store_idx %arg14[%add3A_245, %mul3A_251], %broadcast_in_dim3A_21 : memref<64x128xf32, #tpu.memory_space<vmem>>[vector<16xi32>, vector<16xi32>], vector<16xf32>,
    %get3A_252 = arith.constant 96 : index
    %get3A_253 = tpu.vector_load %arg9[%get3A_252] {strides = array<i32>} : memref<128xi32, #tpu.memory_space<vmem>>, vector<16xi32>,
    %add3A_254 = arith.constant 32 : i32
    %add3A_255 = vector.broadcast %add3A_254 : i32 to vector<16xi32>
    %add3A_256 = arith.addi %add3A_255, %iota3A : vector<16xi32>
    %and3A_257 = arith.constant 31 : i32
    %and3A_258 = vector.broadcast %and3A_257 : i32 to vector<16xi32>
    %and3A_259 = arith.andi %get3A_253, %and3A_258 : vector<16xi32>
    %mul3A_260 = arith.constant 4 : i32
    %mul3A_261 = vector.broadcast %mul3A_260 : i32 to vector<16xi32>
    %mul3A_262 = arith.muli %and3A_259, %mul3A_261 : vector<16xi32>
    tpu.vector_store_idx %arg14[%add3A_256, %mul3A_262], %broadcast_in_dim3A_21 : memref<64x128xf32, #tpu.memory_space<vmem>>[vector<16xi32>, vector<16xi32>], vector<16xf32>,
    %get3A_263 = arith.constant 112 : index
    %get3A_264 = tpu.vector_load %arg9[%get3A_263] {strides = array<i32>} : memref<128xi32, #tpu.memory_space<vmem>>, vector<16xi32>,
    %add3A_265 = arith.constant 48 : i32
    %add3A_266 = vector.broadcast %add3A_265 : i32 to vector<16xi32>
    %add3A_267 = arith.addi %add3A_266, %iota3A : vector<16xi32>
    %and3A_268 = arith.constant 31 : i32
    %and3A_269 = vector.broadcast %and3A_268 : i32 to vector<16xi32>
    %and3A_270 = arith.andi %get3A_264, %and3A_269 : vector<16xi32>
    %mul3A_271 = arith.constant 4 : i32
    %mul3A_272 = vector.broadcast %mul3A_271 : i32 to vector<16xi32>
    %mul3A_273 = arith.muli %and3A_270, %mul3A_272 : vector<16xi32>
    tpu.vector_store_idx %arg14[%add3A_267, %mul3A_273], %broadcast_in_dim3A_21 : memref<64x128xf32, #tpu.memory_space<vmem>>[vector<16xi32>, vector<16xi32>], vector<16xf32>,
    %dma_wait3A_274 = arith.constant 0 : i32
    %dma_wait3A_275 = arith.constant 0 : i32
    %dma_wait3A_276 = tpu.memref_slice %arg2[%dma_wait3A_274, %dma_wait3A_275] : memref<10000x128xf32, #tpu.memory_space<hbm>> -> memref<10000x128xf32, #tpu.memory_space<hbm>>
    tpu.wait_indirect_dma semaphore(%arg17 : memref<!tpu.dma_semaphore, #tpu.memory_space<semaphore_mem>>) src(%dma_wait3A_276 : memref<10000x128xf32, #tpu.memory_space<hbm>>) dst(%arg12 : memref<128x128xf32, #tpu.memory_space<vmem>>)
    "tpu.region"() ({
      %run_scoped3A = tpu.sem_alloc : memref<!tpu.dma_semaphore, #tpu.memory_space<semaphore_mem>>
      %dma_start3A_517 = arith.constant 0 : i32
      %dma_start3A_518 = arith.constant 0 : i32
      %dma_start3A_519 = tpu.memref_slice %arg15[%dma_start3A_517, %dma_start3A_518] : memref<10000x128xf32, #tpu.memory_space<vmem_shared>> -> memref<10000x128xf32, #tpu.memory_space<vmem_shared>>
      tpu.enqueue_indirect_dma source(%arg12 : memref<128x128xf32, #tpu.memory_space<vmem>>) target(%dma_start3A_519 : memref<10000x128xf32, #tpu.memory_space<vmem_shared>>) offsets(%arg9 : memref<128xi32, #tpu.memory_space<vmem>>) semaphore(%run_scoped3A : memref<!tpu.dma_semaphore, #tpu.memory_space<semaphore_mem>>) {add = true}
      %dma_wait3A_520 = arith.constant 0 : i32
      %dma_wait3A_521 = arith.constant 0 : i32
      %dma_wait3A_522 = tpu.memref_slice %arg15[%dma_wait3A_520, %dma_wait3A_521] : memref<10000x128xf32, #tpu.memory_space<vmem_shared>> -> memref<10000x128xf32, #tpu.memory_space<vmem_shared>>
      tpu.wait_indirect_dma semaphore(%run_scoped3A : memref<!tpu.dma_semaphore, #tpu.memory_space<semaphore_mem>>) src(%arg12 : memref<128x128xf32, #tpu.memory_space<vmem>>) dst(%dma_wait3A_522 : memref<10000x128xf32, #tpu.memory_space<vmem_shared>>)
      tpu.yield
    }) : () -> ()
    %get3A_277 = arith.constant 0 : index
    %get3A_278 = tpu.vector_load %arg10[%get3A_277] {strides = array<i32>} : memref<128xi32, #tpu.memory_space<vmem>>, vector<16xi32>,
    %shift_right_logical3A_279 = arith.constant 5 : i32
    %shift_right_logical3A_280 = vector.broadcast %shift_right_logical3A_279 : i32 to vector<16xi32>
    %shift_right_logical3A_281 = arith.shrui %get3A_278, %shift_right_logical3A_280 : vector<16xi32>
    %swap3A_282 = arith.constant 0 : index
    %swap3A_283 = tpu.vector_load %arg11[%swap3A_282] {strides = array<i32>} : memref<64xi32, #tpu.memory_space<vmem>>, vector<16xi32>,
    tpu.vector_store %arg11[%swap3A_282], %shift_right_logical3A_281 {strides = array<i32>} : memref<64xi32, #tpu.memory_space<vmem>>, vector<16xi32>,
    %add3A_284 = arith.constant 0 : i32
    %add3A_285 = vector.broadcast %add3A_284 : i32 to vector<16xi32>
    %add3A_286 = arith.addi %add3A_285, %iota3A : vector<16xi32>
    %and3A_287 = arith.constant 31 : i32
    %and3A_288 = vector.broadcast %and3A_287 : i32 to vector<16xi32>
    %and3A_289 = arith.andi %get3A_278, %and3A_288 : vector<16xi32>
    %mul3A_290 = arith.constant 4 : i32
    %mul3A_291 = vector.broadcast %mul3A_290 : i32 to vector<16xi32>
    %mul3A_292 = arith.muli %and3A_289, %mul3A_291 : vector<16xi32>
    tpu.vector_store_idx %arg14[%add3A_286, %mul3A_292], %broadcast_in_dim3A_19 : memref<64x128xf32, #tpu.memory_space<vmem>>[vector<16xi32>, vector<16xi32>], vector<16xf32>,
    %get3A_293 = arith.constant 16 : index
    %get3A_294 = tpu.vector_load %arg10[%get3A_293] {strides = array<i32>} : memref<128xi32, #tpu.memory_space<vmem>>, vector<16xi32>,
    %shift_right_logical3A_295 = arith.constant 5 : i32
    %shift_right_logical3A_296 = vector.broadcast %shift_right_logical3A_295 : i32 to vector<16xi32>
    %shift_right_logical3A_297 = arith.shrui %get3A_294, %shift_right_logical3A_296 : vector<16xi32>
    %swap3A_298 = arith.constant 16 : index
    %swap3A_299 = tpu.vector_load %arg11[%swap3A_298] {strides = array<i32>} : memref<64xi32, #tpu.memory_space<vmem>>, vector<16xi32>,
    tpu.vector_store %arg11[%swap3A_298], %shift_right_logical3A_297 {strides = array<i32>} : memref<64xi32, #tpu.memory_space<vmem>>, vector<16xi32>,
    %add3A_300 = arith.constant 16 : i32
    %add3A_301 = vector.broadcast %add3A_300 : i32 to vector<16xi32>
    %add3A_302 = arith.addi %add3A_301, %iota3A : vector<16xi32>
    %and3A_303 = arith.constant 31 : i32
    %and3A_304 = vector.broadcast %and3A_303 : i32 to vector<16xi32>
    %and3A_305 = arith.andi %get3A_294, %and3A_304 : vector<16xi32>
    %mul3A_306 = arith.constant 4 : i32
    %mul3A_307 = vector.broadcast %mul3A_306 : i32 to vector<16xi32>
    %mul3A_308 = arith.muli %and3A_305, %mul3A_307 : vector<16xi32>
    tpu.vector_store_idx %arg14[%add3A_302, %mul3A_308], %broadcast_in_dim3A_19 : memref<64x128xf32, #tpu.memory_space<vmem>>[vector<16xi32>, vector<16xi32>], vector<16xf32>,
    %get3A_309 = arith.constant 32 : index
    %get3A_310 = tpu.vector_load %arg10[%get3A_309] {strides = array<i32>} : memref<128xi32, #tpu.memory_space<vmem>>, vector<16xi32>,
    %shift_right_logical3A_311 = arith.constant 5 : i32
    %shift_right_logical3A_312 = vector.broadcast %shift_right_logical3A_311 : i32 to vector<16xi32>
    %shift_right_logical3A_313 = arith.shrui %get3A_310, %shift_right_logical3A_312 : vector<16xi32>
    %swap3A_314 = arith.constant 32 : index
    %swap3A_315 = tpu.vector_load %arg11[%swap3A_314] {strides = array<i32>} : memref<64xi32, #tpu.memory_space<vmem>>, vector<16xi32>,
    tpu.vector_store %arg11[%swap3A_314], %shift_right_logical3A_313 {strides = array<i32>} : memref<64xi32, #tpu.memory_space<vmem>>, vector<16xi32>,
    %add3A_316 = arith.constant 32 : i32
    %add3A_317 = vector.broadcast %add3A_316 : i32 to vector<16xi32>
    %add3A_318 = arith.addi %add3A_317, %iota3A : vector<16xi32>
    %and3A_319 = arith.constant 31 : i32
    %and3A_320 = vector.broadcast %and3A_319 : i32 to vector<16xi32>
    %and3A_321 = arith.andi %get3A_310, %and3A_320 : vector<16xi32>
    %mul3A_322 = arith.constant 4 : i32
    %mul3A_323 = vector.broadcast %mul3A_322 : i32 to vector<16xi32>
    %mul3A_324 = arith.muli %and3A_321, %mul3A_323 : vector<16xi32>
    tpu.vector_store_idx %arg14[%add3A_318, %mul3A_324], %broadcast_in_dim3A_19 : memref<64x128xf32, #tpu.memory_space<vmem>>[vector<16xi32>, vector<16xi32>], vector<16xf32>,
    %get3A_325 = arith.constant 48 : index
    %get3A_326 = tpu.vector_load %arg10[%get3A_325] {strides = array<i32>} : memref<128xi32, #tpu.memory_space<vmem>>, vector<16xi32>,
    %shift_right_logical3A_327 = arith.constant 5 : i32
    %shift_right_logical3A_328 = vector.broadcast %shift_right_logical3A_327 : i32 to vector<16xi32>
    %shift_right_logical3A_329 = arith.shrui %get3A_326, %shift_right_logical3A_328 : vector<16xi32>
    %swap3A_330 = arith.constant 48 : index
    %swap3A_331 = tpu.vector_load %arg11[%swap3A_330] {strides = array<i32>} : memref<64xi32, #tpu.memory_space<vmem>>, vector<16xi32>,
    tpu.vector_store %arg11[%swap3A_330], %shift_right_logical3A_329 {strides = array<i32>} : memref<64xi32, #tpu.memory_space<vmem>>, vector<16xi32>,
    %add3A_332 = arith.constant 48 : i32
    %add3A_333 = vector.broadcast %add3A_332 : i32 to vector<16xi32>
    %add3A_334 = arith.addi %add3A_333, %iota3A : vector<16xi32>
    %and3A_335 = arith.constant 31 : i32
    %and3A_336 = vector.broadcast %and3A_335 : i32 to vector<16xi32>
    %and3A_337 = arith.andi %get3A_326, %and3A_336 : vector<16xi32>
    %mul3A_338 = arith.constant 4 : i32
    %mul3A_339 = vector.broadcast %mul3A_338 : i32 to vector<16xi32>
    %mul3A_340 = arith.muli %and3A_337, %mul3A_339 : vector<16xi32>
    tpu.vector_store_idx %arg14[%add3A_334, %mul3A_340], %broadcast_in_dim3A_19 : memref<64x128xf32, #tpu.memory_space<vmem>>[vector<16xi32>, vector<16xi32>], vector<16xf32>,
    "tpu.region"() ({
      %run_scoped3A = tpu.sem_alloc : memref<!tpu.dma_semaphore, #tpu.memory_space<semaphore_mem>>
      %dma_start3A_517 = arith.constant 0 : i32
      %dma_start3A_518 = arith.constant 0 : i32
      %dma_start3A_519 = tpu.memref_slice %arg16[%dma_start3A_517, %dma_start3A_518] : memref<320x128xf32, #tpu.memory_space<vmem_shared>> -> memref<320x128xf32, #tpu.memory_space<vmem_shared>>
      tpu.enqueue_indirect_dma source(%arg14 : memref<64x128xf32, #tpu.memory_space<vmem>>) target(%dma_start3A_519 : memref<320x128xf32, #tpu.memory_space<vmem_shared>>) offsets(%arg11 : memref<64xi32, #tpu.memory_space<vmem>>) semaphore(%run_scoped3A : memref<!tpu.dma_semaphore, #tpu.memory_space<semaphore_mem>>) {add = true}
      %dma_wait3A_520 = arith.constant 0 : i32
      %dma_wait3A_521 = arith.constant 0 : i32
      %dma_wait3A_522 = tpu.memref_slice %arg16[%dma_wait3A_520, %dma_wait3A_521] : memref<320x128xf32, #tpu.memory_space<vmem_shared>> -> memref<320x128xf32, #tpu.memory_space<vmem_shared>>
      tpu.wait_indirect_dma semaphore(%run_scoped3A : memref<!tpu.dma_semaphore, #tpu.memory_space<semaphore_mem>>) src(%arg14 : memref<64x128xf32, #tpu.memory_space<vmem>>) dst(%dma_wait3A_522 : memref<320x128xf32, #tpu.memory_space<vmem_shared>>)
      tpu.yield
    }) : () -> ()
    %get3A_341 = arith.constant 0 : index
    %get3A_342 = tpu.vector_load %arg10[%get3A_341] {strides = array<i32>} : memref<128xi32, #tpu.memory_space<vmem>>, vector<16xi32>,
    %add3A_343 = arith.constant 0 : i32
    %add3A_344 = vector.broadcast %add3A_343 : i32 to vector<16xi32>
    %add3A_345 = arith.addi %add3A_344, %iota3A : vector<16xi32>
    %and3A_346 = arith.constant 31 : i32
    %and3A_347 = vector.broadcast %and3A_346 : i32 to vector<16xi32>
    %and3A_348 = arith.andi %get3A_342, %and3A_347 : vector<16xi32>
    %mul3A_349 = arith.constant 4 : i32
    %mul3A_350 = vector.broadcast %mul3A_349 : i32 to vector<16xi32>
    %mul3A_351 = arith.muli %and3A_348, %mul3A_350 : vector<16xi32>
    tpu.vector_store_idx %arg14[%add3A_345, %mul3A_351], %broadcast_in_dim3A_21 : memref<64x128xf32, #tpu.memory_space<vmem>>[vector<16xi32>, vector<16xi32>], vector<16xf32>,
    %get3A_352 = arith.constant 16 : index
    %get3A_353 = tpu.vector_load %arg10[%get3A_352] {strides = array<i32>} : memref<128xi32, #tpu.memory_space<vmem>>, vector<16xi32>,
    %add3A_354 = arith.constant 16 : i32
    %add3A_355 = vector.broadcast %add3A_354 : i32 to vector<16xi32>
    %add3A_356 = arith.addi %add3A_355, %iota3A : vector<16xi32>
    %and3A_357 = arith.constant 31 : i32
    %and3A_358 = vector.broadcast %and3A_357 : i32 to vector<16xi32>
    %and3A_359 = arith.andi %get3A_353, %and3A_358 : vector<16xi32>
    %mul3A_360 = arith.constant 4 : i32
    %mul3A_361 = vector.broadcast %mul3A_360 : i32 to vector<16xi32>
    %mul3A_362 = arith.muli %and3A_359, %mul3A_361 : vector<16xi32>
    tpu.vector_store_idx %arg14[%add3A_356, %mul3A_362], %broadcast_in_dim3A_21 : memref<64x128xf32, #tpu.memory_space<vmem>>[vector<16xi32>, vector<16xi32>], vector<16xf32>,
    %get3A_363 = arith.constant 32 : index
    %get3A_364 = tpu.vector_load %arg10[%get3A_363] {strides = array<i32>} : memref<128xi32, #tpu.memory_space<vmem>>, vector<16xi32>,
    %add3A_365 = arith.constant 32 : i32
    %add3A_366 = vector.broadcast %add3A_365 : i32 to vector<16xi32>
    %add3A_367 = arith.addi %add3A_366, %iota3A : vector<16xi32>
    %and3A_368 = arith.constant 31 : i32
    %and3A_369 = vector.broadcast %and3A_368 : i32 to vector<16xi32>
    %and3A_370 = arith.andi %get3A_364, %and3A_369 : vector<16xi32>
    %mul3A_371 = arith.constant 4 : i32
    %mul3A_372 = vector.broadcast %mul3A_371 : i32 to vector<16xi32>
    %mul3A_373 = arith.muli %and3A_370, %mul3A_372 : vector<16xi32>
    tpu.vector_store_idx %arg14[%add3A_367, %mul3A_373], %broadcast_in_dim3A_21 : memref<64x128xf32, #tpu.memory_space<vmem>>[vector<16xi32>, vector<16xi32>], vector<16xf32>,
    %get3A_374 = arith.constant 48 : index
    %get3A_375 = tpu.vector_load %arg10[%get3A_374] {strides = array<i32>} : memref<128xi32, #tpu.memory_space<vmem>>, vector<16xi32>,
    %add3A_376 = arith.constant 48 : i32
    %add3A_377 = vector.broadcast %add3A_376 : i32 to vector<16xi32>
    %add3A_378 = arith.addi %add3A_377, %iota3A : vector<16xi32>
    %and3A_379 = arith.constant 31 : i32
    %and3A_380 = vector.broadcast %and3A_379 : i32 to vector<16xi32>
    %and3A_381 = arith.andi %get3A_375, %and3A_380 : vector<16xi32>
    %mul3A_382 = arith.constant 4 : i32
    %mul3A_383 = vector.broadcast %mul3A_382 : i32 to vector<16xi32>
    %mul3A_384 = arith.muli %and3A_381, %mul3A_383 : vector<16xi32>
    tpu.vector_store_idx %arg14[%add3A_378, %mul3A_384], %broadcast_in_dim3A_21 : memref<64x128xf32, #tpu.memory_space<vmem>>[vector<16xi32>, vector<16xi32>], vector<16xf32>,
    %get3A_385 = arith.constant 64 : index
    %get3A_386 = tpu.vector_load %arg10[%get3A_385] {strides = array<i32>} : memref<128xi32, #tpu.memory_space<vmem>>, vector<16xi32>,
    %shift_right_logical3A_387 = arith.constant 5 : i32
    %shift_right_logical3A_388 = vector.broadcast %shift_right_logical3A_387 : i32 to vector<16xi32>
    %shift_right_logical3A_389 = arith.shrui %get3A_386, %shift_right_logical3A_388 : vector<16xi32>
    %swap3A_390 = arith.constant 0 : index
    %swap3A_391 = tpu.vector_load %arg11[%swap3A_390] {strides = array<i32>} : memref<64xi32, #tpu.memory_space<vmem>>, vector<16xi32>,
    tpu.vector_store %arg11[%swap3A_390], %shift_right_logical3A_389 {strides = array<i32>} : memref<64xi32, #tpu.memory_space<vmem>>, vector<16xi32>,
    %add3A_392 = arith.constant 0 : i32
    %add3A_393 = vector.broadcast %add3A_392 : i32 to vector<16xi32>
    %add3A_394 = arith.addi %add3A_393, %iota3A : vector<16xi32>
    %and3A_395 = arith.constant 31 : i32
    %and3A_396 = vector.broadcast %and3A_395 : i32 to vector<16xi32>
    %and3A_397 = arith.andi %get3A_386, %and3A_396 : vector<16xi32>
    %mul3A_398 = arith.constant 4 : i32
    %mul3A_399 = vector.broadcast %mul3A_398 : i32 to vector<16xi32>
    %mul3A_400 = arith.muli %and3A_397, %mul3A_399 : vector<16xi32>
    tpu.vector_store_idx %arg14[%add3A_394, %mul3A_400], %broadcast_in_dim3A_19 : memref<64x128xf32, #tpu.memory_space<vmem>>[vector<16xi32>, vector<16xi32>], vector<16xf32>,
    %get3A_401 = arith.constant 80 : index
    %get3A_402 = tpu.vector_load %arg10[%get3A_401] {strides = array<i32>} : memref<128xi32, #tpu.memory_space<vmem>>, vector<16xi32>,
    %shift_right_logical3A_403 = arith.constant 5 : i32
    %shift_right_logical3A_404 = vector.broadcast %shift_right_logical3A_403 : i32 to vector<16xi32>
    %shift_right_logical3A_405 = arith.shrui %get3A_402, %shift_right_logical3A_404 : vector<16xi32>
    %swap3A_406 = arith.constant 16 : index
    %swap3A_407 = tpu.vector_load %arg11[%swap3A_406] {strides = array<i32>} : memref<64xi32, #tpu.memory_space<vmem>>, vector<16xi32>,
    tpu.vector_store %arg11[%swap3A_406], %shift_right_logical3A_405 {strides = array<i32>} : memref<64xi32, #tpu.memory_space<vmem>>, vector<16xi32>,
    %add3A_408 = arith.constant 16 : i32
    %add3A_409 = vector.broadcast %add3A_408 : i32 to vector<16xi32>
    %add3A_410 = arith.addi %add3A_409, %iota3A : vector<16xi32>
    %and3A_411 = arith.constant 31 : i32
    %and3A_412 = vector.broadcast %and3A_411 : i32 to vector<16xi32>
    %and3A_413 = arith.andi %get3A_402, %and3A_412 : vector<16xi32>
    %mul3A_414 = arith.constant 4 : i32
    %mul3A_415 = vector.broadcast %mul3A_414 : i32 to vector<16xi32>
    %mul3A_416 = arith.muli %and3A_413, %mul3A_415 : vector<16xi32>
    tpu.vector_store_idx %arg14[%add3A_410, %mul3A_416], %broadcast_in_dim3A_19 : memref<64x128xf32, #tpu.memory_space<vmem>>[vector<16xi32>, vector<16xi32>], vector<16xf32>,
    %get3A_417 = arith.constant 96 : index
    %get3A_418 = tpu.vector_load %arg10[%get3A_417] {strides = array<i32>} : memref<128xi32, #tpu.memory_space<vmem>>, vector<16xi32>,
    %shift_right_logical3A_419 = arith.constant 5 : i32
    %shift_right_logical3A_420 = vector.broadcast %shift_right_logical3A_419 : i32 to vector<16xi32>
    %shift_right_logical3A_421 = arith.shrui %get3A_418, %shift_right_logical3A_420 : vector<16xi32>
    %swap3A_422 = arith.constant 32 : index
    %swap3A_423 = tpu.vector_load %arg11[%swap3A_422] {strides = array<i32>} : memref<64xi32, #tpu.memory_space<vmem>>, vector<16xi32>,
    tpu.vector_store %arg11[%swap3A_422], %shift_right_logical3A_421 {strides = array<i32>} : memref<64xi32, #tpu.memory_space<vmem>>, vector<16xi32>,
    %add3A_424 = arith.constant 32 : i32
    %add3A_425 = vector.broadcast %add3A_424 : i32 to vector<16xi32>
    %add3A_426 = arith.addi %add3A_425, %iota3A : vector<16xi32>
    %and3A_427 = arith.constant 31 : i32
    %and3A_428 = vector.broadcast %and3A_427 : i32 to vector<16xi32>
    %and3A_429 = arith.andi %get3A_418, %and3A_428 : vector<16xi32>
    %mul3A_430 = arith.constant 4 : i32
    %mul3A_431 = vector.broadcast %mul3A_430 : i32 to vector<16xi32>
    %mul3A_432 = arith.muli %and3A_429, %mul3A_431 : vector<16xi32>
    tpu.vector_store_idx %arg14[%add3A_426, %mul3A_432], %broadcast_in_dim3A_19 : memref<64x128xf32, #tpu.memory_space<vmem>>[vector<16xi32>, vector<16xi32>], vector<16xf32>,
    %get3A_433 = arith.constant 112 : index
    %get3A_434 = tpu.vector_load %arg10[%get3A_433] {strides = array<i32>} : memref<128xi32, #tpu.memory_space<vmem>>, vector<16xi32>,
    %shift_right_logical3A_435 = arith.constant 5 : i32
    %shift_right_logical3A_436 = vector.broadcast %shift_right_logical3A_435 : i32 to vector<16xi32>
    %shift_right_logical3A_437 = arith.shrui %get3A_434, %shift_right_logical3A_436 : vector<16xi32>
    %swap3A_438 = arith.constant 48 : index
    %swap3A_439 = tpu.vector_load %arg11[%swap3A_438] {strides = array<i32>} : memref<64xi32, #tpu.memory_space<vmem>>, vector<16xi32>,
    tpu.vector_store %arg11[%swap3A_438], %shift_right_logical3A_437 {strides = array<i32>} : memref<64xi32, #tpu.memory_space<vmem>>, vector<16xi32>,
    %add3A_440 = arith.constant 48 : i32
    %add3A_441 = vector.broadcast %add3A_440 : i32 to vector<16xi32>
    %add3A_442 = arith.addi %add3A_441, %iota3A : vector<16xi32>
    %and3A_443 = arith.constant 31 : i32
    %and3A_444 = vector.broadcast %and3A_443 : i32 to vector<16xi32>
    %and3A_445 = arith.andi %get3A_434, %and3A_444 : vector<16xi32>
    %mul3A_446 = arith.constant 4 : i32
    %mul3A_447 = vector.broadcast %mul3A_446 : i32 to vector<16xi32>
    %mul3A_448 = arith.muli %and3A_445, %mul3A_447 : vector<16xi32>
    tpu.vector_store_idx %arg14[%add3A_442, %mul3A_448], %broadcast_in_dim3A_19 : memref<64x128xf32, #tpu.memory_space<vmem>>[vector<16xi32>, vector<16xi32>], vector<16xf32>,
    "tpu.region"() ({
      %run_scoped3A = tpu.sem_alloc : memref<!tpu.dma_semaphore, #tpu.memory_space<semaphore_mem>>
      %dma_start3A_517 = arith.constant 0 : i32
      %dma_start3A_518 = arith.constant 0 : i32
      %dma_start3A_519 = tpu.memref_slice %arg16[%dma_start3A_517, %dma_start3A_518] : memref<320x128xf32, #tpu.memory_space<vmem_shared>> -> memref<320x128xf32, #tpu.memory_space<vmem_shared>>
      tpu.enqueue_indirect_dma source(%arg14 : memref<64x128xf32, #tpu.memory_space<vmem>>) target(%dma_start3A_519 : memref<320x128xf32, #tpu.memory_space<vmem_shared>>) offsets(%arg11 : memref<64xi32, #tpu.memory_space<vmem>>) semaphore(%run_scoped3A : memref<!tpu.dma_semaphore, #tpu.memory_space<semaphore_mem>>) {add = true}
      %dma_wait3A_520 = arith.constant 0 : i32
      %dma_wait3A_521 = arith.constant 0 : i32
      %dma_wait3A_522 = tpu.memref_slice %arg16[%dma_wait3A_520, %dma_wait3A_521] : memref<320x128xf32, #tpu.memory_space<vmem_shared>> -> memref<320x128xf32, #tpu.memory_space<vmem_shared>>
      tpu.wait_indirect_dma semaphore(%run_scoped3A : memref<!tpu.dma_semaphore, #tpu.memory_space<semaphore_mem>>) src(%arg14 : memref<64x128xf32, #tpu.memory_space<vmem>>) dst(%dma_wait3A_522 : memref<320x128xf32, #tpu.memory_space<vmem_shared>>)
      tpu.yield
    }) : () -> ()
    %get3A_449 = arith.constant 64 : index
    %get3A_450 = tpu.vector_load %arg10[%get3A_449] {strides = array<i32>} : memref<128xi32, #tpu.memory_space<vmem>>, vector<16xi32>,
    %add3A_451 = arith.constant 0 : i32
    %add3A_452 = vector.broadcast %add3A_451 : i32 to vector<16xi32>
    %add3A_453 = arith.addi %add3A_452, %iota3A : vector<16xi32>
    %and3A_454 = arith.constant 31 : i32
    %and3A_455 = vector.broadcast %and3A_454 : i32 to vector<16xi32>
    %and3A_456 = arith.andi %get3A_450, %and3A_455 : vector<16xi32>
    %mul3A_457 = arith.constant 4 : i32
    %mul3A_458 = vector.broadcast %mul3A_457 : i32 to vector<16xi32>
    %mul3A_459 = arith.muli %and3A_456, %mul3A_458 : vector<16xi32>
    tpu.vector_store_idx %arg14[%add3A_453, %mul3A_459], %broadcast_in_dim3A_21 : memref<64x128xf32, #tpu.memory_space<vmem>>[vector<16xi32>, vector<16xi32>], vector<16xf32>,
    %get3A_460 = arith.constant 80 : index
    %get3A_461 = tpu.vector_load %arg10[%get3A_460] {strides = array<i32>} : memref<128xi32, #tpu.memory_space<vmem>>, vector<16xi32>,
    %add3A_462 = arith.constant 16 : i32
    %add3A_463 = vector.broadcast %add3A_462 : i32 to vector<16xi32>
    %add3A_464 = arith.addi %add3A_463, %iota3A : vector<16xi32>
    %and3A_465 = arith.constant 31 : i32
    %and3A_466 = vector.broadcast %and3A_465 : i32 to vector<16xi32>
    %and3A_467 = arith.andi %get3A_461, %and3A_466 : vector<16xi32>
    %mul3A_468 = arith.constant 4 : i32
    %mul3A_469 = vector.broadcast %mul3A_468 : i32 to vector<16xi32>
    %mul3A_470 = arith.muli %and3A_467, %mul3A_469 : vector<16xi32>
    tpu.vector_store_idx %arg14[%add3A_464, %mul3A_470], %broadcast_in_dim3A_21 : memref<64x128xf32, #tpu.memory_space<vmem>>[vector<16xi32>, vector<16xi32>], vector<16xf32>,
    %get3A_471 = arith.constant 96 : index
    %get3A_472 = tpu.vector_load %arg10[%get3A_471] {strides = array<i32>} : memref<128xi32, #tpu.memory_space<vmem>>, vector<16xi32>,
    %add3A_473 = arith.constant 32 : i32
    %add3A_474 = vector.broadcast %add3A_473 : i32 to vector<16xi32>
    %add3A_475 = arith.addi %add3A_474, %iota3A : vector<16xi32>
    %and3A_476 = arith.constant 31 : i32
    %and3A_477 = vector.broadcast %and3A_476 : i32 to vector<16xi32>
    %and3A_478 = arith.andi %get3A_472, %and3A_477 : vector<16xi32>
    %mul3A_479 = arith.constant 4 : i32
    %mul3A_480 = vector.broadcast %mul3A_479 : i32 to vector<16xi32>
    %mul3A_481 = arith.muli %and3A_478, %mul3A_480 : vector<16xi32>
    tpu.vector_store_idx %arg14[%add3A_475, %mul3A_481], %broadcast_in_dim3A_21 : memref<64x128xf32, #tpu.memory_space<vmem>>[vector<16xi32>, vector<16xi32>], vector<16xf32>,
    %get3A_482 = arith.constant 112 : index
    %get3A_483 = tpu.vector_load %arg10[%get3A_482] {strides = array<i32>} : memref<128xi32, #tpu.memory_space<vmem>>, vector<16xi32>,
    %add3A_484 = arith.constant 48 : i32
    %add3A_485 = vector.broadcast %add3A_484 : i32 to vector<16xi32>
    %add3A_486 = arith.addi %add3A_485, %iota3A : vector<16xi32>
    %and3A_487 = arith.constant 31 : i32
    %and3A_488 = vector.broadcast %and3A_487 : i32 to vector<16xi32>
    %and3A_489 = arith.andi %get3A_483, %and3A_488 : vector<16xi32>
    %mul3A_490 = arith.constant 4 : i32
    %mul3A_491 = vector.broadcast %mul3A_490 : i32 to vector<16xi32>
    %mul3A_492 = arith.muli %and3A_489, %mul3A_491 : vector<16xi32>
    tpu.vector_store_idx %arg14[%add3A_486, %mul3A_492], %broadcast_in_dim3A_21 : memref<64x128xf32, #tpu.memory_space<vmem>>[vector<16xi32>, vector<16xi32>], vector<16xf32>,
    %dma_wait3A_493 = arith.constant 0 : i32
    %dma_wait3A_494 = arith.constant 0 : i32
    %dma_wait3A_495 = tpu.memref_slice %arg2[%dma_wait3A_493, %dma_wait3A_494] : memref<10000x128xf32, #tpu.memory_space<hbm>> -> memref<10000x128xf32, #tpu.memory_space<hbm>>
    tpu.wait_indirect_dma semaphore(%arg18 : memref<!tpu.dma_semaphore, #tpu.memory_space<semaphore_mem>>) src(%dma_wait3A_495 : memref<10000x128xf32, #tpu.memory_space<hbm>>) dst(%arg13 : memref<128x128xf32, #tpu.memory_space<vmem>>)
    "tpu.region"() ({
      %run_scoped3A = tpu.sem_alloc : memref<!tpu.dma_semaphore, #tpu.memory_space<semaphore_mem>>
      %dma_start3A_517 = arith.constant 0 : i32
      %dma_start3A_518 = arith.constant 0 : i32
      %dma_start3A_519 = tpu.memref_slice %arg15[%dma_start3A_517, %dma_start3A_518] : memref<10000x128xf32, #tpu.memory_space<vmem_shared>> -> memref<10000x128xf32, #tpu.memory_space<vmem_shared>>
      tpu.enqueue_indirect_dma source(%arg13 : memref<128x128xf32, #tpu.memory_space<vmem>>) target(%dma_start3A_519 : memref<10000x128xf32, #tpu.memory_space<vmem_shared>>) offsets(%arg10 : memref<128xi32, #tpu.memory_space<vmem>>) semaphore(%run_scoped3A : memref<!tpu.dma_semaphore, #tpu.memory_space<semaphore_mem>>) {add = true}
      %dma_wait3A_520 = arith.constant 0 : i32
      %dma_wait3A_521 = arith.constant 0 : i32
      %dma_wait3A_522 = tpu.memref_slice %arg15[%dma_wait3A_520, %dma_wait3A_521] : memref<10000x128xf32, #tpu.memory_space<vmem_shared>> -> memref<10000x128xf32, #tpu.memory_space<vmem_shared>>
      tpu.wait_indirect_dma semaphore(%run_scoped3A : memref<!tpu.dma_semaphore, #tpu.memory_space<semaphore_mem>>) src(%arg13 : memref<128x128xf32, #tpu.memory_space<vmem>>) dst(%dma_wait3A_522 : memref<10000x128xf32, #tpu.memory_space<vmem_shared>>)
      tpu.yield
    }) : () -> ()
    %lt3A_496 = arith.constant 4 : i32
    %lt3A_497 = arith.cmpi slt, %add3A, %lt3A_496 : i32
    %convert_element_type3A_498 = arith.extui %lt3A_497 : i1 to i32
    %cond3A_499 = arith.constant 0 : i32
    %cond3A_500 = arith.cmpi ne, %convert_element_type3A_498, %cond3A_499 : i32
    scf.if %cond3A_500 {
      %add3A_517 = arith.constant 2496 : i32
      %add3A_518 = arith.addi %add3A_517, %add3A : i32
      %mul3A_519 = arith.constant 128 : i32
      %mul3A_520 = arith.muli %add3A_518, %mul3A_519 : i32
      %multiple_of3A_521 = tpu.assume_multiple %mul3A_520, 128 : i32
      %dma_start3A_522 = tpu.memref_slice %arg3[%multiple_of3A_521] : memref<320000xi32, #tpu.memory_space<hbm>> -> memref<128xi32, #tpu.memory_space<hbm>>
      %dma_start3A_523 = tpu.memref_slice %arg3[%multiple_of3A_521] : memref<320000xi32, #tpu.memory_space<hbm>> -> memref<128xi32, #tpu.memory_space<hbm>>
      tpu.enqueue_dma source(%dma_start3A_523 : memref<128xi32, #tpu.memory_space<hbm>>) target(%arg7 : memref<128xi32, #tpu.memory_space<vmem>>) target_semaphore(%arg19 : memref<!tpu.dma_semaphore, #tpu.memory_space<semaphore_mem>>)
      %dma_start3A_524 = tpu.memref_slice %arg4[%multiple_of3A_521] : memref<320000xi32, #tpu.memory_space<hbm>> -> memref<128xi32, #tpu.memory_space<hbm>>
      %dma_start3A_525 = tpu.memref_slice %arg4[%multiple_of3A_521] : memref<320000xi32, #tpu.memory_space<hbm>> -> memref<128xi32, #tpu.memory_space<hbm>>
      tpu.enqueue_dma source(%dma_start3A_525 : memref<128xi32, #tpu.memory_space<hbm>>) target(%arg9 : memref<128xi32, #tpu.memory_space<vmem>>) target_semaphore(%arg19 : memref<!tpu.dma_semaphore, #tpu.memory_space<semaphore_mem>>)
      %add3A_526 = arith.constant 2496 : i32
      %add3A_527 = arith.addi %add3A_526, %add3A : i32
      %mul3A_528 = arith.constant 128 : i32
      %mul3A_529 = arith.muli %add3A_527, %mul3A_528 : i32
      %multiple_of3A_530 = tpu.assume_multiple %mul3A_529, 128 : i32
      %dma_wait3A_531 = tpu.memref_slice %arg3[%multiple_of3A_530] : memref<320000xi32, #tpu.memory_space<hbm>> -> memref<128xi32, #tpu.memory_space<hbm>>
      %dma_wait3A_532 = tpu.memref_slice %arg3[%multiple_of3A_530] : memref<320000xi32, #tpu.memory_space<hbm>> -> memref<128xi32, #tpu.memory_space<hbm>>
      tpu.wait_dma2 semaphore(%arg19 : memref<!tpu.dma_semaphore, #tpu.memory_space<semaphore_mem>>) src(%dma_wait3A_532 : memref<128xi32, #tpu.memory_space<hbm>>) dst(%arg7 : memref<128xi32, #tpu.memory_space<vmem>>)
      %dma_wait3A_533 = tpu.memref_slice %arg4[%multiple_of3A_530] : memref<320000xi32, #tpu.memory_space<hbm>> -> memref<128xi32, #tpu.memory_space<hbm>>
      %dma_wait3A_534 = tpu.memref_slice %arg4[%multiple_of3A_530] : memref<320000xi32, #tpu.memory_space<hbm>> -> memref<128xi32, #tpu.memory_space<hbm>>
      tpu.wait_dma2 semaphore(%arg19 : memref<!tpu.dma_semaphore, #tpu.memory_space<semaphore_mem>>) src(%dma_wait3A_534 : memref<128xi32, #tpu.memory_space<hbm>>) dst(%arg9 : memref<128xi32, #tpu.memory_space<vmem>>)
      %dma_start3A_535 = arith.constant 0 : i32
      %dma_start3A_536 = arith.constant 0 : i32
      %dma_start3A_537 = tpu.memref_slice %arg2[%dma_start3A_535, %dma_start3A_536] : memref<10000x128xf32, #tpu.memory_space<hbm>> -> memref<10000x128xf32, #tpu.memory_space<hbm>>
      tpu.enqueue_indirect_dma source(%dma_start3A_537 : memref<10000x128xf32, #tpu.memory_space<hbm>>) target(%arg12 : memref<128x128xf32, #tpu.memory_space<vmem>>) offsets(%arg7 : memref<128xi32, #tpu.memory_space<vmem>>) semaphore(%arg17 : memref<!tpu.dma_semaphore, #tpu.memory_space<semaphore_mem>>)
      %get3A_538 = arith.constant 0 : index
      %get3A_539 = tpu.vector_load %arg9[%get3A_538] {strides = array<i32>} : memref<128xi32, #tpu.memory_space<vmem>>, vector<16xi32>,
      %shift_right_logical3A_540 = arith.constant 5 : i32
      %shift_right_logical3A_541 = vector.broadcast %shift_right_logical3A_540 : i32 to vector<16xi32>
      %shift_right_logical3A_542 = arith.shrui %get3A_539, %shift_right_logical3A_541 : vector<16xi32>
      %swap3A_543 = arith.constant 0 : index
      %swap3A_544 = tpu.vector_load %arg11[%swap3A_543] {strides = array<i32>} : memref<64xi32, #tpu.memory_space<vmem>>, vector<16xi32>,
      tpu.vector_store %arg11[%swap3A_543], %shift_right_logical3A_542 {strides = array<i32>} : memref<64xi32, #tpu.memory_space<vmem>>, vector<16xi32>,
      %add3A_545 = arith.constant 0 : i32
      %add3A_546 = vector.broadcast %add3A_545 : i32 to vector<16xi32>
      %add3A_547 = arith.addi %add3A_546, %iota3A : vector<16xi32>
      %and3A_548 = arith.constant 31 : i32
      %and3A_549 = vector.broadcast %and3A_548 : i32 to vector<16xi32>
      %and3A_550 = arith.andi %get3A_539, %and3A_549 : vector<16xi32>
      %mul3A_551 = arith.constant 4 : i32
      %mul3A_552 = vector.broadcast %mul3A_551 : i32 to vector<16xi32>
      %mul3A_553 = arith.muli %and3A_550, %mul3A_552 : vector<16xi32>
      tpu.vector_store_idx %arg14[%add3A_547, %mul3A_553], %broadcast_in_dim3A_19 : memref<64x128xf32, #tpu.memory_space<vmem>>[vector<16xi32>, vector<16xi32>], vector<16xf32>,
      %get3A_554 = arith.constant 16 : index
      %get3A_555 = tpu.vector_load %arg9[%get3A_554] {strides = array<i32>} : memref<128xi32, #tpu.memory_space<vmem>>, vector<16xi32>,
      %shift_right_logical3A_556 = arith.constant 5 : i32
      %shift_right_logical3A_557 = vector.broadcast %shift_right_logical3A_556 : i32 to vector<16xi32>
      %shift_right_logical3A_558 = arith.shrui %get3A_555, %shift_right_logical3A_557 : vector<16xi32>
      %swap3A_559 = arith.constant 16 : index
      %swap3A_560 = tpu.vector_load %arg11[%swap3A_559] {strides = array<i32>} : memref<64xi32, #tpu.memory_space<vmem>>, vector<16xi32>,
      tpu.vector_store %arg11[%swap3A_559], %shift_right_logical3A_558 {strides = array<i32>} : memref<64xi32, #tpu.memory_space<vmem>>, vector<16xi32>,
      %add3A_561 = arith.constant 16 : i32
      %add3A_562 = vector.broadcast %add3A_561 : i32 to vector<16xi32>
      %add3A_563 = arith.addi %add3A_562, %iota3A : vector<16xi32>
      %and3A_564 = arith.constant 31 : i32
      %and3A_565 = vector.broadcast %and3A_564 : i32 to vector<16xi32>
      %and3A_566 = arith.andi %get3A_555, %and3A_565 : vector<16xi32>
      %mul3A_567 = arith.constant 4 : i32
      %mul3A_568 = vector.broadcast %mul3A_567 : i32 to vector<16xi32>
      %mul3A_569 = arith.muli %and3A_566, %mul3A_568 : vector<16xi32>
      tpu.vector_store_idx %arg14[%add3A_563, %mul3A_569], %broadcast_in_dim3A_19 : memref<64x128xf32, #tpu.memory_space<vmem>>[vector<16xi32>, vector<16xi32>], vector<16xf32>,
      %get3A_570 = arith.constant 32 : index
      %get3A_571 = tpu.vector_load %arg9[%get3A_570] {strides = array<i32>} : memref<128xi32, #tpu.memory_space<vmem>>, vector<16xi32>,
      %shift_right_logical3A_572 = arith.constant 5 : i32
      %shift_right_logical3A_573 = vector.broadcast %shift_right_logical3A_572 : i32 to vector<16xi32>
      %shift_right_logical3A_574 = arith.shrui %get3A_571, %shift_right_logical3A_573 : vector<16xi32>
      %swap3A_575 = arith.constant 32 : index
      %swap3A_576 = tpu.vector_load %arg11[%swap3A_575] {strides = array<i32>} : memref<64xi32, #tpu.memory_space<vmem>>, vector<16xi32>,
      tpu.vector_store %arg11[%swap3A_575], %shift_right_logical3A_574 {strides = array<i32>} : memref<64xi32, #tpu.memory_space<vmem>>, vector<16xi32>,
      %add3A_577 = arith.constant 32 : i32
      %add3A_578 = vector.broadcast %add3A_577 : i32 to vector<16xi32>
      %add3A_579 = arith.addi %add3A_578, %iota3A : vector<16xi32>
      %and3A_580 = arith.constant 31 : i32
      %and3A_581 = vector.broadcast %and3A_580 : i32 to vector<16xi32>
      %and3A_582 = arith.andi %get3A_571, %and3A_581 : vector<16xi32>
      %mul3A_583 = arith.constant 4 : i32
      %mul3A_584 = vector.broadcast %mul3A_583 : i32 to vector<16xi32>
      %mul3A_585 = arith.muli %and3A_582, %mul3A_584 : vector<16xi32>
      tpu.vector_store_idx %arg14[%add3A_579, %mul3A_585], %broadcast_in_dim3A_19 : memref<64x128xf32, #tpu.memory_space<vmem>>[vector<16xi32>, vector<16xi32>], vector<16xf32>,
      %get3A_586 = arith.constant 48 : index
      %get3A_587 = tpu.vector_load %arg9[%get3A_586] {strides = array<i32>} : memref<128xi32, #tpu.memory_space<vmem>>, vector<16xi32>,
      %shift_right_logical3A_588 = arith.constant 5 : i32
      %shift_right_logical3A_589 = vector.broadcast %shift_right_logical3A_588 : i32 to vector<16xi32>
      %shift_right_logical3A_590 = arith.shrui %get3A_587, %shift_right_logical3A_589 : vector<16xi32>
      %swap3A_591 = arith.constant 48 : index
      %swap3A_592 = tpu.vector_load %arg11[%swap3A_591] {strides = array<i32>} : memref<64xi32, #tpu.memory_space<vmem>>, vector<16xi32>,
      tpu.vector_store %arg11[%swap3A_591], %shift_right_logical3A_590 {strides = array<i32>} : memref<64xi32, #tpu.memory_space<vmem>>, vector<16xi32>,
      %add3A_593 = arith.constant 48 : i32
      %add3A_594 = vector.broadcast %add3A_593 : i32 to vector<16xi32>
      %add3A_595 = arith.addi %add3A_594, %iota3A : vector<16xi32>
      %and3A_596 = arith.constant 31 : i32
      %and3A_597 = vector.broadcast %and3A_596 : i32 to vector<16xi32>
      %and3A_598 = arith.andi %get3A_587, %and3A_597 : vector<16xi32>
      %mul3A_599 = arith.constant 4 : i32
      %mul3A_600 = vector.broadcast %mul3A_599 : i32 to vector<16xi32>
      %mul3A_601 = arith.muli %and3A_598, %mul3A_600 : vector<16xi32>
      tpu.vector_store_idx %arg14[%add3A_595, %mul3A_601], %broadcast_in_dim3A_19 : memref<64x128xf32, #tpu.memory_space<vmem>>[vector<16xi32>, vector<16xi32>], vector<16xf32>,
      "tpu.region"() ({
        %run_scoped3A = tpu.sem_alloc : memref<!tpu.dma_semaphore, #tpu.memory_space<semaphore_mem>>
        %dma_start3A_757 = arith.constant 0 : i32
        %dma_start3A_758 = arith.constant 0 : i32
        %dma_start3A_759 = tpu.memref_slice %arg16[%dma_start3A_757, %dma_start3A_758] : memref<320x128xf32, #tpu.memory_space<vmem_shared>> -> memref<320x128xf32, #tpu.memory_space<vmem_shared>>
        tpu.enqueue_indirect_dma source(%arg14 : memref<64x128xf32, #tpu.memory_space<vmem>>) target(%dma_start3A_759 : memref<320x128xf32, #tpu.memory_space<vmem_shared>>) offsets(%arg11 : memref<64xi32, #tpu.memory_space<vmem>>) semaphore(%run_scoped3A : memref<!tpu.dma_semaphore, #tpu.memory_space<semaphore_mem>>) {add = true}
        %dma_wait3A_760 = arith.constant 0 : i32
        %dma_wait3A_761 = arith.constant 0 : i32
        %dma_wait3A_762 = tpu.memref_slice %arg16[%dma_wait3A_760, %dma_wait3A_761] : memref<320x128xf32, #tpu.memory_space<vmem_shared>> -> memref<320x128xf32, #tpu.memory_space<vmem_shared>>
        tpu.wait_indirect_dma semaphore(%run_scoped3A : memref<!tpu.dma_semaphore, #tpu.memory_space<semaphore_mem>>) src(%arg14 : memref<64x128xf32, #tpu.memory_space<vmem>>) dst(%dma_wait3A_762 : memref<320x128xf32, #tpu.memory_space<vmem_shared>>)
        tpu.yield
      }) : () -> ()
      %get3A_602 = arith.constant 0 : index
      %get3A_603 = tpu.vector_load %arg9[%get3A_602] {strides = array<i32>} : memref<128xi32, #tpu.memory_space<vmem>>, vector<16xi32>,
      %add3A_604 = arith.constant 0 : i32
      %add3A_605 = vector.broadcast %add3A_604 : i32 to vector<16xi32>
      %add3A_606 = arith.addi %add3A_605, %iota3A : vector<16xi32>
      %and3A_607 = arith.constant 31 : i32
      %and3A_608 = vector.broadcast %and3A_607 : i32 to vector<16xi32>
      %and3A_609 = arith.andi %get3A_603, %and3A_608 : vector<16xi32>
      %mul3A_610 = arith.constant 4 : i32
      %mul3A_611 = vector.broadcast %mul3A_610 : i32 to vector<16xi32>
      %mul3A_612 = arith.muli %and3A_609, %mul3A_611 : vector<16xi32>
      tpu.vector_store_idx %arg14[%add3A_606, %mul3A_612], %broadcast_in_dim3A_21 : memref<64x128xf32, #tpu.memory_space<vmem>>[vector<16xi32>, vector<16xi32>], vector<16xf32>,
      %get3A_613 = arith.constant 16 : index
      %get3A_614 = tpu.vector_load %arg9[%get3A_613] {strides = array<i32>} : memref<128xi32, #tpu.memory_space<vmem>>, vector<16xi32>,
      %add3A_615 = arith.constant 16 : i32
      %add3A_616 = vector.broadcast %add3A_615 : i32 to vector<16xi32>
      %add3A_617 = arith.addi %add3A_616, %iota3A : vector<16xi32>
      %and3A_618 = arith.constant 31 : i32
      %and3A_619 = vector.broadcast %and3A_618 : i32 to vector<16xi32>
      %and3A_620 = arith.andi %get3A_614, %and3A_619 : vector<16xi32>
      %mul3A_621 = arith.constant 4 : i32
      %mul3A_622 = vector.broadcast %mul3A_621 : i32 to vector<16xi32>
      %mul3A_623 = arith.muli %and3A_620, %mul3A_622 : vector<16xi32>
      tpu.vector_store_idx %arg14[%add3A_617, %mul3A_623], %broadcast_in_dim3A_21 : memref<64x128xf32, #tpu.memory_space<vmem>>[vector<16xi32>, vector<16xi32>], vector<16xf32>,
      %get3A_624 = arith.constant 32 : index
      %get3A_625 = tpu.vector_load %arg9[%get3A_624] {strides = array<i32>} : memref<128xi32, #tpu.memory_space<vmem>>, vector<16xi32>,
      %add3A_626 = arith.constant 32 : i32
      %add3A_627 = vector.broadcast %add3A_626 : i32 to vector<16xi32>
      %add3A_628 = arith.addi %add3A_627, %iota3A : vector<16xi32>
      %and3A_629 = arith.constant 31 : i32
      %and3A_630 = vector.broadcast %and3A_629 : i32 to vector<16xi32>
      %and3A_631 = arith.andi %get3A_625, %and3A_630 : vector<16xi32>
      %mul3A_632 = arith.constant 4 : i32
      %mul3A_633 = vector.broadcast %mul3A_632 : i32 to vector<16xi32>
      %mul3A_634 = arith.muli %and3A_631, %mul3A_633 : vector<16xi32>
      tpu.vector_store_idx %arg14[%add3A_628, %mul3A_634], %broadcast_in_dim3A_21 : memref<64x128xf32, #tpu.memory_space<vmem>>[vector<16xi32>, vector<16xi32>], vector<16xf32>,
      %get3A_635 = arith.constant 48 : index
      %get3A_636 = tpu.vector_load %arg9[%get3A_635] {strides = array<i32>} : memref<128xi32, #tpu.memory_space<vmem>>, vector<16xi32>,
      %add3A_637 = arith.constant 48 : i32
      %add3A_638 = vector.broadcast %add3A_637 : i32 to vector<16xi32>
      %add3A_639 = arith.addi %add3A_638, %iota3A : vector<16xi32>
      %and3A_640 = arith.constant 31 : i32
      %and3A_641 = vector.broadcast %and3A_640 : i32 to vector<16xi32>
      %and3A_642 = arith.andi %get3A_636, %and3A_641 : vector<16xi32>
      %mul3A_643 = arith.constant 4 : i32
      %mul3A_644 = vector.broadcast %mul3A_643 : i32 to vector<16xi32>
      %mul3A_645 = arith.muli %and3A_642, %mul3A_644 : vector<16xi32>
      tpu.vector_store_idx %arg14[%add3A_639, %mul3A_645], %broadcast_in_dim3A_21 : memref<64x128xf32, #tpu.memory_space<vmem>>[vector<16xi32>, vector<16xi32>], vector<16xf32>,
      %get3A_646 = arith.constant 64 : index
      %get3A_647 = tpu.vector_load %arg9[%get3A_646] {strides = array<i32>} : memref<128xi32, #tpu.memory_space<vmem>>, vector<16xi32>,
      %shift_right_logical3A_648 = arith.constant 5 : i32
      %shift_right_logical3A_649 = vector.broadcast %shift_right_logical3A_648 : i32 to vector<16xi32>
      %shift_right_logical3A_650 = arith.shrui %get3A_647, %shift_right_logical3A_649 : vector<16xi32>
      %swap3A_651 = arith.constant 0 : index
      %swap3A_652 = tpu.vector_load %arg11[%swap3A_651] {strides = array<i32>} : memref<64xi32, #tpu.memory_space<vmem>>, vector<16xi32>,
      tpu.vector_store %arg11[%swap3A_651], %shift_right_logical3A_650 {strides = array<i32>} : memref<64xi32, #tpu.memory_space<vmem>>, vector<16xi32>,
      %add3A_653 = arith.constant 0 : i32
      %add3A_654 = vector.broadcast %add3A_653 : i32 to vector<16xi32>
      %add3A_655 = arith.addi %add3A_654, %iota3A : vector<16xi32>
      %and3A_656 = arith.constant 31 : i32
      %and3A_657 = vector.broadcast %and3A_656 : i32 to vector<16xi32>
      %and3A_658 = arith.andi %get3A_647, %and3A_657 : vector<16xi32>
      %mul3A_659 = arith.constant 4 : i32
      %mul3A_660 = vector.broadcast %mul3A_659 : i32 to vector<16xi32>
      %mul3A_661 = arith.muli %and3A_658, %mul3A_660 : vector<16xi32>
      tpu.vector_store_idx %arg14[%add3A_655, %mul3A_661], %broadcast_in_dim3A_19 : memref<64x128xf32, #tpu.memory_space<vmem>>[vector<16xi32>, vector<16xi32>], vector<16xf32>,
      %get3A_662 = arith.constant 80 : index
      %get3A_663 = tpu.vector_load %arg9[%get3A_662] {strides = array<i32>} : memref<128xi32, #tpu.memory_space<vmem>>, vector<16xi32>,
      %shift_right_logical3A_664 = arith.constant 5 : i32
      %shift_right_logical3A_665 = vector.broadcast %shift_right_logical3A_664 : i32 to vector<16xi32>
      %shift_right_logical3A_666 = arith.shrui %get3A_663, %shift_right_logical3A_665 : vector<16xi32>
      %swap3A_667 = arith.constant 16 : index
      %swap3A_668 = tpu.vector_load %arg11[%swap3A_667] {strides = array<i32>} : memref<64xi32, #tpu.memory_space<vmem>>, vector<16xi32>,
      tpu.vector_store %arg11[%swap3A_667], %shift_right_logical3A_666 {strides = array<i32>} : memref<64xi32, #tpu.memory_space<vmem>>, vector<16xi32>,
      %add3A_669 = arith.constant 16 : i32
      %add3A_670 = vector.broadcast %add3A_669 : i32 to vector<16xi32>
      %add3A_671 = arith.addi %add3A_670, %iota3A : vector<16xi32>
      %and3A_672 = arith.constant 31 : i32
      %and3A_673 = vector.broadcast %and3A_672 : i32 to vector<16xi32>
      %and3A_674 = arith.andi %get3A_663, %and3A_673 : vector<16xi32>
      %mul3A_675 = arith.constant 4 : i32
      %mul3A_676 = vector.broadcast %mul3A_675 : i32 to vector<16xi32>
      %mul3A_677 = arith.muli %and3A_674, %mul3A_676 : vector<16xi32>
      tpu.vector_store_idx %arg14[%add3A_671, %mul3A_677], %broadcast_in_dim3A_19 : memref<64x128xf32, #tpu.memory_space<vmem>>[vector<16xi32>, vector<16xi32>], vector<16xf32>,
      %get3A_678 = arith.constant 96 : index
      %get3A_679 = tpu.vector_load %arg9[%get3A_678] {strides = array<i32>} : memref<128xi32, #tpu.memory_space<vmem>>, vector<16xi32>,
      %shift_right_logical3A_680 = arith.constant 5 : i32
      %shift_right_logical3A_681 = vector.broadcast %shift_right_logical3A_680 : i32 to vector<16xi32>
      %shift_right_logical3A_682 = arith.shrui %get3A_679, %shift_right_logical3A_681 : vector<16xi32>
      %swap3A_683 = arith.constant 32 : index
      %swap3A_684 = tpu.vector_load %arg11[%swap3A_683] {strides = array<i32>} : memref<64xi32, #tpu.memory_space<vmem>>, vector<16xi32>,
      tpu.vector_store %arg11[%swap3A_683], %shift_right_logical3A_682 {strides = array<i32>} : memref<64xi32, #tpu.memory_space<vmem>>, vector<16xi32>,
      %add3A_685 = arith.constant 32 : i32
      %add3A_686 = vector.broadcast %add3A_685 : i32 to vector<16xi32>
      %add3A_687 = arith.addi %add3A_686, %iota3A : vector<16xi32>
      %and3A_688 = arith.constant 31 : i32
      %and3A_689 = vector.broadcast %and3A_688 : i32 to vector<16xi32>
      %and3A_690 = arith.andi %get3A_679, %and3A_689 : vector<16xi32>
      %mul3A_691 = arith.constant 4 : i32
      %mul3A_692 = vector.broadcast %mul3A_691 : i32 to vector<16xi32>
      %mul3A_693 = arith.muli %and3A_690, %mul3A_692 : vector<16xi32>
      tpu.vector_store_idx %arg14[%add3A_687, %mul3A_693], %broadcast_in_dim3A_19 : memref<64x128xf32, #tpu.memory_space<vmem>>[vector<16xi32>, vector<16xi32>], vector<16xf32>,
      %get3A_694 = arith.constant 112 : index
      %get3A_695 = tpu.vector_load %arg9[%get3A_694] {strides = array<i32>} : memref<128xi32, #tpu.memory_space<vmem>>, vector<16xi32>,
      %shift_right_logical3A_696 = arith.constant 5 : i32
      %shift_right_logical3A_697 = vector.broadcast %shift_right_logical3A_696 : i32 to vector<16xi32>
      %shift_right_logical3A_698 = arith.shrui %get3A_695, %shift_right_logical3A_697 : vector<16xi32>
      %swap3A_699 = arith.constant 48 : index
      %swap3A_700 = tpu.vector_load %arg11[%swap3A_699] {strides = array<i32>} : memref<64xi32, #tpu.memory_space<vmem>>, vector<16xi32>,
      tpu.vector_store %arg11[%swap3A_699], %shift_right_logical3A_698 {strides = array<i32>} : memref<64xi32, #tpu.memory_space<vmem>>, vector<16xi32>,
      %add3A_701 = arith.constant 48 : i32
      %add3A_702 = vector.broadcast %add3A_701 : i32 to vector<16xi32>
      %add3A_703 = arith.addi %add3A_702, %iota3A : vector<16xi32>
      %and3A_704 = arith.constant 31 : i32
      %and3A_705 = vector.broadcast %and3A_704 : i32 to vector<16xi32>
      %and3A_706 = arith.andi %get3A_695, %and3A_705 : vector<16xi32>
      %mul3A_707 = arith.constant 4 : i32
      %mul3A_708 = vector.broadcast %mul3A_707 : i32 to vector<16xi32>
      %mul3A_709 = arith.muli %and3A_706, %mul3A_708 : vector<16xi32>
      tpu.vector_store_idx %arg14[%add3A_703, %mul3A_709], %broadcast_in_dim3A_19 : memref<64x128xf32, #tpu.memory_space<vmem>>[vector<16xi32>, vector<16xi32>], vector<16xf32>,
      "tpu.region"() ({
        %run_scoped3A = tpu.sem_alloc : memref<!tpu.dma_semaphore, #tpu.memory_space<semaphore_mem>>
        %dma_start3A_757 = arith.constant 0 : i32
        %dma_start3A_758 = arith.constant 0 : i32
        %dma_start3A_759 = tpu.memref_slice %arg16[%dma_start3A_757, %dma_start3A_758] : memref<320x128xf32, #tpu.memory_space<vmem_shared>> -> memref<320x128xf32, #tpu.memory_space<vmem_shared>>
        tpu.enqueue_indirect_dma source(%arg14 : memref<64x128xf32, #tpu.memory_space<vmem>>) target(%dma_start3A_759 : memref<320x128xf32, #tpu.memory_space<vmem_shared>>) offsets(%arg11 : memref<64xi32, #tpu.memory_space<vmem>>) semaphore(%run_scoped3A : memref<!tpu.dma_semaphore, #tpu.memory_space<semaphore_mem>>) {add = true}
        %dma_wait3A_760 = arith.constant 0 : i32
        %dma_wait3A_761 = arith.constant 0 : i32
        %dma_wait3A_762 = tpu.memref_slice %arg16[%dma_wait3A_760, %dma_wait3A_761] : memref<320x128xf32, #tpu.memory_space<vmem_shared>> -> memref<320x128xf32, #tpu.memory_space<vmem_shared>>
        tpu.wait_indirect_dma semaphore(%run_scoped3A : memref<!tpu.dma_semaphore, #tpu.memory_space<semaphore_mem>>) src(%arg14 : memref<64x128xf32, #tpu.memory_space<vmem>>) dst(%dma_wait3A_762 : memref<320x128xf32, #tpu.memory_space<vmem_shared>>)
        tpu.yield
      }) : () -> ()
      %get3A_710 = arith.constant 64 : index
      %get3A_711 = tpu.vector_load %arg9[%get3A_710] {strides = array<i32>} : memref<128xi32, #tpu.memory_space<vmem>>, vector<16xi32>,
      %add3A_712 = arith.constant 0 : i32
      %add3A_713 = vector.broadcast %add3A_712 : i32 to vector<16xi32>
      %add3A_714 = arith.addi %add3A_713, %iota3A : vector<16xi32>
      %and3A_715 = arith.constant 31 : i32
      %and3A_716 = vector.broadcast %and3A_715 : i32 to vector<16xi32>
      %and3A_717 = arith.andi %get3A_711, %and3A_716 : vector<16xi32>
      %mul3A_718 = arith.constant 4 : i32
      %mul3A_719 = vector.broadcast %mul3A_718 : i32 to vector<16xi32>
      %mul3A_720 = arith.muli %and3A_717, %mul3A_719 : vector<16xi32>
      tpu.vector_store_idx %arg14[%add3A_714, %mul3A_720], %broadcast_in_dim3A_21 : memref<64x128xf32, #tpu.memory_space<vmem>>[vector<16xi32>, vector<16xi32>], vector<16xf32>,
      %get3A_721 = arith.constant 80 : index
      %get3A_722 = tpu.vector_load %arg9[%get3A_721] {strides = array<i32>} : memref<128xi32, #tpu.memory_space<vmem>>, vector<16xi32>,
      %add3A_723 = arith.constant 16 : i32
      %add3A_724 = vector.broadcast %add3A_723 : i32 to vector<16xi32>
      %add3A_725 = arith.addi %add3A_724, %iota3A : vector<16xi32>
      %and3A_726 = arith.constant 31 : i32
      %and3A_727 = vector.broadcast %and3A_726 : i32 to vector<16xi32>
      %and3A_728 = arith.andi %get3A_722, %and3A_727 : vector<16xi32>
      %mul3A_729 = arith.constant 4 : i32
      %mul3A_730 = vector.broadcast %mul3A_729 : i32 to vector<16xi32>
      %mul3A_731 = arith.muli %and3A_728, %mul3A_730 : vector<16xi32>
      tpu.vector_store_idx %arg14[%add3A_725, %mul3A_731], %broadcast_in_dim3A_21 : memref<64x128xf32, #tpu.memory_space<vmem>>[vector<16xi32>, vector<16xi32>], vector<16xf32>,
      %get3A_732 = arith.constant 96 : index
      %get3A_733 = tpu.vector_load %arg9[%get3A_732] {strides = array<i32>} : memref<128xi32, #tpu.memory_space<vmem>>, vector<16xi32>,
      %add3A_734 = arith.constant 32 : i32
      %add3A_735 = vector.broadcast %add3A_734 : i32 to vector<16xi32>
      %add3A_736 = arith.addi %add3A_735, %iota3A : vector<16xi32>
      %and3A_737 = arith.constant 31 : i32
      %and3A_738 = vector.broadcast %and3A_737 : i32 to vector<16xi32>
      %and3A_739 = arith.andi %get3A_733, %and3A_738 : vector<16xi32>
      %mul3A_740 = arith.constant 4 : i32
      %mul3A_741 = vector.broadcast %mul3A_740 : i32 to vector<16xi32>
      %mul3A_742 = arith.muli %and3A_739, %mul3A_741 : vector<16xi32>
      tpu.vector_store_idx %arg14[%add3A_736, %mul3A_742], %broadcast_in_dim3A_21 : memref<64x128xf32, #tpu.memory_space<vmem>>[vector<16xi32>, vector<16xi32>], vector<16xf32>,
      %get3A_743 = arith.constant 112 : index
      %get3A_744 = tpu.vector_load %arg9[%get3A_743] {strides = array<i32>} : memref<128xi32, #tpu.memory_space<vmem>>, vector<16xi32>,
      %add3A_745 = arith.constant 48 : i32
      %add3A_746 = vector.broadcast %add3A_745 : i32 to vector<16xi32>
      %add3A_747 = arith.addi %add3A_746, %iota3A : vector<16xi32>
      %and3A_748 = arith.constant 31 : i32
      %and3A_749 = vector.broadcast %and3A_748 : i32 to vector<16xi32>
      %and3A_750 = arith.andi %get3A_744, %and3A_749 : vector<16xi32>
      %mul3A_751 = arith.constant 4 : i32
      %mul3A_752 = vector.broadcast %mul3A_751 : i32 to vector<16xi32>
      %mul3A_753 = arith.muli %and3A_750, %mul3A_752 : vector<16xi32>
      tpu.vector_store_idx %arg14[%add3A_747, %mul3A_753], %broadcast_in_dim3A_21 : memref<64x128xf32, #tpu.memory_space<vmem>>[vector<16xi32>, vector<16xi32>], vector<16xf32>,
      %dma_wait3A_754 = arith.constant 0 : i32
      %dma_wait3A_755 = arith.constant 0 : i32
      %dma_wait3A_756 = tpu.memref_slice %arg2[%dma_wait3A_754, %dma_wait3A_755] : memref<10000x128xf32, #tpu.memory_space<hbm>> -> memref<10000x128xf32, #tpu.memory_space<hbm>>
      tpu.wait_indirect_dma semaphore(%arg17 : memref<!tpu.dma_semaphore, #tpu.memory_space<semaphore_mem>>) src(%dma_wait3A_756 : memref<10000x128xf32, #tpu.memory_space<hbm>>) dst(%arg12 : memref<128x128xf32, #tpu.memory_space<vmem>>)
      "tpu.region"() ({
        %run_scoped3A = tpu.sem_alloc : memref<!tpu.dma_semaphore, #tpu.memory_space<semaphore_mem>>
        %dma_start3A_757 = arith.constant 0 : i32
        %dma_start3A_758 = arith.constant 0 : i32
        %dma_start3A_759 = tpu.memref_slice %arg15[%dma_start3A_757, %dma_start3A_758] : memref<10000x128xf32, #tpu.memory_space<vmem_shared>> -> memref<10000x128xf32, #tpu.memory_space<vmem_shared>>
        tpu.enqueue_indirect_dma source(%arg12 : memref<128x128xf32, #tpu.memory_space<vmem>>) target(%dma_start3A_759 : memref<10000x128xf32, #tpu.memory_space<vmem_shared>>) offsets(%arg9 : memref<128xi32, #tpu.memory_space<vmem>>) semaphore(%run_scoped3A : memref<!tpu.dma_semaphore, #tpu.memory_space<semaphore_mem>>) {add = true}
        %dma_wait3A_760 = arith.constant 0 : i32
        %dma_wait3A_761 = arith.constant 0 : i32
        %dma_wait3A_762 = tpu.memref_slice %arg15[%dma_wait3A_760, %dma_wait3A_761] : memref<10000x128xf32, #tpu.memory_space<vmem_shared>> -> memref<10000x128xf32, #tpu.memory_space<vmem_shared>>
        tpu.wait_indirect_dma semaphore(%run_scoped3A : memref<!tpu.dma_semaphore, #tpu.memory_space<semaphore_mem>>) src(%arg12 : memref<128x128xf32, #tpu.memory_space<vmem>>) dst(%dma_wait3A_762 : memref<10000x128xf32, #tpu.memory_space<vmem_shared>>)
        tpu.yield
      }) : () -> ()
    } else {
    }
    %barrier3A_501 = arith.constant 0 : index
    tpu.barrier barrier_id(%barrier3A_501)
    %scan3A_502 = arith.constant 0 : i32
    %scan3A_503 = arith.constant 7 : i32
    %scan3A_504 = arith.addi %scan3A_502, %scan3A_503 : i32
    %scan3A_505 = arith.constant 1 : i32
    scf.for %scan3A_517 = %scan3A_502 to %scan3A_504 step %scan3A_505  : i32 {
      %mul3A_518 = arith.constant 1 : i32
      %mul3A_519 = arith.muli %scan3A_517, %mul3A_518 : i32
      %add3A_520 = arith.constant 0 : i32
      %add3A_521 = arith.addi %add3A_520, %mul3A_519 : i32
      %mul3A_522 = arith.constant 16 : i32
      %mul3A_523 = arith.muli %add3A_521, %mul3A_522 : i32
      %add3A_524 = arith.addi %mul3A_523, %arg1 : i32
      %mul3A_525 = arith.constant 80 : i32
      %mul3A_526 = arith.muli %add3A_524, %mul3A_525 : i32
      %multiple_of3A_527 = tpu.assume_multiple %mul3A_526, 8 : i32
      "tpu.region"() ({
        %run_scoped3A = tpu.sem_alloc : memref<!tpu.dma_semaphore, #tpu.memory_space<semaphore_mem>>
        %dma_start3A_528 = arith.constant 0 : i32
        %dma_start3A_529 = tpu.memref_slice %arg6[%arg0, %multiple_of3A_527, %dma_start3A_528] : memref<2x10320x128xf32, #tpu.memory_space<hbm>> -> memref<1x80x128xf32, #tpu.memory_space<hbm>>
        %dma_start3A_530 = tpu.memref_squeeze %dma_start3A_529 : memref<1x80x128xf32, #tpu.memory_space<hbm>> -> memref<80x128xf32, #tpu.memory_space<hbm>>
        %dma_start3A_531 = arith.constant 0 : i32
        %dma_start3A_532 = tpu.memref_slice %arg15[%multiple_of3A_527, %dma_start3A_531] : memref<10000x128xf32, #tpu.memory_space<vmem_shared>> -> memref<80x128xf32, #tpu.memory_space<vmem_shared>>
        tpu.enqueue_dma source(%dma_start3A_532 : memref<80x128xf32, #tpu.memory_space<vmem_shared>>) target(%dma_start3A_530 : memref<80x128xf32, #tpu.memory_space<hbm>>) target_semaphore(%run_scoped3A : memref<!tpu.dma_semaphore, #tpu.memory_space<semaphore_mem>>)
        %dma_wait3A_533 = arith.constant 0 : i32
        %dma_wait3A_534 = tpu.memref_slice %arg6[%arg0, %multiple_of3A_527, %dma_wait3A_533] : memref<2x10320x128xf32, #tpu.memory_space<hbm>> -> memref<1x80x128xf32, #tpu.memory_space<hbm>>
        %dma_wait3A_535 = tpu.memref_squeeze %dma_wait3A_534 : memref<1x80x128xf32, #tpu.memory_space<hbm>> -> memref<80x128xf32, #tpu.memory_space<hbm>>
        %dma_wait3A_536 = arith.constant 0 : i32
        %dma_wait3A_537 = tpu.memref_slice %arg15[%multiple_of3A_527, %dma_wait3A_536] : memref<10000x128xf32, #tpu.memory_space<vmem_shared>> -> memref<80x128xf32, #tpu.memory_space<vmem_shared>>
        tpu.wait_dma2 semaphore(%run_scoped3A : memref<!tpu.dma_semaphore, #tpu.memory_space<semaphore_mem>>) src(%dma_wait3A_537 : memref<80x128xf32, #tpu.memory_space<vmem_shared>>) dst(%dma_wait3A_535 : memref<80x128xf32, #tpu.memory_space<hbm>>)
        tpu.yield
      }) : () -> ()
    }
    %scan3A_506 = arith.constant 7 : i32
    %lt3A_507 = arith.constant 13 : i32
    %lt3A_508 = arith.cmpi slt, %arg1, %lt3A_507 : i32
    %convert_element_type3A_509 = arith.extui %lt3A_508 : i1 to i32
    %cond3A_510 = arith.constant 0 : i32
    %cond3A_511 = arith.cmpi ne, %convert_element_type3A_509, %cond3A_510 : i32
    scf.if %cond3A_511 {
      %add3A_517 = arith.constant 112 : i32
      %add3A_518 = arith.addi %add3A_517, %arg1 : i32
      %mul3A_519 = arith.constant 80 : i32
      %mul3A_520 = arith.muli %add3A_518, %mul3A_519 : i32
      %multiple_of3A_521 = tpu.assume_multiple %mul3A_520, 8 : i32
      "tpu.region"() ({
        %run_scoped3A = tpu.sem_alloc : memref<!tpu.dma_semaphore, #tpu.memory_space<semaphore_mem>>
        %dma_start3A_522 = arith.constant 0 : i32
        %dma_start3A_523 = tpu.memref_slice %arg6[%arg0, %multiple_of3A_521, %dma_start3A_522] : memref<2x10320x128xf32, #tpu.memory_space<hbm>> -> memref<1x80x128xf32, #tpu.memory_space<hbm>>
        %dma_start3A_524 = tpu.memref_squeeze %dma_start3A_523 : memref<1x80x128xf32, #tpu.memory_space<hbm>> -> memref<80x128xf32, #tpu.memory_space<hbm>>
        %dma_start3A_525 = arith.constant 0 : i32
        %dma_start3A_526 = tpu.memref_slice %arg15[%multiple_of3A_521, %dma_start3A_525] : memref<10000x128xf32, #tpu.memory_space<vmem_shared>> -> memref<80x128xf32, #tpu.memory_space<vmem_shared>>
        tpu.enqueue_dma source(%dma_start3A_526 : memref<80x128xf32, #tpu.memory_space<vmem_shared>>) target(%dma_start3A_524 : memref<80x128xf32, #tpu.memory_space<hbm>>) target_semaphore(%run_scoped3A : memref<!tpu.dma_semaphore, #tpu.memory_space<semaphore_mem>>)
        %dma_wait3A_527 = arith.constant 0 : i32
        %dma_wait3A_528 = tpu.memref_slice %arg6[%arg0, %multiple_of3A_521, %dma_wait3A_527] : memref<2x10320x128xf32, #tpu.memory_space<hbm>> -> memref<1x80x128xf32, #tpu.memory_space<hbm>>
        %dma_wait3A_529 = tpu.memref_squeeze %dma_wait3A_528 : memref<1x80x128xf32, #tpu.memory_space<hbm>> -> memref<80x128xf32, #tpu.memory_space<hbm>>
        %dma_wait3A_530 = arith.constant 0 : i32
        %dma_wait3A_531 = tpu.memref_slice %arg15[%multiple_of3A_521, %dma_wait3A_530] : memref<10000x128xf32, #tpu.memory_space<vmem_shared>> -> memref<80x128xf32, #tpu.memory_space<vmem_shared>>
        tpu.wait_dma2 semaphore(%run_scoped3A : memref<!tpu.dma_semaphore, #tpu.memory_space<semaphore_mem>>) src(%dma_wait3A_531 : memref<80x128xf32, #tpu.memory_space<vmem_shared>>) dst(%dma_wait3A_529 : memref<80x128xf32, #tpu.memory_space<hbm>>)
        tpu.yield
      }) : () -> ()
    } else {
    }
    %lt3A_512 = arith.constant 4 : i32
    %lt3A_513 = arith.cmpi slt, %arg1, %lt3A_512 : i32
    %convert_element_type3A_514 = arith.extui %lt3A_513 : i1 to i32
    %cond3A_515 = arith.constant 0 : i32
    %cond3A_516 = arith.cmpi ne, %convert_element_type3A_514, %cond3A_515 : i32
    scf.if %cond3A_516 {
      %mul3A_517 = arith.constant 80 : i32
      %mul3A_518 = arith.muli %arg1, %mul3A_517 : i32
      %multiple_of3A_519 = tpu.assume_multiple %mul3A_518, 8 : i32
      %add3A_520 = arith.constant 10000 : i32
      %add3A_521 = arith.addi %add3A_520, %multiple_of3A_519 : i32
      "tpu.region"() ({
        %run_scoped3A = tpu.sem_alloc : memref<!tpu.dma_semaphore, #tpu.memory_space<semaphore_mem>>
        %dma_start3A_522 = arith.constant 0 : i32
        %dma_start3A_523 = tpu.memref_slice %arg6[%arg0, %add3A_521, %dma_start3A_522] : memref<2x10320x128xf32, #tpu.memory_space<hbm>> -> memref<1x80x128xf32, #tpu.memory_space<hbm>>
        %dma_start3A_524 = tpu.memref_squeeze %dma_start3A_523 : memref<1x80x128xf32, #tpu.memory_space<hbm>> -> memref<80x128xf32, #tpu.memory_space<hbm>>
        %dma_start3A_525 = arith.constant 0 : i32
        %dma_start3A_526 = tpu.memref_slice %arg16[%multiple_of3A_519, %dma_start3A_525] : memref<320x128xf32, #tpu.memory_space<vmem_shared>> -> memref<80x128xf32, #tpu.memory_space<vmem_shared>>
        tpu.enqueue_dma source(%dma_start3A_526 : memref<80x128xf32, #tpu.memory_space<vmem_shared>>) target(%dma_start3A_524 : memref<80x128xf32, #tpu.memory_space<hbm>>) target_semaphore(%run_scoped3A : memref<!tpu.dma_semaphore, #tpu.memory_space<semaphore_mem>>)
        %dma_wait3A_527 = arith.constant 0 : i32
        %dma_wait3A_528 = tpu.memref_slice %arg6[%arg0, %add3A_521, %dma_wait3A_527] : memref<2x10320x128xf32, #tpu.memory_space<hbm>> -> memref<1x80x128xf32, #tpu.memory_space<hbm>>
        %dma_wait3A_529 = tpu.memref_squeeze %dma_wait3A_528 : memref<1x80x128xf32, #tpu.memory_space<hbm>> -> memref<80x128xf32, #tpu.memory_space<hbm>>
        %dma_wait3A_530 = arith.constant 0 : i32
        %dma_wait3A_531 = tpu.memref_slice %arg16[%multiple_of3A_519, %dma_wait3A_530] : memref<320x128xf32, #tpu.memory_space<vmem_shared>> -> memref<80x128xf32, #tpu.memory_space<vmem_shared>>
        tpu.wait_dma2 semaphore(%run_scoped3A : memref<!tpu.dma_semaphore, #tpu.memory_space<semaphore_mem>>) src(%dma_wait3A_531 : memref<80x128xf32, #tpu.memory_space<vmem_shared>>) dst(%dma_wait3A_529 : memref<80x128xf32, #tpu.memory_space<hbm>>)
        tpu.yield
      }) : () -> ()
    } else {
    }
    return
  }
}

module attributes {stable_mosaic.version = 14 : i64} {
  func.func @body(%arg0: i32, %arg1: memref<2x400x128xf32, #tpu.memory_space<vmem>>, %arg2: memref<2x400x4xf32, #tpu.memory_space<vmem>>, %arg3: memref<400x128xf32, #tpu.memory_space<vmem>>, %arg4: memref<128x128xf32, #tpu.memory_space<vmem>>, %arg5: memref<128x128xf32, #tpu.memory_space<vmem>>, %arg6: memref<1x128xf32, #tpu.memory_space<vmem>>, %arg7: memref<1x128xf32, #tpu.memory_space<vmem>>, %arg8: memref<400x128xf32, #tpu.memory_space<vmem>>) attributes {dimension_semantics = [#tpu.dimension_semantics<arbitrary>], iteration_bounds = array<i64: 25>, scalar_prefetch = 0 : i64, scratch_operands = 0 : i64, tpu.core_type = #tpu.core_type<tc>, window_params = [{transform_indices = @transform_0, window_bounds = array<i64: 2, 400, 128>}, {transform_indices = @transform_1, window_bounds = array<i64: 2, 400, 4>}, {transform_indices = @transform_2, window_bounds = array<i64: 400, 128>}, {pipeline_mode = #tpu.pipeline_mode<synchronous>, transform_indices = @transform_3, window_bounds = array<i64: 128, 128>}, {pipeline_mode = #tpu.pipeline_mode<synchronous>, transform_indices = @transform_4, window_bounds = array<i64: 128, 128>}, {pipeline_mode = #tpu.pipeline_mode<synchronous>, transform_indices = @transform_5, window_bounds = array<i64: 1, 128>}, {pipeline_mode = #tpu.pipeline_mode<synchronous>, transform_indices = @transform_6, window_bounds = array<i64: 1, 128>}, {transform_indices = @transform_7, window_bounds = array<i64: 400, 128>}]} {
    %get3A = arith.constant 0 : index
    %get3A_0 = arith.constant 0 : index
    %get3A_1 = arith.constant 0 : index
    %get3A_2 = vector.load %arg1[%get3A, %get3A_0, %get3A_1] : memref<2x400x128xf32, #tpu.memory_space<vmem>>, vector<1x400x128xf32>
    %get3A_3 = vector.shape_cast %get3A_2 : vector<1x400x128xf32> to vector<400x128xf32>
    %get3A_4 = arith.constant 1 : index
    %get3A_5 = arith.constant 0 : index
    %get3A_6 = arith.constant 0 : index
    %get3A_7 = vector.load %arg1[%get3A_4, %get3A_5, %get3A_6] : memref<2x400x128xf32, #tpu.memory_space<vmem>>, vector<1x400x128xf32>
    %get3A_8 = vector.shape_cast %get3A_7 : vector<1x400x128xf32> to vector<400x128xf32>
    %add3A = arith.addf %get3A_3, %get3A_8 : vector<400x128xf32>
    %get3A_9 = arith.constant 0 : index
    %get3A_10 = arith.constant 0 : index
    %get3A_11 = arith.constant 0 : index
    %get3A_12 = vector.load %arg2[%get3A_9, %get3A_10, %get3A_11] : memref<2x400x4xf32, #tpu.memory_space<vmem>>, vector<1x400x1xf32>
    %get3A_13 = vector.shape_cast %get3A_12 : vector<1x400x1xf32> to vector<400x1xf32>
    %get3A_14 = arith.constant 1 : index
    %get3A_15 = arith.constant 0 : index
    %get3A_16 = arith.constant 0 : index
    %get3A_17 = vector.load %arg2[%get3A_14, %get3A_15, %get3A_16] : memref<2x400x4xf32, #tpu.memory_space<vmem>>, vector<1x400x1xf32>
    %get3A_18 = vector.shape_cast %get3A_17 : vector<1x400x1xf32> to vector<400x1xf32>
    %add3A_19 = arith.addf %get3A_13, %get3A_18 : vector<400x1xf32>
    %max3A = arith.constant 1.000000e+00 : f32
    %max3A_20 = vector.broadcast %max3A : f32 to vector<400x1xf32>
    %max3A_21 = arith.maximumf %add3A_19, %max3A_20 : vector<400x1xf32>
    %div3A = vector.broadcast %max3A_21 : vector<400x1xf32> to vector<400x128xf32>
    %div3A_22 = arith.divf %add3A, %div3A : vector<400x128xf32>
    %get3A_23 = arith.constant 0 : index
    %get3A_24 = arith.constant 0 : index
    %get3A_25 = vector.load %arg4[%get3A_23, %get3A_24] : memref<128x128xf32, #tpu.memory_space<vmem>>, vector<128x128xf32>
    %dot_general3A = arith.constant dense<0.000000e+00> : vector<400x128xf32>
    %dot_general3A_26 = tpu.matmul %div3A_22, %get3A_25, %dot_general3A {dimension_numbers = #tpu.dot_dimension_numbers<[1], [0], [0], [1], [0, 0, 1, 1], [], []>, transpose_lhs_hint = false} : vector<400x128xf32>, vector<128x128xf32>, vector<400x128xf32> -> vector<400x128xf32>
    %get3A_27 = arith.constant 0 : index
    %get3A_28 = arith.constant 0 : index
    %get3A_29 = vector.load %arg3[%get3A_27, %get3A_28] : memref<400x128xf32, #tpu.memory_space<vmem>>, vector<400x128xf32>
    %get3A_30 = arith.constant 0 : index
    %get3A_31 = arith.constant 0 : index
    %get3A_32 = vector.load %arg5[%get3A_30, %get3A_31] : memref<128x128xf32, #tpu.memory_space<vmem>>, vector<128x128xf32>
    %dot_general3A_33 = arith.constant dense<0.000000e+00> : vector<400x128xf32>
    %dot_general3A_34 = tpu.matmul %get3A_29, %get3A_32, %dot_general3A_33 {dimension_numbers = #tpu.dot_dimension_numbers<[1], [0], [0], [1], [0, 0, 1, 1], [], []>, transpose_lhs_hint = false} : vector<400x128xf32>, vector<128x128xf32>, vector<400x128xf32> -> vector<400x128xf32>
    %add3A_35 = arith.addf %dot_general3A_26, %dot_general3A_34 : vector<400x128xf32>
    %get3A_36 = arith.constant 0 : index
    %get3A_37 = arith.constant 0 : index
    %get3A_38 = vector.load %arg6[%get3A_36, %get3A_37] : memref<1x128xf32, #tpu.memory_space<vmem>>, vector<1x128xf32>
    %add3A_39 = vector.broadcast %get3A_38 : vector<1x128xf32> to vector<400x128xf32>
    %add3A_40 = arith.addf %add3A_35, %add3A_39 : vector<400x128xf32>
    %ge3A = arith.constant 0.000000e+00 : f32
    %ge3A_41 = vector.broadcast %ge3A : f32 to vector<400x128xf32>
    %ge3A_42 = arith.cmpf oge, %add3A_40, %ge3A_41 : vector<400x128xf32>
    %get3A_43 = arith.constant 0 : index
    %get3A_44 = arith.constant 0 : index
    %get3A_45 = vector.load %arg7[%get3A_43, %get3A_44] : memref<1x128xf32, #tpu.memory_space<vmem>>, vector<1x128xf32>
    %mul3A = vector.broadcast %get3A_45 : vector<1x128xf32> to vector<400x128xf32>
    %mul3A_46 = arith.mulf %mul3A, %add3A_40 : vector<400x128xf32>
    %select_n3A = arith.select %ge3A_42, %add3A_40, %mul3A_46 : vector<400x128xi1>, vector<400x128xf32>
    %swap3A = arith.constant 0 : index
    %swap3A_47 = arith.constant 0 : index
    %swap3A_48 = vector.load %arg8[%swap3A, %swap3A_47] : memref<400x128xf32, #tpu.memory_space<vmem>>, vector<400x128xf32>
    tpu.vector_store %arg8[%swap3A, %swap3A_47], %select_n3A {strides = array<i32>} : memref<400x128xf32, #tpu.memory_space<vmem>>, vector<400x128xf32>,
    return
  }
  func.func @transform_0(%arg0: i32) -> (i32, i32, i32) {
    %c0_i32 = arith.constant 0 : i32
    %c0_i32_0 = arith.constant 0 : i32
    %c0_i32_1 = arith.constant 0 : i32
    return %c0_i32, %arg0, %c0_i32_0 : i32, i32, i32
  }
  func.func @transform_1(%arg0: i32) -> (i32, i32, i32) {
    %c0_i32 = arith.constant 0 : i32
    %c0_i32_0 = arith.constant 0 : i32
    %c0_i32_1 = arith.constant 0 : i32
    return %c0_i32, %arg0, %c0_i32_0 : i32, i32, i32
  }
  func.func @transform_2(%arg0: i32) -> (i32, i32) {
    %c0_i32 = arith.constant 0 : i32
    %c0_i32_0 = arith.constant 0 : i32
    return %arg0, %c0_i32 : i32, i32
  }
  func.func @transform_3(%arg0: i32) -> (i32, i32) {
    %c0_i32 = arith.constant 0 : i32
    %c0_i32_0 = arith.constant 0 : i32
    %c0_i32_1 = arith.constant 0 : i32
    return %c0_i32, %c0_i32_0 : i32, i32
  }
  func.func @transform_4(%arg0: i32) -> (i32, i32) {
    %c0_i32 = arith.constant 0 : i32
    %c0_i32_0 = arith.constant 0 : i32
    %c0_i32_1 = arith.constant 0 : i32
    return %c0_i32, %c0_i32_0 : i32, i32
  }
  func.func @transform_5(%arg0: i32) -> (i32, i32) {
    %c0_i32 = arith.constant 0 : i32
    %c0_i32_0 = arith.constant 0 : i32
    %c0_i32_1 = arith.constant 0 : i32
    return %c0_i32, %c0_i32_0 : i32, i32
  }
  func.func @transform_6(%arg0: i32) -> (i32, i32) {
    %c0_i32 = arith.constant 0 : i32
    %c0_i32_0 = arith.constant 0 : i32
    %c0_i32_1 = arith.constant 0 : i32
    return %c0_i32, %c0_i32_0 : i32, i32
  }
  func.func @transform_7(%arg0: i32) -> (i32, i32) {
    %c0_i32 = arith.constant 0 : i32
    %c0_i32_0 = arith.constant 0 : i32
    return %arg0, %c0_i32 : i32, i32
  }
}

module attributes {stable_mosaic.version = 14 : i64} {
  func.func @body(%arg0: i32, %arg1: memref<2x400x128xf32, #tpu.memory_space<vmem>>, %arg2: memref<2x400x4xf32, #tpu.memory_space<vmem>>, %arg3: memref<400x128xf32, #tpu.memory_space<vmem>>, %arg4: memref<128x128xf32, #tpu.memory_space<vmem>>, %arg5: memref<128x128xf32, #tpu.memory_space<vmem>>, %arg6: memref<1x128xf32, #tpu.memory_space<vmem>>, %arg7: memref<1x128xf32, #tpu.memory_space<vmem>>, %arg8: memref<400x128xf32, #tpu.memory_space<vmem>>) attributes {dimension_semantics = [#tpu.dimension_semantics<arbitrary>], iteration_bounds = array<i64: 25>, scalar_prefetch = 0 : i64, scratch_operands = 0 : i64, tpu.core_type = #tpu.core_type<tc>, window_params = [{transform_indices = @transform_0, window_bounds = array<i64: 2, 400, 128>}, {transform_indices = @transform_1, window_bounds = array<i64: 2, 400, 4>}, {transform_indices = @transform_2, window_bounds = array<i64: 400, 128>}, {pipeline_mode = #tpu.pipeline_mode<synchronous>, transform_indices = @transform_3, window_bounds = array<i64: 128, 128>}, {pipeline_mode = #tpu.pipeline_mode<synchronous>, transform_indices = @transform_4, window_bounds = array<i64: 128, 128>}, {pipeline_mode = #tpu.pipeline_mode<synchronous>, transform_indices = @transform_5, window_bounds = array<i64: 1, 128>}, {pipeline_mode = #tpu.pipeline_mode<synchronous>, transform_indices = @transform_6, window_bounds = array<i64: 1, 128>}, {transform_indices = @transform_7, window_bounds = array<i64: 400, 128>}]} {
    %get3A = arith.constant 0 : index
    %get3A_0 = arith.constant 0 : index
    %get3A_1 = arith.constant 0 : index
    %get3A_2 = vector.load %arg1[%get3A, %get3A_0, %get3A_1] : memref<2x400x128xf32, #tpu.memory_space<vmem>>, vector<1x400x128xf32>
    %get3A_3 = vector.shape_cast %get3A_2 : vector<1x400x128xf32> to vector<400x128xf32>
    %get3A_4 = arith.constant 1 : index
    %get3A_5 = arith.constant 0 : index
    %get3A_6 = arith.constant 0 : index
    %get3A_7 = vector.load %arg1[%get3A_4, %get3A_5, %get3A_6] : memref<2x400x128xf32, #tpu.memory_space<vmem>>, vector<1x400x128xf32>
    %get3A_8 = vector.shape_cast %get3A_7 : vector<1x400x128xf32> to vector<400x128xf32>
    %add3A = arith.addf %get3A_3, %get3A_8 : vector<400x128xf32>
    %get3A_9 = arith.constant 0 : index
    %get3A_10 = arith.constant 0 : index
    %get3A_11 = arith.constant 0 : index
    %get3A_12 = vector.load %arg2[%get3A_9, %get3A_10, %get3A_11] : memref<2x400x4xf32, #tpu.memory_space<vmem>>, vector<1x400x1xf32>
    %get3A_13 = vector.shape_cast %get3A_12 : vector<1x400x1xf32> to vector<400x1xf32>
    %get3A_14 = arith.constant 1 : index
    %get3A_15 = arith.constant 0 : index
    %get3A_16 = arith.constant 0 : index
    %get3A_17 = vector.load %arg2[%get3A_14, %get3A_15, %get3A_16] : memref<2x400x4xf32, #tpu.memory_space<vmem>>, vector<1x400x1xf32>
    %get3A_18 = vector.shape_cast %get3A_17 : vector<1x400x1xf32> to vector<400x1xf32>
    %add3A_19 = arith.addf %get3A_13, %get3A_18 : vector<400x1xf32>
    %max3A = arith.constant 1.000000e+00 : f32
    %max3A_20 = vector.broadcast %max3A : f32 to vector<400x1xf32>
    %max3A_21 = arith.maximumf %add3A_19, %max3A_20 : vector<400x1xf32>
    %div3A = vector.broadcast %max3A_21 : vector<400x1xf32> to vector<400x128xf32>
    %div3A_22 = arith.divf %add3A, %div3A : vector<400x128xf32>
    %get3A_23 = arith.constant 0 : index
    %get3A_24 = arith.constant 0 : index
    %get3A_25 = vector.load %arg4[%get3A_23, %get3A_24] : memref<128x128xf32, #tpu.memory_space<vmem>>, vector<128x128xf32>
    %dot_general3A = arith.constant dense<0.000000e+00> : vector<400x128xf32>
    %dot_general3A_26 = tpu.matmul %div3A_22, %get3A_25, %dot_general3A {dimension_numbers = #tpu.dot_dimension_numbers<[1], [0], [0], [1], [0, 0, 1, 1], [], []>, transpose_lhs_hint = false} : vector<400x128xf32>, vector<128x128xf32>, vector<400x128xf32> -> vector<400x128xf32>
    %get3A_27 = arith.constant 0 : index
    %get3A_28 = arith.constant 0 : index
    %get3A_29 = vector.load %arg3[%get3A_27, %get3A_28] : memref<400x128xf32, #tpu.memory_space<vmem>>, vector<400x128xf32>
    %get3A_30 = arith.constant 0 : index
    %get3A_31 = arith.constant 0 : index
    %get3A_32 = vector.load %arg5[%get3A_30, %get3A_31] : memref<128x128xf32, #tpu.memory_space<vmem>>, vector<128x128xf32>
    %dot_general3A_33 = arith.constant dense<0.000000e+00> : vector<400x128xf32>
    %dot_general3A_34 = tpu.matmul %get3A_29, %get3A_32, %dot_general3A_33 {dimension_numbers = #tpu.dot_dimension_numbers<[1], [0], [0], [1], [0, 0, 1, 1], [], []>, transpose_lhs_hint = false} : vector<400x128xf32>, vector<128x128xf32>, vector<400x128xf32> -> vector<400x128xf32>
    %add3A_35 = arith.addf %dot_general3A_26, %dot_general3A_34 : vector<400x128xf32>
    %get3A_36 = arith.constant 0 : index
    %get3A_37 = arith.constant 0 : index
    %get3A_38 = vector.load %arg6[%get3A_36, %get3A_37] : memref<1x128xf32, #tpu.memory_space<vmem>>, vector<1x128xf32>
    %add3A_39 = vector.broadcast %get3A_38 : vector<1x128xf32> to vector<400x128xf32>
    %add3A_40 = arith.addf %add3A_35, %add3A_39 : vector<400x128xf32>
    %ge3A = arith.constant 0.000000e+00 : f32
    %ge3A_41 = vector.broadcast %ge3A : f32 to vector<400x128xf32>
    %ge3A_42 = arith.cmpf oge, %add3A_40, %ge3A_41 : vector<400x128xf32>
    %get3A_43 = arith.constant 0 : index
    %get3A_44 = arith.constant 0 : index
    %get3A_45 = vector.load %arg7[%get3A_43, %get3A_44] : memref<1x128xf32, #tpu.memory_space<vmem>>, vector<1x128xf32>
    %mul3A = vector.broadcast %get3A_45 : vector<1x128xf32> to vector<400x128xf32>
    %mul3A_46 = arith.mulf %mul3A, %add3A_40 : vector<400x128xf32>
    %select_n3A = arith.select %ge3A_42, %add3A_40, %mul3A_46 : vector<400x128xi1>, vector<400x128xf32>
    %swap3A = arith.constant 0 : index
    %swap3A_47 = arith.constant 0 : index
    %swap3A_48 = vector.load %arg8[%swap3A, %swap3A_47] : memref<400x128xf32, #tpu.memory_space<vmem>>, vector<400x128xf32>
    tpu.vector_store %arg8[%swap3A, %swap3A_47], %select_n3A {strides = array<i32>} : memref<400x128xf32, #tpu.memory_space<vmem>>, vector<400x128xf32>,
    return
  }
  func.func @transform_0(%arg0: i32) -> (i32, i32, i32) {
    %c0_i32 = arith.constant 0 : i32
    %c0_i32_0 = arith.constant 0 : i32
    %c0_i32_1 = arith.constant 0 : i32
    return %c0_i32, %arg0, %c0_i32_0 : i32, i32, i32
  }
  func.func @transform_1(%arg0: i32) -> (i32, i32, i32) {
    %c0_i32 = arith.constant 0 : i32
    %c0_i32_0 = arith.constant 0 : i32
    %c0_i32_1 = arith.constant 0 : i32
    return %c0_i32, %arg0, %c0_i32_0 : i32, i32, i32
  }
  func.func @transform_2(%arg0: i32) -> (i32, i32) {
    %c0_i32 = arith.constant 0 : i32
    %c0_i32_0 = arith.constant 0 : i32
    return %arg0, %c0_i32 : i32, i32
  }
  func.func @transform_3(%arg0: i32) -> (i32, i32) {
    %c0_i32 = arith.constant 0 : i32
    %c0_i32_0 = arith.constant 0 : i32
    %c0_i32_1 = arith.constant 0 : i32
    return %c0_i32, %c0_i32_0 : i32, i32
  }
  func.func @transform_4(%arg0: i32) -> (i32, i32) {
    %c0_i32 = arith.constant 0 : i32
    %c0_i32_0 = arith.constant 0 : i32
    %c0_i32_1 = arith.constant 0 : i32
    return %c0_i32, %c0_i32_0 : i32, i32
  }
  func.func @transform_5(%arg0: i32) -> (i32, i32) {
    %c0_i32 = arith.constant 0 : i32
    %c0_i32_0 = arith.constant 0 : i32
    %c0_i32_1 = arith.constant 0 : i32
    return %c0_i32, %c0_i32_0 : i32, i32
  }
  func.func @transform_6(%arg0: i32) -> (i32, i32) {
    %c0_i32 = arith.constant 0 : i32
    %c0_i32_0 = arith.constant 0 : i32
    %c0_i32_1 = arith.constant 0 : i32
    return %c0_i32, %c0_i32_0 : i32, i32
  }
  func.func @transform_7(%arg0: i32) -> (i32, i32) {
    %c0_i32 = arith.constant 0 : i32
    %c0_i32_0 = arith.constant 0 : i32
    return %arg0, %c0_i32 : i32, i32
  }
}

</mosaic_0001>

<sc_bundles>
// kernel: kernel.6.cloned.1.call-start
scs
__scs_entry_jumppad:
0x0: {  	(pc) =	sbr.rel $0x88, $3  }
0x1: {  	(tag) =	ssettag $0x0;
	lr =	simm.s32 $0x1  }
0x2: {  	[smem:$0x3F97] =	sst lr;
	_ =	strace $0xD0000000  }
0x3: {  	_ = 	snop  }
0x4: {  	_ = 	snop  }
0x5: {  	_ = 	snop  }
0x6: {  	_ = 	snop  }
0x7: {  	_ = 	snop  }
__scs_overlays_trampoline_lowered:
0x8: {  	[smem:$0x3FA6] =	sst s0  }
0x9: {  	[smem:$0x3FA7] =	sst s1  }
0xa: {  	[smem:$0x3FA8] =	sst s2  }
0xb: {  	[smem:$0x3FA9] =	sst s3  }
0xc: {  	[smem:$0x3FAA] =	sst s4  }
0xd: {  	[smem:$0x3FAB] =	sst s5  }
0xe: {  	[smem:$0x3FAC] =	sst s6  }
0xf: {  	[smem:$0x3FAD] =	sst s7  }
0x10: {  	[smem:$0x3FAE] =	sst s8  }
0x11: {  	[smem:$0x3FAF] =	sst s9;
	s0 =	simm.s32 @!p0 $0x0  }
0x12: {  	s1 =	sld [smem:$0x3F95];
	s0 =	simm.s32 @p0 $0x1  }
0x13: {  	[smem:$0x3FB0] =	sst s0;
	s0 =	simm.s32 @!p1 $0x0  }
0x14: {  	s2 =	sld [smem:$0x3F94];
	s0 =	simm.s32 @p1 $0x1  }
0x15: {  	[smem:$0x3FB1] =	sst s0;
	s0 =	simm.s32 @!p2 $0x0  }
0x16: {  	s3 =	sld [smem:$0x3FDB];
	s0 =	simm.s32 @p2 $0x1  }
0x17: {  	s4 =	simm.s32 $0x1BF5;
	[smem:$0x3FB3] =	sst s0  }
0x18: {  	s0 =	sld [smem:$0x3F96];
	_ =	swait.ge [sflag:s4], $0x0  }
0x19: {  	s7 =	sld [smem:$0x3F97]  }
0x1a: {  	s8 =	sadd.s32 $0xFFFFE003, lr  }
0x1b: {  	s9 =	sadd.s32 $0xFFFFFEF7, lr;
	s5 =	simm.s32 $0xFFFFFFFF;
	p2 =	slt.u32 s8, $0xFFFFF086  }
0x1c: {  	p1 =	slt.u32 s9, $0xF7A;
	s5 =	simm.s32 @!p2 $0x0  }
0x1d: {  	s5 =	simm.s32 @p1 $0x1;
	p0 =	seq.s32 s7, s2  }
0x1e: {  	s7 =	smul.u32 @!p0 $0xF7A, s2;
	p2 =	seq.s32 @!p0 s5, $0x0  }
0x1f: {  	s9 =	smul.u32 $0xF7A, s1;
	s8 =	simm.s32 @!p0 $0x1BF5;
	p2 =	por !p2, p0  }
0x20: {  	[sflag:s8] =	ssyncset.s32 @!p0 $0xFFFFF086;
	s6 =	sadd.s32 @!p0 s3, s7;
	s7 =	simm.s32 @!p0 $0x108  }
0x21: {  	s3 =	sadd.s32 s3, s9;
	s6 =	sadd.s32 @!p0 $0x88, s6;
	s7 =	simm.s32 @p2 $0x1082  }
0x22: {  	[simem:s7], [sflag:s8] =	dma.local @!p0 [hbm:s6], $0xF7A  }
0x23: {  	s9 =	sor.u32 $0xD0000000, s2;
	s6 =	simm.s32 $0x108;
	_ =	swait.ge @!p0 [sflag:s8], $0x0  }
0x24: {  	s3 =	sadd.s32 $0x88, s3;
	s6 =	simm.s32 @!p1 $0x1082;
	[sflag:s4] =	ssyncset.s32 $0xFFFFF086  }
0x25: {  	[simem:s6], [sflag:s4] =	dma.local [hbm:s3], $0xF7A  }
0x26: {  	[smem:$0x3F97] =	sst s1;
	(tag) =	ssettag s2;
	_ =	strace s9  }
0x27: {  	s1 =	sld [smem:$0x3FA7]  }
0x28: {  	s2 =	sld [smem:$0x3FA8]  }
0x29: {  	s4 =	sld [smem:$0x3FAA]  }
0x2a: {  	p0 =	seq.s32 s5, $0x0;
	s5 =	sld [smem:$0x3FAB]  }
0x2b: {  	s6 =	sld [smem:$0x3FAC]  }
0x2c: {  	s7 =	sld [smem:$0x3FAD]  }
0x2d: {  	s3 =	simm.s32 $0x108;
	s8 =	sld [smem:$0x3FAE]  }
0x2e: {  	s3 =	simm.s32 @!p0 $0x1082;
	s9 =	sld [smem:$0x3FAF]  }
0x2f: {  	lr =	sadd.s32 s0, s3;
	s0 =	sld [smem:$0x3FA6]  }
0x30: {  	s3 =	sld [smem:$0x3FA9]  }
0x31: {  	[smem:$0x3FB2] =	sst s10  }
0x32: {  	s10 =	sld [smem:$0x3FB0];
	_ =	sdelay $0x3  }
0x33: {  	p0 =	seq.s32 s10, $0x1;
	s10 =	sld [smem:$0x3FB2];
	_ =	sdelay $0x3  }
0x34: {  	[smem:$0x3FB2] =	sst s10  }
0x35: {  	s10 =	sld [smem:$0x3FB1];
	_ =	sdelay $0x3  }
0x36: {  	p1 =	seq.s32 s10, $0x1;
	s10 =	sld [smem:$0x3FB2];
	_ =	sdelay $0x3  }
0x37: {  	[smem:$0x3FB2] =	sst s10  }
0x38: {  	s10 =	sld [smem:$0x3FB3]  }
0x39: {  	_ = 	snop;
	(pc) =	sbr.ind lr, $3  }
0x3a: {  	_ = 	snop  }
0x3b: {  	_ = 	snop  }
0x3c: {  	p2 =	seq.s32 s10, $0x1;
	s10 =	sld [smem:$0x3FB2]  }
0x3d: {  	_ =	shalt  }
0x3e: {  	_ =	shalt  }
0x3f: {  	_ =	shalt  }
0x40: {  	_ =	shalt  }
0x41: {  	_ =	shalt  }
0x42: {  	_ =	shalt  }
0x43: {  	_ =	shalt  }
0x44: {  	_ =	shalt  }
0x45: {  	_ =	shalt  }
0x46: {  	_ =	shalt  }
0x47: {  	_ =	shalt  }
0x48: {  	_ =	shalt  }
0x49: {  	_ =	shalt  }
0x4a: {  	_ =	shalt  }
0x4b: {  	_ =	shalt  }
0x4c: {  	_ =	shalt  }
0x4d: {  	_ =	shalt  }
0x4e: {  	_ =	shalt  }
0x4f: {  	_ =	shalt  }
0x50: {  	_ =	shalt  }
0x51: {  	_ =	shalt  }
0x52: {  	_ =	shalt  }
0x53: {  	_ =	shalt  }
0x54: {  	_ =	shalt  }
0x55: {  	_ =	shalt  }
0x56: {  	_ =	shalt  }
0x57: {  	_ =	shalt  }
0x58: {  	_ =	shalt  }
0x59: {  	_ =	shalt  }
0x5a: {  	_ =	shalt  }
0x5b: {  	_ =	shalt  }
0x5c: {  	_ =	shalt  }
0x5d: {  	_ =	shalt  }
0x5e: {  	_ =	shalt  }
0x5f: {  	_ =	shalt  }
0x60: {  	_ =	shalt  }
0x61: {  	_ =	shalt  }
0x62: {  	_ =	shalt  }
0x63: {  	_ =	shalt  }
0x64: {  	_ =	shalt  }
0x65: {  	_ =	shalt  }
0x66: {  	_ =	shalt  }
0x67: {  	_ =	shalt  }
0x68: {  	_ =	shalt  }
0x69: {  	_ =	shalt  }
0x6a: {  	_ =	shalt  }
0x6b: {  	_ =	shalt  }
0x6c: {  	_ =	shalt  }
0x6d: {  	_ =	shalt  }
0x6e: {  	_ =	shalt  }
0x6f: {  	_ =	shalt  }
0x70: {  	_ =	shalt  }
0x71: {  	_ =	shalt  }
0x72: {  	_ =	shalt  }
0x73: {  	_ =	shalt  }
0x74: {  	_ =	shalt  }
0x75: {  	_ =	shalt  }
0x76: {  	_ =	shalt  }
0x77: {  	_ =	shalt  }
0x78: {  	_ =	shalt  }
0x79: {  	_ =	shalt  }
0x7a: {  	_ =	shalt  }
0x7b: {  	_ =	shalt  }
0x7c: {  	_ =	shalt  }
0x7d: {  	_ =	shalt  }
0x7e: {  	_ =	shalt  }
0x7f: {  	_ =	shalt  }
0x80: {  	_ =	shalt  }
0x81: {  	_ =	shalt  }
0x82: {  	_ =	shalt  }
0x83: {  	_ =	shalt  }
0x84: {  	_ =	shalt  }
0x85: {  	_ =	shalt  }
0x86: {  	_ =	shalt  }
0x87: {  	_ =	shalt  }
.Lfunc_end0:
.L_simem_size_0:
called_computation_lowered:
.L_overlay_start_0:
0x88: {  	s2 =	sld [smem:$0x3FD9]  }
0x89: {  	s3 =	sld [smem:$0x3FFE];
	_ =	sdelay $0x1  }
0x8a: {  	s1 =	srdreg.scid  }
0x8b: {  	s0 =	sand.u32 $0x1, s1  }
0x8c: {  	s17 =	sshll.u32 s0, $0xA;
	s2 =	sadd.s32 s3, s2  }
0x8d: {  	s2 =	sadd.s32 s2, s17  }
0x8e: {  	[smem:$0x3FBE] =	sst s2  }
0x8f: {  	_ = 	snop  }
0x90: {  	s2 =	sld [smem:$0x3FC9];
	(tm) =	ssettm $0x1  }
0x91: {  	s18 =	sld [smem:$0x3FFB];
	_ =	sdelay $0x3  }
0x92: {  	_ =	strace s18  }
0x93: {  	s3 =	sld [smem:$0x3FFC];
	_ =	sdelay $0x3  }
0x94: {  	_ =	strace s3  }
0x95: {  	s3 =	sld [smem:$0x3FFD];
	_ =	sdelay $0x3  }
0x96: {  	_ =	strace s3  }
0x97: {  	_ =	strace $0x8FFFFFFF  }
0x98: {  	s19 =	sld [smem:$0x3FDB];
	_ =	sdelay $0x1  }
0x99: {  	s4 =	simm.s32 $_scs_section_size  }
0x9a: {  	s5 =	simm.s32 $_size__tile_overlayer_lowered;
	s6 =	simm.s32 $_tile_overlayer_lowered  }
0x9b: {  	s22 =	simm.s32 $0x1BFF;
	s21 =	sshll.u32 s6, $0x1;
	s3 =	sadd.s32 s4, s19  }
0x9c: {  	s7 =	simm.s32 $0x0;
	s20 =	sshll.u32 s5, $0x1;
	s5 =	sadd.s32 s21, s3  }
0x9d: {  	[timem:s7], [sflag:s22] =	dma.local [hbm:s5], s20  }
0x9e: {  	_ =	swait.ge [sflag:s22], s20  }
0x9f: {  	s4 =	ssub.s32 $0x0, s20;
	[sflag:s22] =	ssyncset.done $0x0  }
0xa0: {  	[sflag:s22] =	ssyncadd.s32 s4;
	_ =	sdelay $0x1  }
0xa1: {  	s23 =	simm.s32 $0x1B8B  }
0xa2: {  	_ =	swait.ge [sflag:s23], $0x1  }
0xa3: {  	[sflag:s23] =	ssyncset.done $0x0  }
0xa4: {  	s25 =	simm.s32 $0x1B8E;
	s24 =	sld [smem:$0x3FFE];
	[sflag:s23] =	ssyncadd.s32 $0xFFFFFFFF  }
0xa5: {  	s26 =	simm.s32 $execute0_lowered;
	[smem:$0x3FD2] =	sst s25  }
0xa6: {  	s5 =	sshll.u32 s26, $0x1;
	_ =	strace $0x80000046;
	[dreg:$0x1] =	wrdreg $0xFFFFFFFF  }
0xa7: {  	s28 =	simm.s32 $_size_execute0_lowered;
	s3 =	sadd.s32 s3, s5;
	[dreg:$0x0] =	wrdreg $0x0  }
0xa8: {  	s5 =	sshll.u32 s28, $0x1;
	[dreg:$0x2] =	wrdreg s3  }
0xa9: {  	[dreg:$0x3] =	wrdreg s5  }
0xaa: {  	[dreg:$0x4] =	wrdreg $0xC0  }
0xab: {  	_ =	task [dreg:s7], $0x5FFFF  }
0xac: {  	[dreg:$0x1] =	wrdreg $0xFFFFFFFF  }
0xad: {  	[dreg:$0x0] =	wrdreg $0x60  }
0xae: {  	[dreg:$0x2] =	wrdreg s2  }
0xaf: {  	[dreg:$0x3] =	wrdreg s24  }
0xb0: {  	[dreg:$0x4] =	wrdreg $0xA2800  }
0xb1: {  	[dreg:$0x5] =	wrdreg $0x1DB000  }
0xb2: {  	[dreg:$0x6] =	wrdreg $0x9  }
0xb3: {  	_ =	task.clear_ibuf [dreg:s7], $0x7FFFF;
	_ =	strace $0x90000046  }
0xb4: {  	s29 =	simm.s32 $0x9;
	_ =	strace $0x80000048  }
0xb5: {  	_ =	swait.ge [sflag:s29], $0x1  }
0xb6: {  	[sflag:s29] =	ssyncadd.s32 $0xFFFFFFFF  }
0xb7: {  	_ =	strace $0x90000048  }
0xb8: {  	_ =	sfence  }
0xb9: {  	s30 =	sld [smem:$0x0];
	_ =	sdelay $0x2  }
0xba: {  	s31 =	sshll.u32 s1, $0xD;
	s1 =	sshrl.u32 s1, $0x2  }
0xbb: {  	s3 =	sand.u32 $0x4000, s31;
	s1 =	sadd.s32 s1, s30  }
0xbc: {  	s0 =	sor.u32 s3, s0;
	s1 =	sshll.u32 s1, $0x11  }
0xbd: {  	s0 =	sor.u32 s1, s0  }
0xbe: {  	s0 =	sadd.s32 $0x8F2B, s0  }
0xbf: {  	[sflag:s0] =	ssyncadd.remote.s32 $0x1  }
0xc0: {  	_ =	sfence.sel $0xFFFF  }
0xc1: {  	[dreg:$0x0] =	wrdreg $0xFFFFFFFF;
	(pc) =	sbr.abs _section_cstart, $3  }
0xc2: {  	[dreg:$0x1] =	wrdreg $0xFFFFFFFF  }
0xc3: {  	_ =	task.clear_ibuf [dreg:s7], $0x2FFFF;
	_ =	strace $0x9FFFFFFF  }
0xc4: {  	(tm) =	ssettm $0x7FFFFFFF  }
0xc5: {  	_ =	shalt  }
tec
execute0_lowered:
.L_overlay_start_1:
0x0: {  	(tag) =	ssettag $0x1  }
0x1: {  	s2 =	srdreg.scid;
	s1 =	rddreg [dreg:$0x1];
	s0 =	simm.s32 $0x0  }
0x2: {  	s26 =	stileid.u32;
	s29 =	simm.s32 $0x0;
	s3 =	sand.u32 $0x1, s2  }
0x3: {  	[smem:$0x7FF] =	sst s0;
	s4 =	sadd.s32 $0xC800, s1;
	s5 =	sadd.s32 $0x2A00, s1  }
0x4: {  	s6 =	sadd.s32 $0x16C00, s1;
	s8 =	sshll.u32 s26, $0x5;
	s9 =	smul.u32 $0x2800, s26  }
0x5: {  	s10 =	sor.u32 $0x10, s26;
	s12 =	sor.u32 $0x20, s26;
	s31 =	smul.u32 $0x142800, s3  }
0x6: {  	s15 =	sor.u32 $0x30, s26;
	s24 =	sor.u32 $0x40, s26;
	s13 =	smul.u32 $0x2800, s10  }
0x7: {  	s25 =	sor.u32 $0x50, s26;
	p0 =	sgt.u32 s26, $0xC;
	s16 =	smul.u32 $0x2800, s12  }
0x8: {  	p3 =	sgt.u32 s26, $0x1;
	s2 =	ssub.s32 $0x2, s3;
	s18 =	smul.u32 $0x2800, s15  }
0x9: {  	s11 =	sshll.u32 s3, $0x4;
	s20 =	smul.u32 $0x2800, s24;
	s3 =	sor.u32 $0x60, s26  }
0xa: {  	s21 =	smul.u32 $0x2800, s25;
	p2 =	sgt.u32 @!p0 s26, $0x3;
	s7 =	sshrl.u32 s2, $0x1  }
0xb: {  	s14 =	sor.u32 s11, s8;
	s17 =	sadd.s32 $0x118000, s9;
	s22 =	smul.u32 $0x2800, s3  }
0xc: {  	s3 =	smul.u32 $0xA000, s3;
	p1 =	por p2, p0;
	s2 =	ssub.s32 s2, s7  }
0xd: {  	s19 =	sadd.s32 s31, s17;
	s9 =	sadd.s32 s31, s9;
	s13 =	sadd.s32 s31, s13  }
0xe: {  	s16 =	sadd.s32 s31, s16;
	s20 =	sadd.s32 s31, s20;
	s21 =	sadd.s32 s31, s21  }
0xf: {  	s19 =	sshrl.u32 s19, $0x3;
	s9 =	sshrl.u32 s9, $0x3;
	s7 =	sadd.s32 s31, s22  }
0x10: {  	s13 =	sshrl.u32 s13, $0x3;
	s16 =	sshrl.u32 s16, $0x3;
	s19 =	sadd.s32 s6, s19  }
0x11: {  	s28 =	sadd.s32 s6, s9;
	s9 =	sadd.s32 s6, s13;
	[dreg:$0x5] =	wrdreg s19  }
0x12: {  	s22 =	sor.u32 $0x200, s14;
	s23 =	sadd.s32 s6, s16;
	[dreg:$0x7] =	wrdreg s9  }
0x13: {  	s13 =	sshrl.u32 s20, $0x3;
	s20 =	sadd.s32 s5, s22;
	[dreg:$0x8] =	wrdreg s23  }
0x14: {  	s16 =	sshrl.u32 s21, $0x3;
	s21 =	sadd.s32 s4, s14;
	[dreg:$0xe] =	wrdreg s20  }
0x15: {  	s18 =	sadd.s32 s31, s18;
	s9 =	sadd.s32 s6, s13;
	[dreg:$0xf] =	wrdreg s21  }
0x16: {  	s19 =	sshrl.u32 s18, $0x3;
	s18 =	sadd.s32 s6, s16;
	[dreg:$0xa] =	wrdreg s9  }
0x17: {  	s23 =	sor.u32 $0x9C00, s14;
	s31 =	sadd.s32 s6, s19;
	[dreg:$0xb] =	wrdreg s18  }
0x18: {  	s19 =	sadd.s32 s4, s22;
	s22 =	sadd.s32 s5, s14;
	s14 =	rddreg [dreg:$0x0]  }
0x19: {  	p2 =	por !p2, p0;
	s7 =	sshrl.u32 s7, $0x3;
	s18 =	rddreg [dreg:$0x2]  }
0x1a: {  	s2 =	smax.u32 s2, $0x1;
	s6 =	sadd.s32 s6, s7;
	[dreg:$0x9] =	wrdreg s31  }
0x1b: {  	s13 =	sshll.u32 s26, $0x6;
	s16 =	smul.u32 $0xA000, s12;
	[dreg:$0xc] =	wrdreg s6  }
0x1c: {  	s12 =	smul.u32 $0xA000, s25;
	s25 =	sshrl.u32 s3, $0x2;
	[dreg:$0xd] =	wrdreg s19  }
0x1d: {  	s7 =	simm.s32 $0x180;
	[dreg:$0x10] =	wrdreg s22;
	s31 =	sadd.s32 s4, s23  }
0x1e: {  	s6 =	sadd.s32 s5, s23;
	s5 =	sadd.s32 s8, s5;
	s4 =	sadd.s32 s8, s4  }
0x1f: {  	s19 =	rddreg [dreg:$0x3];
	s8 =	smul.u32 $0xA000, s26;
	s22 =	sadd.s32 $0x16600, s1  }
0x20: {  	s23 =	sor.u32 $0x1C05, s13;
	s1 =	sadd.s32 s17, s18;
	s17 =	sshrl.u32 s12, $0x2  }
0x21: {  	s12 =	simm.s32 $0x8280;
	s26 =	simm.s32 $0x1;
	[dreg:$0x11] =	wrdreg s31  }
0x22: {  	[dreg:$0x12] =	wrdreg s6;
	s20 =	sadd.s32 s11, s5;
	s21 =	sadd.s32 s11, s4  }
0x23: {  	s11 =	smul.u32 $0xA000, s10;
	s5 =	sshrl.u32 s16, $0x2;
	s1 =	sshrl.u32 @!p0 s1, $0x3  }
0x24: {  	s4 =	simm.s32 $0x5;
	_ =	strace $0x80000047;
	[dreg:$0x15] =	wrdreg s2  }
0x25: {  	s9 =	sshrl.u32 s8, $0x2;
	s13 =	sadd.s32 s5, s18;
	[dreg:$0x1d] =	wrdreg s1  }
0x26: {  	[dreg:$0x6] =	wrdreg s28;
	s5 =	simm.s32 $0x100;
	s8 =	simm.s32 $0x3  }
0x27: {  	s31 =	sadd.s32 s9, s18;
	s30 =	sadd.s32 s9, s19;
	s10 =	sshrl.u32 s11, $0x2  }
0x28: {  	s11 =	smul.u32 $0xA000, s24;
	[dreg:$0x17] =	wrdreg s13;
	s24 =	sadd.s32 s17, s18  }
0x29: {  	s9 =	smul.u32 $0xA000, s15;
	s13 =	simm.s32 $0x40;
	[dreg:$0x1a] =	wrdreg s24  }
0x2a: {  	s2 =	sadd.s32 s10, s18;
	[dreg:$0x13] =	wrdreg s31;
	s3 =	sadd.s32 $0x118000, s31  }
0x2b: {  	s31 =	sadd.s32 $0x27100, s28;
	s10 =	simm.s32 $0x4;
	[dreg:$0x14] =	wrdreg s30  }
0x2c: {  	s6 =	sshrl.u32 s9, $0x2;
	[dreg:$0x16] =	wrdreg s2;
	s16 =	sshrl.u32 s11, $0x2  }
.Ltmp0:
0x2d: {  	[dreg:$0x1e] =	wrdreg s31;
	s15 =	sadd.s32 s6, s18;
	(pc) =	sbr.rel .LBB2_1-.Ltmp0, $4  }
0x2e: {  	v0 =	vlaneseq.u32;
	s28 =	simm.s32 $0x2;
	s2 =	sadd.s32 s16, s18;
	[dreg:$0x18] =	wrdreg s15  }
0x2f: {  	v0 =	vmul.u32 $0x80, v0;
	s9 =	simm.s32 $0x280;
	[dreg:$0x19] =	wrdreg s2;
	s2 =	sadd.s32 s25, s18  }
0x30: {  	v1 =	vimm.f32 $0.0e+00;
	v2 =	vimm.f32 $1.000000000e+00;
	s11 =	simm.s32 $0x4280;
	[dreg:$0x1b] =	wrdreg s2;
	s2 =	sshrl.u32 @!p0 s3, $0x3  }
0x31: {  	v3 =	vor.u32 $0x800, v0;
	v4 =	vor.u32 $0x1000, v0;
	v5 =	vor.u32 $0x1800, v0;
	s6 =	simm.s32 $0x80;
	s3 =	simm.s32 $0x200;
	[dreg:$0x1c] =	wrdreg s2  }
.LBB2_7:
0x32: {  	[bflag:$0x0] =	sbarrier.arrive $0xFFFF  }
0x33: {  	s2 =	rddreg [dreg:$0x6]  }
0x34: {  	s25 =	rddreg [dreg:$0x1f]  }
0x35: {  	[hbm:s2], [sflag:s23] =	dma.local [spmem:s25], $0x500  }
0x36: {  	_ =	swait.ge [sflag:s4], $0x500  }
0x37: {  	s31 =	sld [smem:$0x7FD]  }
0x38: {  	[sflag:s4] =	ssyncset.done $0x0  }
0x39: {  	s25 =	rddreg [dreg:$0x7];
	[sflag:s4] =	ssyncadd.s32 $0xFFFFFB00  }
0x3a: {  	[hbm:s25], [sflag:s23] =	dma.local [spmem:s31], $0x500  }
0x3b: {  	_ =	swait.ge [sflag:s4], $0x500  }
0x3c: {  	[sflag:s4] =	ssyncset.done $0x0  }
0x3d: {  	s25 =	rddreg [dreg:$0x8];
	[sflag:s4] =	ssyncadd.s32 $0xFFFFFB00  }
0x3e: {  	[hbm:s25], [sflag:s23] =	dma.local [spmem:s16], $0x500  }
0x3f: {  	_ =	swait.ge [sflag:s4], $0x500  }
0x40: {  	[sflag:s4] =	ssyncset.done $0x0  }
0x41: {  	s31 =	rddreg [dreg:$0x9];
	[sflag:s4] =	ssyncadd.s32 $0xFFFFFB00  }
0x42: {  	[hbm:s31], [sflag:s23] =	dma.local [spmem:s1], $0x500  }
0x43: {  	_ =	swait.ge [sflag:s4], $0x500  }
0x44: {  	[sflag:s4] =	ssyncset.done $0x0  }
0x45: {  	s2 =	rddreg [dreg:$0xa];
	[sflag:s4] =	ssyncadd.s32 $0xFFFFFB00  }
0x46: {  	[hbm:s2], [sflag:s23] =	dma.local [spmem:s15], $0x500  }
0x47: {  	_ =	swait.ge [sflag:s4], $0x500  }
0x48: {  	[sflag:s4] =	ssyncset.done $0x0  }
0x49: {  	s16 =	rddreg [dreg:$0xb];
	[sflag:s4] =	ssyncadd.s32 $0xFFFFFB00  }
0x4a: {  	[hbm:s16], [sflag:s23] =	dma.local [spmem:s24], $0x500  }
0x4b: {  	_ =	swait.ge [sflag:s4], $0x500  }
0x4c: {  	[sflag:s4] =	ssyncset.done $0x0  }
0x4d: {  	s25 =	rddreg [dreg:$0xc];
	[sflag:s4] =	ssyncadd.s32 $0xFFFFFB00  }
0x4e: {  	[hbm:s25], [sflag:s23] =	dma.local [spmem:s17], $0x500  }
0x4f: {  	_ =	swait.ge [sflag:s4], $0x500  }
0x50: {  	[sflag:s4] =	ssyncset.done $0x0;
	s1 =	rddreg [dreg:$0x5]  }
0x51: {  	s2 =	rddreg [dreg:$0x1d];
	[sflag:s4] =	ssyncadd.s32 $0xFFFFFB00  }
0x52: {  	[hbm:s1], [sflag:s23] =	dma.local @!p0 [spmem:s2], $0x500  }
0x53: {  	s1 =	simm.s32 @!p0 $0x5  }
0x54: {  	_ =	swait.ge @!p0 [sflag:s1], $0x500  }
0x55: {  	[sflag:s1] =	ssyncset.done @!p0 $0x0;
	s30 =	rddreg [dreg:$0x14]  }
0x56: {  	s2 =	rddreg [dreg:$0x1e];
	[sflag:s1] =	ssyncadd.s32 @!p0 $0xFFFFFB00;
	s1 =	sshrl.u32 @p4 s30, $0x3  }
0x57: {  	[hbm:s2], [sflag:s23] =	dma.local @p4 [spmem:s1], $0x500  }
0x58: {  	s1 =	simm.s32 @p4 $0x5  }
0x59: {  	_ =	swait.ge @p4 [sflag:s1], $0x500  }
0x5a: {  	s29 =	sadd.s32 $0x1, s29;
	s31 =	rddreg [dreg:$0x15]  }
0x5b: {  	p5 =	sne.s32 s29, s31  }
.Ltmp1:
0x5c: {  	_ = 	snop;
	(pc) =	sbr.rel @!p5 .LBB2_8-.Ltmp1, $3  }
0x5d: {  	_ =	sdelay $0x1  }
0x5e: {  	[sflag:s1] =	ssyncset.done @p4 $0x0  }
0x5f: {  	[sflag:s1] =	ssyncadd.s32 @p4 $0xFFFFFB00  }
.LBB2_1:
0x60: {  	s1 =	rddreg [dreg:$0x13]  }
0x61: {  	s1 =	sshrl.u32 s1, $0x3  }
0x62: {  	[dreg:$0x1f] =	wrdreg s1  }
0x63: {  	[spmem:s1], [sflag:s23] =	dma.local [hbm:s22], $0x500  }
0x64: {  	_ =	swait.ge [sflag:s4], $0x500  }
0x65: {  	s16 =	rddreg [dreg:$0x16]  }
0x66: {  	[sflag:s4] =	ssyncset.done $0x0;
	s1 =	sshrl.u32 s16, $0x3  }
0x67: {  	[sflag:s4] =	ssyncadd.s32 $0xFFFFFB00;
	[smem:$0x7FD] =	sst s1  }
0x68: {  	[spmem:s1], [sflag:s23] =	dma.local [hbm:s22], $0x500  }
0x69: {  	_ =	swait.ge [sflag:s4], $0x500  }
0x6a: {  	[sflag:s4] =	ssyncset.done $0x0;
	s17 =	rddreg [dreg:$0x17]  }
0x6b: {  	[sflag:s4] =	ssyncadd.s32 $0xFFFFFB00;
	s16 =	sshrl.u32 s17, $0x3  }
0x6c: {  	[spmem:s16], [sflag:s23] =	dma.local [hbm:s22], $0x500  }
0x6d: {  	_ =	swait.ge [sflag:s4], $0x500  }
0x6e: {  	[sflag:s4] =	ssyncset.done $0x0;
	s24 =	rddreg [dreg:$0x18]  }
0x6f: {  	[sflag:s4] =	ssyncadd.s32 $0xFFFFFB00;
	s1 =	sshrl.u32 s24, $0x3  }
0x70: {  	[spmem:s1], [sflag:s23] =	dma.local [hbm:s22], $0x500  }
0x71: {  	_ =	swait.ge [sflag:s4], $0x500  }
0x72: {  	[sflag:s4] =	ssyncset.done $0x0;
	s2 =	rddreg [dreg:$0x19]  }
0x73: {  	[sflag:s4] =	ssyncadd.s32 $0xFFFFFB00;
	s15 =	sshrl.u32 s2, $0x3  }
0x74: {  	[spmem:s15], [sflag:s23] =	dma.local [hbm:s22], $0x500  }
0x75: {  	_ =	swait.ge [sflag:s4], $0x500  }
0x76: {  	[sflag:s4] =	ssyncset.done $0x0;
	s25 =	rddreg [dreg:$0x1a]  }
0x77: {  	[sflag:s4] =	ssyncadd.s32 $0xFFFFFB00;
	s24 =	sshrl.u32 s25, $0x3  }
0x78: {  	[spmem:s24], [sflag:s23] =	dma.local [hbm:s22], $0x500  }
0x79: {  	_ =	swait.ge [sflag:s4], $0x500  }
0x7a: {  	[sflag:s4] =	ssyncset.done $0x0;
	s31 =	rddreg [dreg:$0x1b]  }
0x7b: {  	[sflag:s4] =	ssyncadd.s32 $0xFFFFFB00;
	s17 =	sshrl.u32 s31, $0x3  }
0x7c: {  	[spmem:s17], [sflag:s23] =	dma.local [hbm:s22], $0x500  }
0x7d: {  	_ =	swait.ge [sflag:s4], $0x500  }
0x7e: {  	[sflag:s4] =	ssyncset.done $0x0  }
0x7f: {  	s2 =	rddreg [dreg:$0x1c];
	[sflag:s4] =	ssyncadd.s32 $0xFFFFFB00  }
0x80: {  	[spmem:s2], [sflag:s23] =	dma.local @!p0 [hbm:s22], $0x500  }
0x81: {  	s2 =	simm.s32 @!p0 $0x5  }
0x82: {  	_ =	swait.ge @!p0 [sflag:s2], $0x500  }
0x83: {  	[sflag:s2] =	ssyncset.done @!p0 $0x0  }
0x84: {  	[sflag:s2] =	ssyncadd.s32 @!p0 $0xFFFFFB00;
	s2 =	sshrl.u32 @!p1 s30, $0x3  }
0x85: {  	[spmem:s2], [sflag:s23] =	dma.local @!p1 [hbm:s22], $0x500  }
0x86: {  	p4 =	por @!p0 $0x0, $0x0;
	p5 =	por @!p1 $0x1, $0x1;
	s2 =	simm.s32 @!p1 $0x5  }
0x87: {  	p5 =	por @!p2 p4, p4;
	p4 =	por $0x0, $0x0;
	_ =	swait.ge @!p1 [sflag:s2], $0x500  }
0x88: {  	p4 =	por @!p0 p5, p5;
	[sflag:s2] =	ssyncset.done @!p1 $0x0  }
0x89: {  	s25 =	simm.s32 $0x200;
	[sflag:s2] =	ssyncadd.s32 @!p1 $0xFFFFFB00;
	s2 =	simm.s32 $0x0  }
.LBB2_2:
0x8a: {  	p5 =	sne.s32 s25, $0x7E00;
	[tilespmem:s2+$0x82F0] =	vst v1  }
0x8b: {  	[tilespmem:s2+$0x8280] =	vst v1  }
0x8c: {  	[tilespmem:s2+$0x8290] =	vst v1  }
.Ltmp2:
0x8d: {  	[tilespmem:s2+$0x82A0] =	vst v1;
	(pc) =	sbr.rel @p5 .LBB2_2-.Ltmp2, $4  }
0x8e: {  	[tilespmem:s2+$0x82B0] =	vst v1  }
0x8f: {  	[tilespmem:s2+$0x82C0] =	vst v1  }
0x90: {  	[tilespmem:s2+$0x82D0] =	vst v1  }
0x91: {  	[tilespmem:s2+$0x82E0] =	vst v1;
	s2 =	sshra.s32 s25, $0x2;
	s25 =	sadd.s32 $0x200, s25  }
0x92: {  	[tilespmem:s2+$0x82F0] =	vst v1  }
0x93: {  	[tilespmem:s2+$0x8280] =	vst v1  }
0x94: {  	[tilespmem:s2+$0x8290] =	vst v1  }
0x95: {  	[tilespmem:s2+$0x82A0] =	vst v1  }
0x96: {  	[tilespmem:s2+$0x82B0] =	vst v1  }
0x97: {  	[tilespmem:s2+$0x82C0] =	vst v1  }
0x98: {  	[tilespmem:s2+$0x82D0] =	vst v1  }
0x99: {  	[tilespmem:s2+$0x82E0] =	vst v1  }
0x9a: {  	[bflag:$0x0] =	sbarrier.arrive $0xFFFF  }
0x9b: {  	s2 =	simm.s32 $0x0;
	s25 =	rddreg [dreg:$0xf]  }
0x9c: {  	[tilespmem:s2], [sflag:$0x3] =	stream.linear.gather [hbm4b:s25+s2], $0x80, $0x38;
	[tilespmem:$0x1E500] =	vst v63  }
0x9d: {  	s31 =	rddreg [dreg:$0x10]  }
0x9e: {  	[tilespmem:s5], [sflag:$0x3] =	stream.linear.gather [hbm4b:s31+s2], $0x80, $0x38;
	[tilespmem:$0x1E500] =	vst v63  }
0x9f: {  	s30 =	rddreg [dreg:$0xd]  }
0xa0: {  	[tilespmem:s6], [sflag:$0x4] =	stream.linear.gather [hbm4b:s30+s2], $0x80, $0x38;
	[tilespmem:$0x1E500] =	vst v63  }
0xa1: {  	s31 =	rddreg [dreg:$0xe]  }
0xa2: {  	[tilespmem:s7], [sflag:$0x4] =	stream.linear.gather [hbm4b:s31+s2], $0x80, $0x38;
	[tilespmem:$0x1E500] =	vst v63  }
0xa3: {  	_ =	swait.ge [sflag:s8], $0x80  }
0xa4: {  	[sflag:s8] =	ssyncset.done $0x0  }
0xa5: {  	[sflag:s8] =	ssyncadd.s32 $0xFFFFFF80  }
0xa6: {  	_ =	swait.ge [sflag:s8], $0x80  }
0xa7: {  	[sflag:s8] =	ssyncset.done $0x0  }
0xa8: {  	[sflag:s8] =	ssyncadd.s32 $0xFFFFFF80  }
0xa9: {  	[tilespmem:s9], [sflag:$0x1] =	stream.indirect.gather [hbm4b:s14+s6], $0x80, s2, s6, $0xb8;
	[tilespmem:$0x1E500] =	vst v63  }
.LBB2_4:
0xaa: {  	_ =	swait.ge [sflag:s10], $0x80  }
0xab: {  	[sflag:s10] =	ssyncset.done $0x0  }
0xac: {  	[sflag:s10] =	ssyncadd.s32 $0xFFFFFF80  }
0xad: {  	_ =	swait.ge [sflag:s10], $0x80  }
0xae: {  	[sflag:s10] =	ssyncset.done $0x0  }
0xaf: {  	[sflag:s10] =	ssyncadd.s32 $0xFFFFFF80  }
0xb0: {  	[tilespmem:s11], [sflag:$0x2] =	stream.indirect.gather [hbm4b:s14+s6], $0x80, s6, s6, $0xb8;
	[tilespmem:$0x1E500] =	vst v63  }
0xb1: {  	v6 =	vld [tilespmem:$0x100];
	_ =	sdelay $0x4  }
0xb2: {  	v7 =	vshll.u32 v6, $0x2  }
0xb3: {  	v7 =	vand.u32 $0x7C, v7  }
0xb4: {  	v7 =	vor.u32 v0, v7;
	_ =	sdelay $0x2  }
0xb5: {  	v6 =	vshrl.u32 v6, $0x5  }
0xb6: {  	[tilespmem:$0x200] =	vst v6  }
0xb7: {  	[tilespmem:v7+s12+$0x0] =	vst.idx.msk $0xffff, v2  }
0xb8: {  	v6 =	vld [tilespmem:$0x110];
	_ =	sdelay $0x4  }
0xb9: {  	v7 =	vshll.u32 v6, $0x2  }
0xba: {  	v7 =	vand.u32 $0x7C, v7  }
0xbb: {  	v7 =	vor.u32 v3, v7;
	_ =	sdelay $0x2  }
0xbc: {  	v6 =	vshrl.u32 v6, $0x5  }
0xbd: {  	[tilespmem:$0x210] =	vst v6  }
0xbe: {  	[tilespmem:v7+s12+$0x0] =	vst.idx.msk $0xffff, v2  }
0xbf: {  	v6 =	vld [tilespmem:$0x120];
	_ =	sdelay $0x4  }
0xc0: {  	v7 =	vshll.u32 v6, $0x2  }
0xc1: {  	v7 =	vand.u32 $0x7C, v7  }
0xc2: {  	v7 =	vor.u32 v4, v7;
	_ =	sdelay $0x2  }
0xc3: {  	v6 =	vshrl.u32 v6, $0x5  }
0xc4: {  	[tilespmem:$0x220] =	vst v6  }
0xc5: {  	[tilespmem:v7+s12+$0x0] =	vst.idx.msk $0xffff, v2  }
0xc6: {  	v6 =	vld [tilespmem:$0x130];
	_ =	sdelay $0x4  }
0xc7: {  	v7 =	vshll.u32 v6, $0x2  }
0xc8: {  	v7 =	vand.u32 $0x7C, v7  }
0xc9: {  	v7 =	vor.u32 v5, v7;
	_ =	sdelay $0x2  }
0xca: {  	v6 =	vshrl.u32 v6, $0x5  }
0xcb: {  	[tilespmem:$0x230] =	vst v6  }
0xcc: {  	[tilespmem:v7+s12+$0x0] =	vst.idx.msk $0xffff, v2  }
0xcd: {  	[spmem:s19] =	stream.indirect.scatter.add.f32 [tilespmem:s12], [sflag:$0x5], $0x80, s3, s13, $0xb8;
	[tilespmem:$0x1E500] =	vst v63  }
0xce: {  	_ =	swait.ge [sflag:s4], $0x2000  }
0xcf: {  	[sflag:s4] =	ssyncset.done $0x0  }
0xd0: {  	[sflag:s4] =	ssyncadd.s32 $0xFFFFE000  }
0xd1: {  	v6 =	vld [tilespmem:$0x100];
	_ =	sdelay $0x4  }
0xd2: {  	v6 =	vshll.u32 v6, $0x2  }
0xd3: {  	v6 =	vand.u32 $0x7C, v6  }
0xd4: {  	v6 =	vor.u32 v0, v6;
	_ =	sdelay $0x4  }
0xd5: {  	[tilespmem:v6+s12+$0x0] =	vst.idx.msk $0xffff, v1  }
0xd6: {  	v6 =	vld [tilespmem:$0x110];
	_ =	sdelay $0x4  }
0xd7: {  	v6 =	vshll.u32 v6, $0x2  }
0xd8: {  	v6 =	vand.u32 $0x7C, v6  }
0xd9: {  	v6 =	vor.u32 v3, v6;
	_ =	sdelay $0x4  }
0xda: {  	[tilespmem:v6+s12+$0x0] =	vst.idx.msk $0xffff, v1  }
0xdb: {  	v6 =	vld [tilespmem:$0x120];
	_ =	sdelay $0x4  }
0xdc: {  	v6 =	vshll.u32 v6, $0x2  }
0xdd: {  	v6 =	vand.u32 $0x7C, v6  }
0xde: {  	v6 =	vor.u32 v4, v6;
	_ =	sdelay $0x4  }
0xdf: {  	[tilespmem:v6+s12+$0x0] =	vst.idx.msk $0xffff, v1  }
0xe0: {  	v6 =	vld [tilespmem:$0x130];
	_ =	sdelay $0x4  }
0xe1: {  	v6 =	vshll.u32 v6, $0x2  }
0xe2: {  	v6 =	vand.u32 $0x7C, v6  }
0xe3: {  	v6 =	vor.u32 v5, v6;
	_ =	sdelay $0x4  }
0xe4: {  	[tilespmem:v6+s12+$0x0] =	vst.idx.msk $0xffff, v1  }
0xe5: {  	v6 =	vld [tilespmem:$0x140];
	_ =	sdelay $0x4  }
0xe6: {  	v7 =	vshll.u32 v6, $0x2  }
0xe7: {  	v7 =	vand.u32 $0x7C, v7  }
0xe8: {  	v7 =	vor.u32 v0, v7;
	_ =	sdelay $0x2  }
0xe9: {  	v6 =	vshrl.u32 v6, $0x5  }
0xea: {  	[tilespmem:$0x200] =	vst v6  }
0xeb: {  	[tilespmem:v7+s12+$0x0] =	vst.idx.msk $0xffff, v2  }
0xec: {  	v6 =	vld [tilespmem:$0x150];
	_ =	sdelay $0x4  }
0xed: {  	v7 =	vshll.u32 v6, $0x2  }
0xee: {  	v7 =	vand.u32 $0x7C, v7  }
0xef: {  	v7 =	vor.u32 v3, v7;
	_ =	sdelay $0x2  }
0xf0: {  	v6 =	vshrl.u32 v6, $0x5  }
0xf1: {  	[tilespmem:$0x210] =	vst v6  }
0xf2: {  	[tilespmem:v7+s12+$0x0] =	vst.idx.msk $0xffff, v2  }
0xf3: {  	v6 =	vld [tilespmem:$0x160];
	_ =	sdelay $0x4  }
0xf4: {  	v7 =	vshll.u32 v6, $0x2  }
0xf5: {  	v7 =	vand.u32 $0x7C, v7  }
0xf6: {  	v7 =	vor.u32 v4, v7;
	_ =	sdelay $0x2  }
0xf7: {  	v6 =	vshrl.u32 v6, $0x5  }
0xf8: {  	[tilespmem:$0x220] =	vst v6  }
0xf9: {  	[tilespmem:v7+s12+$0x0] =	vst.idx.msk $0xffff, v2  }
0xfa: {  	v6 =	vld [tilespmem:$0x170];
	_ =	sdelay $0x4  }
0xfb: {  	v7 =	vshll.u32 v6, $0x2  }
0xfc: {  	v7 =	vand.u32 $0x7C, v7  }
0xfd: {  	v7 =	vor.u32 v5, v7;
	_ =	sdelay $0x2  }
0xfe: {  	v6 =	vshrl.u32 v6, $0x5  }
0xff: {  	[tilespmem:$0x230] =	vst v6  }
0x100: {  	[tilespmem:v7+s12+$0x0] =	vst.idx.msk $0xffff, v2  }
0x101: {  	[spmem:s19] =	stream.indirect.scatter.add.f32 [tilespmem:s12], [sflag:$0x5], $0x80, s3, s13, $0xb8;
	[tilespmem:$0x1E500] =	vst v63  }
0x102: {  	_ =	swait.ge [sflag:s4], $0x2000  }
0x103: {  	[sflag:s4] =	ssyncset.done $0x0  }
0x104: {  	[sflag:s4] =	ssyncadd.s32 $0xFFFFE000  }
0x105: {  	v6 =	vld [tilespmem:$0x140];
	_ =	sdelay $0x4  }
0x106: {  	v6 =	vshll.u32 v6, $0x2  }
0x107: {  	v6 =	vand.u32 $0x7C, v6  }
0x108: {  	v6 =	vor.u32 v0, v6;
	_ =	sdelay $0x4  }
0x109: {  	[tilespmem:v6+s12+$0x0] =	vst.idx.msk $0xffff, v1  }
0x10a: {  	v6 =	vld [tilespmem:$0x150];
	_ =	sdelay $0x4  }
0x10b: {  	v6 =	vshll.u32 v6, $0x2  }
0x10c: {  	v6 =	vand.u32 $0x7C, v6  }
0x10d: {  	v6 =	vor.u32 v3, v6;
	_ =	sdelay $0x4  }
0x10e: {  	[tilespmem:v6+s12+$0x0] =	vst.idx.msk $0xffff, v1  }
0x10f: {  	v6 =	vld [tilespmem:$0x160];
	_ =	sdelay $0x4  }
0x110: {  	v6 =	vshll.u32 v6, $0x2  }
0x111: {  	v6 =	vand.u32 $0x7C, v6  }
0x112: {  	v6 =	vor.u32 v4, v6;
	_ =	sdelay $0x4  }
0x113: {  	[tilespmem:v6+s12+$0x0] =	vst.idx.msk $0xffff, v1  }
0x114: {  	v6 =	vld [tilespmem:$0x170];
	_ =	sdelay $0x4  }
0x115: {  	v6 =	vshll.u32 v6, $0x2  }
0x116: {  	v6 =	vand.u32 $0x7C, v6  }
0x117: {  	v6 =	vor.u32 v5, v6;
	_ =	sdelay $0x4  }
0x118: {  	[tilespmem:v6+s12+$0x0] =	vst.idx.msk $0xffff, v1  }
0x119: {  	_ =	swait.ge [sflag:s26], $0x4000  }
0x11a: {  	[sflag:s26] =	ssyncset.done $0x0  }
0x11b: {  	[sflag:s26] =	ssyncadd.s32 $0xFFFFC000  }
0x11c: {  	[spmem:s18] =	stream.indirect.scatter.add.f32 [tilespmem:s9], [sflag:$0x5], $0x80, s5, s6, $0xb8;
	[tilespmem:$0x1E500] =	vst v63  }
0x11d: {  	_ =	swait.ge [sflag:s4], $0x4000  }
0x11e: {  	s25 =	sadd.s32 s2, s21;
	[sflag:s4] =	ssyncset.done $0x0  }
0x11f: {  	s30 =	sadd.s32 $0x400, s25;
	[sflag:s4] =	ssyncadd.s32 $0xFFFFC000  }
0x120: {  	[tilespmem:s0], [sflag:$0x3] =	stream.linear.gather [hbm4b:s30+s0], $0x80, $0x38;
	[tilespmem:$0x1E500] =	vst v63  }
0x121: {  	s30 =	sadd.s32 s2, s20  }
0x122: {  	s31 =	sadd.s32 $0x400, s30  }
0x123: {  	[tilespmem:s5], [sflag:$0x3] =	stream.linear.gather [hbm4b:s31+s0], $0x80, $0x38;
	[tilespmem:$0x1E500] =	vst v63  }
0x124: {  	v6 =	vld [tilespmem:$0x180];
	_ =	sdelay $0x4  }
0x125: {  	v7 =	vshll.u32 v6, $0x2  }
0x126: {  	v7 =	vand.u32 $0x7C, v7  }
0x127: {  	v7 =	vor.u32 v0, v7;
	_ =	sdelay $0x2  }
0x128: {  	v6 =	vshrl.u32 v6, $0x5  }
0x129: {  	[tilespmem:$0x200] =	vst v6  }
0x12a: {  	[tilespmem:v7+s12+$0x0] =	vst.idx.msk $0xffff, v2  }
0x12b: {  	v6 =	vld [tilespmem:$0x190];
	_ =	sdelay $0x4  }
0x12c: {  	v7 =	vshll.u32 v6, $0x2  }
0x12d: {  	v7 =	vand.u32 $0x7C, v7  }
0x12e: {  	v7 =	vor.u32 v3, v7;
	_ =	sdelay $0x2  }
0x12f: {  	v6 =	vshrl.u32 v6, $0x5  }
0x130: {  	[tilespmem:$0x210] =	vst v6  }
0x131: {  	[tilespmem:v7+s12+$0x0] =	vst.idx.msk $0xffff, v2  }
0x132: {  	v6 =	vld [tilespmem:$0x1A0];
	_ =	sdelay $0x4  }
0x133: {  	v7 =	vshll.u32 v6, $0x2  }
0x134: {  	v7 =	vand.u32 $0x7C, v7  }
0x135: {  	v7 =	vor.u32 v4, v7;
	_ =	sdelay $0x2  }
0x136: {  	v6 =	vshrl.u32 v6, $0x5  }
0x137: {  	[tilespmem:$0x220] =	vst v6  }
0x138: {  	[tilespmem:v7+s12+$0x0] =	vst.idx.msk $0xffff, v2  }
0x139: {  	v6 =	vld [tilespmem:$0x1B0];
	_ =	sdelay $0x4  }
0x13a: {  	v7 =	vshll.u32 v6, $0x2  }
0x13b: {  	v7 =	vand.u32 $0x7C, v7  }
0x13c: {  	v7 =	vor.u32 v5, v7;
	_ =	sdelay $0x2  }
0x13d: {  	v6 =	vshrl.u32 v6, $0x5  }
0x13e: {  	[tilespmem:$0x230] =	vst v6  }
0x13f: {  	[tilespmem:v7+s12+$0x0] =	vst.idx.msk $0xffff, v2  }
0x140: {  	[spmem:s19] =	stream.indirect.scatter.add.f32 [tilespmem:s12], [sflag:$0x5], $0x80, s3, s13, $0xb8;
	[tilespmem:$0x1E500] =	vst v63  }
0x141: {  	_ =	swait.ge [sflag:s4], $0x2000  }
0x142: {  	[sflag:s4] =	ssyncset.done $0x0  }
0x143: {  	[sflag:s4] =	ssyncadd.s32 $0xFFFFE000  }
0x144: {  	v6 =	vld [tilespmem:$0x180];
	_ =	sdelay $0x4  }
0x145: {  	v6 =	vshll.u32 v6, $0x2  }
0x146: {  	v6 =	vand.u32 $0x7C, v6  }
0x147: {  	v6 =	vor.u32 v0, v6;
	_ =	sdelay $0x4  }
0x148: {  	[tilespmem:v6+s12+$0x0] =	vst.idx.msk $0xffff, v1  }
0x149: {  	v6 =	vld [tilespmem:$0x190];
	_ =	sdelay $0x4  }
0x14a: {  	v6 =	vshll.u32 v6, $0x2  }
0x14b: {  	v6 =	vand.u32 $0x7C, v6  }
0x14c: {  	v6 =	vor.u32 v3, v6;
	_ =	sdelay $0x4  }
0x14d: {  	[tilespmem:v6+s12+$0x0] =	vst.idx.msk $0xffff, v1  }
0x14e: {  	v6 =	vld [tilespmem:$0x1A0];
	_ =	sdelay $0x4  }
0x14f: {  	v6 =	vshll.u32 v6, $0x2  }
0x150: {  	v6 =	vand.u32 $0x7C, v6  }
0x151: {  	v6 =	vor.u32 v4, v6;
	_ =	sdelay $0x4  }
0x152: {  	[tilespmem:v6+s12+$0x0] =	vst.idx.msk $0xffff, v1  }
0x153: {  	v6 =	vld [tilespmem:$0x1B0];
	_ =	sdelay $0x4  }
0x154: {  	v6 =	vshll.u32 v6, $0x2  }
0x155: {  	v6 =	vand.u32 $0x7C, v6  }
0x156: {  	v6 =	vor.u32 v5, v6;
	_ =	sdelay $0x4  }
0x157: {  	[tilespmem:v6+s12+$0x0] =	vst.idx.msk $0xffff, v1  }
0x158: {  	v6 =	vld [tilespmem:$0x1C0];
	_ =	sdelay $0x4  }
0x159: {  	v7 =	vshll.u32 v6, $0x2  }
0x15a: {  	v7 =	vand.u32 $0x7C, v7  }
0x15b: {  	v7 =	vor.u32 v0, v7;
	_ =	sdelay $0x2  }
0x15c: {  	v6 =	vshrl.u32 v6, $0x5  }
0x15d: {  	[tilespmem:$0x200] =	vst v6  }
0x15e: {  	[tilespmem:v7+s12+$0x0] =	vst.idx.msk $0xffff, v2  }
0x15f: {  	v6 =	vld [tilespmem:$0x1D0];
	_ =	sdelay $0x4  }
0x160: {  	v7 =	vshll.u32 v6, $0x2  }
0x161: {  	v7 =	vand.u32 $0x7C, v7  }
0x162: {  	v7 =	vor.u32 v3, v7;
	_ =	sdelay $0x2  }
0x163: {  	v6 =	vshrl.u32 v6, $0x5  }
0x164: {  	[tilespmem:$0x210] =	vst v6  }
0x165: {  	[tilespmem:v7+s12+$0x0] =	vst.idx.msk $0xffff, v2  }
0x166: {  	v6 =	vld [tilespmem:$0x1E0];
	_ =	sdelay $0x4  }
0x167: {  	v7 =	vshll.u32 v6, $0x2  }
0x168: {  	v7 =	vand.u32 $0x7C, v7  }
0x169: {  	v7 =	vor.u32 v4, v7;
	_ =	sdelay $0x2  }
0x16a: {  	v6 =	vshrl.u32 v6, $0x5  }
0x16b: {  	[tilespmem:$0x220] =	vst v6  }
0x16c: {  	[tilespmem:v7+s12+$0x0] =	vst.idx.msk $0xffff, v2  }
0x16d: {  	v6 =	vld [tilespmem:$0x1F0];
	_ =	sdelay $0x4  }
0x16e: {  	v7 =	vshll.u32 v6, $0x2  }
0x16f: {  	v7 =	vand.u32 $0x7C, v7  }
0x170: {  	v7 =	vor.u32 v5, v7;
	_ =	sdelay $0x2  }
0x171: {  	v6 =	vshrl.u32 v6, $0x5  }
0x172: {  	[tilespmem:$0x230] =	vst v6  }
0x173: {  	[tilespmem:v7+s12+$0x0] =	vst.idx.msk $0xffff, v2  }
0x174: {  	[spmem:s19] =	stream.indirect.scatter.add.f32 [tilespmem:s12], [sflag:$0x5], $0x80, s3, s13, $0xb8;
	[tilespmem:$0x1E500] =	vst v63  }
0x175: {  	_ =	swait.ge [sflag:s4], $0x2000  }
0x176: {  	[sflag:s4] =	ssyncset.done $0x0  }
0x177: {  	[sflag:s4] =	ssyncadd.s32 $0xFFFFE000  }
0x178: {  	v6 =	vld [tilespmem:$0x1C0];
	_ =	sdelay $0x4  }
0x179: {  	v6 =	vshll.u32 v6, $0x2  }
0x17a: {  	v6 =	vand.u32 $0x7C, v6  }
0x17b: {  	v6 =	vor.u32 v0, v6;
	_ =	sdelay $0x4  }
0x17c: {  	[tilespmem:v6+s12+$0x0] =	vst.idx.msk $0xffff, v1  }
0x17d: {  	v6 =	vld [tilespmem:$0x1D0];
	_ =	sdelay $0x4  }
0x17e: {  	v6 =	vshll.u32 v6, $0x2  }
0x17f: {  	v6 =	vand.u32 $0x7C, v6  }
0x180: {  	v6 =	vor.u32 v3, v6;
	_ =	sdelay $0x4  }
0x181: {  	[tilespmem:v6+s12+$0x0] =	vst.idx.msk $0xffff, v1  }
0x182: {  	v6 =	vld [tilespmem:$0x1E0];
	_ =	sdelay $0x4  }
0x183: {  	v6 =	vshll.u32 v6, $0x2  }
0x184: {  	v6 =	vand.u32 $0x7C, v6  }
0x185: {  	v6 =	vor.u32 v4, v6;
	_ =	sdelay $0x4  }
0x186: {  	[tilespmem:v6+s12+$0x0] =	vst.idx.msk $0xffff, v1  }
0x187: {  	v6 =	vld [tilespmem:$0x1F0];
	_ =	sdelay $0x4  }
0x188: {  	v6 =	vshll.u32 v6, $0x2  }
0x189: {  	v6 =	vand.u32 $0x7C, v6  }
0x18a: {  	v6 =	vor.u32 v5, v6;
	_ =	sdelay $0x4  }
0x18b: {  	[tilespmem:v6+s12+$0x0] =	vst.idx.msk $0xffff, v1  }
0x18c: {  	_ =	swait.ge [sflag:s28], $0x4000  }
0x18d: {  	[sflag:s28] =	ssyncset.done $0x0  }
0x18e: {  	[sflag:s28] =	ssyncadd.s32 $0xFFFFC000  }
0x18f: {  	[spmem:s18] =	stream.indirect.scatter.add.f32 [tilespmem:s11], [sflag:$0x5], $0x80, s7, s6, $0xb8;
	[tilespmem:$0x1E500] =	vst v63  }
0x190: {  	_ =	swait.ge [sflag:s4], $0x4000  }
0x191: {  	[sflag:s4] =	ssyncset.done $0x0  }
0x192: {  	s25 =	sadd.s32 $0x600, s25;
	[sflag:s4] =	ssyncadd.s32 $0xFFFFC000  }
0x193: {  	[tilespmem:s6], [sflag:$0x4] =	stream.linear.gather [hbm4b:s25+s0], $0x80, $0x38;
	[tilespmem:$0x1E500] =	vst v63  }
0x194: {  	s31 =	sadd.s32 $0x600, s30  }
0x195: {  	[tilespmem:s7], [sflag:$0x4] =	stream.linear.gather [hbm4b:s31+s0], $0x80, $0x38;
	[tilespmem:$0x1E500] =	vst v63  }
0x196: {  	_ =	swait.ge [sflag:s8], $0x80  }
0x197: {  	p5 =	sne.s32 s2, $0x9400;
	[sflag:s8] =	ssyncset.done $0x0  }
.Ltmp3:
0x198: {  	[sflag:s8] =	ssyncadd.s32 $0xFFFFFF80;
	(pc) =	sbr.rel @p5 .LBB2_4-.Ltmp3, $4  }
0x199: {  	_ =	swait.ge [sflag:s8], $0x80  }
0x19a: {  	[sflag:s8] =	ssyncset.done $0x0  }
0x19b: {  	s2 =	sadd.s32 $0x400, s2;
	[sflag:s8] =	ssyncadd.s32 $0xFFFFFF80  }
0x19c: {  	[tilespmem:s9], [sflag:$0x1] =	stream.indirect.gather [hbm4b:s14+s6], $0x80, s0, s6, $0xb8;
	[tilespmem:$0x1E500] =	vst v63  }
0x19d: {  	_ =	swait.ge [sflag:s10], $0x80  }
0x19e: {  	[sflag:s10] =	ssyncset.done $0x0  }
0x19f: {  	[sflag:s10] =	ssyncadd.s32 $0xFFFFFF80  }
0x1a0: {  	_ =	swait.ge [sflag:s10], $0x80  }
0x1a1: {  	[sflag:s10] =	ssyncset.done $0x0  }
0x1a2: {  	[sflag:s10] =	ssyncadd.s32 $0xFFFFFF80  }
0x1a3: {  	[tilespmem:s11], [sflag:$0x2] =	stream.indirect.gather [hbm4b:s14+s6], $0x80, s6, s6, $0xb8;
	[tilespmem:$0x1E500] =	vst v63  }
0x1a4: {  	v6 =	vld [tilespmem:$0x100];
	_ =	sdelay $0x4  }
0x1a5: {  	v7 =	vshll.u32 v6, $0x2  }
0x1a6: {  	v7 =	vand.u32 $0x7C, v7  }
0x1a7: {  	v7 =	vor.u32 v0, v7;
	_ =	sdelay $0x2  }
0x1a8: {  	v6 =	vshrl.u32 v6, $0x5  }
0x1a9: {  	[tilespmem:$0x200] =	vst v6  }
0x1aa: {  	[tilespmem:v7+s12+$0x0] =	vst.idx.msk $0xffff, v2  }
0x1ab: {  	v6 =	vld [tilespmem:$0x110];
	_ =	sdelay $0x4  }
0x1ac: {  	v7 =	vshll.u32 v6, $0x2  }
0x1ad: {  	v7 =	vand.u32 $0x7C, v7  }
0x1ae: {  	v7 =	vor.u32 v3, v7;
	_ =	sdelay $0x2  }
0x1af: {  	v6 =	vshrl.u32 v6, $0x5  }
0x1b0: {  	[tilespmem:$0x210] =	vst v6  }
0x1b1: {  	[tilespmem:v7+s12+$0x0] =	vst.idx.msk $0xffff, v2  }
0x1b2: {  	v6 =	vld [tilespmem:$0x120];
	_ =	sdelay $0x4  }
0x1b3: {  	v7 =	vshll.u32 v6, $0x2  }
0x1b4: {  	v7 =	vand.u32 $0x7C, v7  }
0x1b5: {  	v7 =	vor.u32 v4, v7;
	_ =	sdelay $0x2  }
0x1b6: {  	v6 =	vshrl.u32 v6, $0x5  }
0x1b7: {  	[tilespmem:$0x220] =	vst v6  }
0x1b8: {  	[tilespmem:v7+s12+$0x0] =	vst.idx.msk $0xffff, v2  }
0x1b9: {  	v6 =	vld [tilespmem:$0x130];
	_ =	sdelay $0x4  }
0x1ba: {  	v7 =	vshll.u32 v6, $0x2  }
0x1bb: {  	v7 =	vand.u32 $0x7C, v7  }
0x1bc: {  	v7 =	vor.u32 v5, v7;
	_ =	sdelay $0x2  }
0x1bd: {  	v6 =	vshrl.u32 v6, $0x5  }
0x1be: {  	[tilespmem:$0x230] =	vst v6  }
0x1bf: {  	[tilespmem:v7+s12+$0x0] =	vst.idx.msk $0xffff, v2  }
0x1c0: {  	[spmem:s19] =	stream.indirect.scatter.add.f32 [tilespmem:s12], [sflag:$0x5], $0x80, s3, s13, $0xb8;
	[tilespmem:$0x1E500] =	vst v63  }
0x1c1: {  	_ =	swait.ge [sflag:s4], $0x2000  }
0x1c2: {  	[sflag:s4] =	ssyncset.done $0x0  }
0x1c3: {  	[sflag:s4] =	ssyncadd.s32 $0xFFFFE000  }
0x1c4: {  	v6 =	vld [tilespmem:$0x100];
	_ =	sdelay $0x4  }
0x1c5: {  	v6 =	vshll.u32 v6, $0x2  }
0x1c6: {  	v6 =	vand.u32 $0x7C, v6  }
0x1c7: {  	v6 =	vor.u32 v0, v6;
	_ =	sdelay $0x4  }
0x1c8: {  	[tilespmem:v6+s12+$0x0] =	vst.idx.msk $0xffff, v1  }
0x1c9: {  	v6 =	vld [tilespmem:$0x110];
	_ =	sdelay $0x4  }
0x1ca: {  	v6 =	vshll.u32 v6, $0x2  }
0x1cb: {  	v6 =	vand.u32 $0x7C, v6  }
0x1cc: {  	v6 =	vor.u32 v3, v6;
	_ =	sdelay $0x4  }
0x1cd: {  	[tilespmem:v6+s12+$0x0] =	vst.idx.msk $0xffff, v1  }
0x1ce: {  	v6 =	vld [tilespmem:$0x120];
	_ =	sdelay $0x4  }
0x1cf: {  	v6 =	vshll.u32 v6, $0x2  }
0x1d0: {  	v6 =	vand.u32 $0x7C, v6  }
0x1d1: {  	v6 =	vor.u32 v4, v6;
	_ =	sdelay $0x4  }
0x1d2: {  	[tilespmem:v6+s12+$0x0] =	vst.idx.msk $0xffff, v1  }
0x1d3: {  	v6 =	vld [tilespmem:$0x130];
	_ =	sdelay $0x4  }
0x1d4: {  	v6 =	vshll.u32 v6, $0x2  }
0x1d5: {  	v6 =	vand.u32 $0x7C, v6  }
0x1d6: {  	v6 =	vor.u32 v5, v6;
	_ =	sdelay $0x4  }
0x1d7: {  	[tilespmem:v6+s12+$0x0] =	vst.idx.msk $0xffff, v1  }
0x1d8: {  	v6 =	vld [tilespmem:$0x140];
	_ =	sdelay $0x4  }
0x1d9: {  	v7 =	vshll.u32 v6, $0x2  }
0x1da: {  	v7 =	vand.u32 $0x7C, v7  }
0x1db: {  	v7 =	vor.u32 v0, v7;
	_ =	sdelay $0x2  }
0x1dc: {  	v6 =	vshrl.u32 v6, $0x5  }
0x1dd: {  	[tilespmem:$0x200] =	vst v6  }
0x1de: {  	[tilespmem:v7+s12+$0x0] =	vst.idx.msk $0xffff, v2  }
0x1df: {  	v6 =	vld [tilespmem:$0x150];
	_ =	sdelay $0x4  }
0x1e0: {  	v7 =	vshll.u32 v6, $0x2  }
0x1e1: {  	v7 =	vand.u32 $0x7C, v7  }
0x1e2: {  	v7 =	vor.u32 v3, v7;
	_ =	sdelay $0x2  }
0x1e3: {  	v6 =	vshrl.u32 v6, $0x5  }
0x1e4: {  	[tilespmem:$0x210] =	vst v6  }
0x1e5: {  	[tilespmem:v7+s12+$0x0] =	vst.idx.msk $0xffff, v2  }
0x1e6: {  	v6 =	vld [tilespmem:$0x160];
	_ =	sdelay $0x4  }
0x1e7: {  	v7 =	vshll.u32 v6, $0x2  }
0x1e8: {  	v7 =	vand.u32 $0x7C, v7  }
0x1e9: {  	v7 =	vor.u32 v4, v7;
	_ =	sdelay $0x2  }
0x1ea: {  	v6 =	vshrl.u32 v6, $0x5  }
0x1eb: {  	[tilespmem:$0x220] =	vst v6  }
0x1ec: {  	[tilespmem:v7+s12+$0x0] =	vst.idx.msk $0xffff, v2  }
0x1ed: {  	v6 =	vld [tilespmem:$0x170];
	_ =	sdelay $0x4  }
0x1ee: {  	v7 =	vshll.u32 v6, $0x2  }
0x1ef: {  	v7 =	vand.u32 $0x7C, v7  }
0x1f0: {  	v7 =	vor.u32 v5, v7;
	_ =	sdelay $0x2  }
0x1f1: {  	v6 =	vshrl.u32 v6, $0x5  }
0x1f2: {  	[tilespmem:$0x230] =	vst v6  }
0x1f3: {  	[tilespmem:v7+s12+$0x0] =	vst.idx.msk $0xffff, v2  }
0x1f4: {  	[spmem:s19] =	stream.indirect.scatter.add.f32 [tilespmem:s12], [sflag:$0x5], $0x80, s3, s13, $0xb8;
	[tilespmem:$0x1E500] =	vst v63  }
0x1f5: {  	_ =	swait.ge [sflag:s4], $0x2000  }
0x1f6: {  	[sflag:s4] =	ssyncset.done $0x0  }
0x1f7: {  	[sflag:s4] =	ssyncadd.s32 $0xFFFFE000  }
0x1f8: {  	v6 =	vld [tilespmem:$0x140];
	_ =	sdelay $0x4  }
0x1f9: {  	v6 =	vshll.u32 v6, $0x2  }
0x1fa: {  	v6 =	vand.u32 $0x7C, v6  }
0x1fb: {  	v6 =	vor.u32 v0, v6;
	_ =	sdelay $0x4  }
0x1fc: {  	[tilespmem:v6+s12+$0x0] =	vst.idx.msk $0xffff, v1  }
0x1fd: {  	v6 =	vld [tilespmem:$0x150];
	_ =	sdelay $0x4  }
0x1fe: {  	v6 =	vshll.u32 v6, $0x2  }
0x1ff: {  	v6 =	vand.u32 $0x7C, v6  }
0x200: {  	v6 =	vor.u32 v3, v6;
	_ =	sdelay $0x4  }
0x201: {  	[tilespmem:v6+s12+$0x0] =	vst.idx.msk $0xffff, v1  }
0x202: {  	v6 =	vld [tilespmem:$0x160];
	_ =	sdelay $0x4  }
0x203: {  	v6 =	vshll.u32 v6, $0x2  }
0x204: {  	v6 =	vand.u32 $0x7C, v6  }
0x205: {  	v6 =	vor.u32 v4, v6;
	_ =	sdelay $0x4  }
0x206: {  	[tilespmem:v6+s12+$0x0] =	vst.idx.msk $0xffff, v1  }
0x207: {  	v6 =	vld [tilespmem:$0x170];
	_ =	sdelay $0x4  }
0x208: {  	v6 =	vshll.u32 v6, $0x2  }
0x209: {  	v6 =	vand.u32 $0x7C, v6  }
0x20a: {  	v6 =	vor.u32 v5, v6;
	_ =	sdelay $0x4  }
0x20b: {  	[tilespmem:v6+s12+$0x0] =	vst.idx.msk $0xffff, v1  }
0x20c: {  	_ =	swait.ge [sflag:s26], $0x4000  }
0x20d: {  	[sflag:s26] =	ssyncset.done $0x0  }
0x20e: {  	[sflag:s26] =	ssyncadd.s32 $0xFFFFC000  }
0x20f: {  	[spmem:s18] =	stream.indirect.scatter.add.f32 [tilespmem:s9], [sflag:$0x5], $0x80, s5, s6, $0xb8;
	[tilespmem:$0x1E500] =	vst v63  }
0x210: {  	_ =	swait.ge [sflag:s4], $0x4000  }
0x211: {  	[sflag:s4] =	ssyncset.done $0x0  }
0x212: {  	[sflag:s4] =	ssyncadd.s32 $0xFFFFC000  }
0x213: {  	v6 =	vld [tilespmem:$0x180];
	_ =	sdelay $0x4  }
0x214: {  	v7 =	vshll.u32 v6, $0x2  }
0x215: {  	v7 =	vand.u32 $0x7C, v7  }
0x216: {  	v7 =	vor.u32 v0, v7;
	_ =	sdelay $0x2  }
0x217: {  	v6 =	vshrl.u32 v6, $0x5  }
0x218: {  	[tilespmem:$0x200] =	vst v6  }
0x219: {  	[tilespmem:v7+s12+$0x0] =	vst.idx.msk $0xffff, v2  }
0x21a: {  	v6 =	vld [tilespmem:$0x190];
	_ =	sdelay $0x4  }
0x21b: {  	v7 =	vshll.u32 v6, $0x2  }
0x21c: {  	v7 =	vand.u32 $0x7C, v7  }
0x21d: {  	v7 =	vor.u32 v3, v7;
	_ =	sdelay $0x2  }
0x21e: {  	v6 =	vshrl.u32 v6, $0x5  }
0x21f: {  	[tilespmem:$0x210] =	vst v6  }
0x220: {  	[tilespmem:v7+s12+$0x0] =	vst.idx.msk $0xffff, v2  }
0x221: {  	v6 =	vld [tilespmem:$0x1A0];
	_ =	sdelay $0x4  }
0x222: {  	v7 =	vshll.u32 v6, $0x2  }
0x223: {  	v7 =	vand.u32 $0x7C, v7  }
0x224: {  	v7 =	vor.u32 v4, v7;
	_ =	sdelay $0x2  }
0x225: {  	v6 =	vshrl.u32 v6, $0x5  }
0x226: {  	[tilespmem:$0x220] =	vst v6  }
0x227: {  	[tilespmem:v7+s12+$0x0] =	vst.idx.msk $0xffff, v2  }
0x228: {  	v6 =	vld [tilespmem:$0x1B0];
	_ =	sdelay $0x4  }
0x229: {  	v7 =	vshll.u32 v6, $0x2  }
0x22a: {  	v7 =	vand.u32 $0x7C, v7  }
0x22b: {  	v7 =	vor.u32 v5, v7;
	_ =	sdelay $0x2  }
0x22c: {  	v6 =	vshrl.u32 v6, $0x5  }
0x22d: {  	[tilespmem:$0x230] =	vst v6  }
0x22e: {  	[tilespmem:v7+s12+$0x0] =	vst.idx.msk $0xffff, v2  }
0x22f: {  	[spmem:s19] =	stream.indirect.scatter.add.f32 [tilespmem:s12], [sflag:$0x5], $0x80, s3, s13, $0xb8;
	[tilespmem:$0x1E500] =	vst v63  }
0x230: {  	_ =	swait.ge [sflag:s4], $0x2000  }
0x231: {  	[sflag:s4] =	ssyncset.done $0x0  }
0x232: {  	[sflag:s4] =	ssyncadd.s32 $0xFFFFE000  }
0x233: {  	v6 =	vld [tilespmem:$0x180];
	_ =	sdelay $0x4  }
0x234: {  	v6 =	vshll.u32 v6, $0x2  }
0x235: {  	v6 =	vand.u32 $0x7C, v6  }
0x236: {  	v6 =	vor.u32 v0, v6;
	_ =	sdelay $0x4  }
0x237: {  	[tilespmem:v6+s12+$0x0] =	vst.idx.msk $0xffff, v1  }
0x238: {  	v6 =	vld [tilespmem:$0x190];
	_ =	sdelay $0x4  }
0x239: {  	v6 =	vshll.u32 v6, $0x2  }
0x23a: {  	v6 =	vand.u32 $0x7C, v6  }
0x23b: {  	v6 =	vor.u32 v3, v6;
	_ =	sdelay $0x4  }
0x23c: {  	[tilespmem:v6+s12+$0x0] =	vst.idx.msk $0xffff, v1  }
0x23d: {  	v6 =	vld [tilespmem:$0x1A0];
	_ =	sdelay $0x4  }
0x23e: {  	v6 =	vshll.u32 v6, $0x2  }
0x23f: {  	v6 =	vand.u32 $0x7C, v6  }
0x240: {  	v6 =	vor.u32 v4, v6;
	_ =	sdelay $0x4  }
0x241: {  	[tilespmem:v6+s12+$0x0] =	vst.idx.msk $0xffff, v1  }
0x242: {  	v6 =	vld [tilespmem:$0x1B0];
	_ =	sdelay $0x4  }
0x243: {  	v6 =	vshll.u32 v6, $0x2  }
0x244: {  	v6 =	vand.u32 $0x7C, v6  }
0x245: {  	v6 =	vor.u32 v5, v6;
	_ =	sdelay $0x4  }
0x246: {  	[tilespmem:v6+s12+$0x0] =	vst.idx.msk $0xffff, v1  }
0x247: {  	v6 =	vld [tilespmem:$0x1C0];
	_ =	sdelay $0x4  }
0x248: {  	v7 =	vshll.u32 v6, $0x2  }
0x249: {  	v7 =	vand.u32 $0x7C, v7  }
0x24a: {  	v7 =	vor.u32 v0, v7;
	_ =	sdelay $0x2  }
0x24b: {  	v6 =	vshrl.u32 v6, $0x5  }
0x24c: {  	[tilespmem:$0x200] =	vst v6  }
0x24d: {  	[tilespmem:v7+s12+$0x0] =	vst.idx.msk $0xffff, v2  }
0x24e: {  	v6 =	vld [tilespmem:$0x1D0];
	_ =	sdelay $0x4  }
0x24f: {  	v7 =	vshll.u32 v6, $0x2  }
0x250: {  	v7 =	vand.u32 $0x7C, v7  }
0x251: {  	v7 =	vor.u32 v3, v7;
	_ =	sdelay $0x2  }
0x252: {  	v6 =	vshrl.u32 v6, $0x5  }
0x253: {  	[tilespmem:$0x210] =	vst v6  }
0x254: {  	[tilespmem:v7+s12+$0x0] =	vst.idx.msk $0xffff, v2  }
0x255: {  	v6 =	vld [tilespmem:$0x1E0];
	_ =	sdelay $0x4  }
0x256: {  	v7 =	vshll.u32 v6, $0x2  }
0x257: {  	v7 =	vand.u32 $0x7C, v7  }
0x258: {  	v7 =	vor.u32 v4, v7;
	_ =	sdelay $0x2  }
0x259: {  	v6 =	vshrl.u32 v6, $0x5  }
0x25a: {  	[tilespmem:$0x220] =	vst v6  }
0x25b: {  	[tilespmem:v7+s12+$0x0] =	vst.idx.msk $0xffff, v2  }
0x25c: {  	v6 =	vld [tilespmem:$0x1F0];
	_ =	sdelay $0x4  }
0x25d: {  	v7 =	vshll.u32 v6, $0x2  }
0x25e: {  	v7 =	vand.u32 $0x7C, v7  }
0x25f: {  	v7 =	vor.u32 v5, v7;
	_ =	sdelay $0x2  }
0x260: {  	v6 =	vshrl.u32 v6, $0x5  }
0x261: {  	[tilespmem:$0x230] =	vst v6  }
0x262: {  	[tilespmem:v7+s12+$0x0] =	vst.idx.msk $0xffff, v2  }
0x263: {  	[spmem:s19] =	stream.indirect.scatter.add.f32 [tilespmem:s12], [sflag:$0x5], $0x80, s3, s13, $0xb8;
	[tilespmem:$0x1E500] =	vst v63  }
0x264: {  	_ =	swait.ge [sflag:s4], $0x2000  }
0x265: {  	[sflag:s4] =	ssyncset.done $0x0  }
0x266: {  	[sflag:s4] =	ssyncadd.s32 $0xFFFFE000  }
0x267: {  	v6 =	vld [tilespmem:$0x1C0];
	_ =	sdelay $0x4  }
0x268: {  	v6 =	vshll.u32 v6, $0x2  }
0x269: {  	v6 =	vand.u32 $0x7C, v6  }
0x26a: {  	v6 =	vor.u32 v0, v6;
	_ =	sdelay $0x4  }
0x26b: {  	[tilespmem:v6+s12+$0x0] =	vst.idx.msk $0xffff, v1  }
0x26c: {  	v6 =	vld [tilespmem:$0x1D0];
	_ =	sdelay $0x4  }
0x26d: {  	v6 =	vshll.u32 v6, $0x2  }
0x26e: {  	v6 =	vand.u32 $0x7C, v6  }
0x26f: {  	v6 =	vor.u32 v3, v6;
	_ =	sdelay $0x4  }
0x270: {  	[tilespmem:v6+s12+$0x0] =	vst.idx.msk $0xffff, v1  }
0x271: {  	v6 =	vld [tilespmem:$0x1E0];
	_ =	sdelay $0x4  }
0x272: {  	v6 =	vshll.u32 v6, $0x2  }
0x273: {  	v6 =	vand.u32 $0x7C, v6  }
0x274: {  	v6 =	vor.u32 v4, v6;
	_ =	sdelay $0x4  }
0x275: {  	[tilespmem:v6+s12+$0x0] =	vst.idx.msk $0xffff, v1  }
0x276: {  	v6 =	vld [tilespmem:$0x1F0];
	_ =	sdelay $0x4  }
0x277: {  	v6 =	vshll.u32 v6, $0x2  }
0x278: {  	v6 =	vand.u32 $0x7C, v6  }
0x279: {  	v6 =	vor.u32 v5, v6;
	_ =	sdelay $0x4  }
0x27a: {  	[tilespmem:v6+s12+$0x0] =	vst.idx.msk $0xffff, v1  }
0x27b: {  	_ =	swait.ge [sflag:s28], $0x4000  }
0x27c: {  	[sflag:s28] =	ssyncset.done $0x0  }
.Ltmp4:
0x27d: {  	[sflag:s28] =	ssyncadd.s32 $0xFFFFC000;
	(pc) =	sbr.rel @p3 .LBB2_7-.Ltmp4, $4  }
0x27e: {  	[spmem:s18] =	stream.indirect.scatter.add.f32 [tilespmem:s11], [sflag:$0x5], $0x80, s7, s6, $0xb8;
	[tilespmem:$0x1E500] =	vst v63  }
0x27f: {  	_ =	swait.ge [sflag:s4], $0x4000  }
0x280: {  	[sflag:s4] =	ssyncset.done $0x0  }
0x281: {  	[sflag:s4] =	ssyncadd.s32 $0xFFFFC000  }
0x282: {  	s2 =	rddreg [dreg:$0x11]  }
0x283: {  	[tilespmem:s0], [sflag:$0x3] =	stream.linear.gather [hbm4b:s2+s0], $0x80, $0x38;
	[tilespmem:$0x1E500] =	vst v63  }
0x284: {  	s31 =	rddreg [dreg:$0x12]  }
0x285: {  	[tilespmem:s5], [sflag:$0x3] =	stream.linear.gather [hbm4b:s31+s0], $0x80, $0x38;
	[tilespmem:$0x1E500] =	vst v63  }
0x286: {  	_ =	swait.ge [sflag:s8], $0x80  }
0x287: {  	[sflag:s8] =	ssyncset.done $0x0  }
0x288: {  	[sflag:s8] =	ssyncadd.s32 $0xFFFFFF80  }
0x289: {  	_ =	swait.ge [sflag:s8], $0x80  }
0x28a: {  	[sflag:s8] =	ssyncset.done $0x0  }
0x28b: {  	[sflag:s8] =	ssyncadd.s32 $0xFFFFFF80  }
0x28c: {  	[tilespmem:s9], [sflag:$0x1] =	stream.indirect.gather [hbm4b:s14+s6], $0x80, s0, s6, $0xb8;
	[tilespmem:$0x1E500] =	vst v63  }
0x28d: {  	v6 =	vld [tilespmem:$0x100];
	_ =	sdelay $0x4  }
0x28e: {  	v7 =	vshll.u32 v6, $0x2  }
0x28f: {  	v7 =	vand.u32 $0x7C, v7  }
0x290: {  	v7 =	vor.u32 v0, v7;
	_ =	sdelay $0x2  }
0x291: {  	v6 =	vshrl.u32 v6, $0x5  }
0x292: {  	[tilespmem:$0x200] =	vst v6  }
0x293: {  	[tilespmem:v7+s12+$0x0] =	vst.idx.msk $0xffff, v2  }
0x294: {  	v6 =	vld [tilespmem:$0x110];
	_ =	sdelay $0x4  }
0x295: {  	v7 =	vshll.u32 v6, $0x2  }
0x296: {  	v7 =	vand.u32 $0x7C, v7  }
0x297: {  	v7 =	vor.u32 v3, v7;
	_ =	sdelay $0x2  }
0x298: {  	v6 =	vshrl.u32 v6, $0x5  }
0x299: {  	[tilespmem:$0x210] =	vst v6  }
0x29a: {  	[tilespmem:v7+s12+$0x0] =	vst.idx.msk $0xffff, v2  }
0x29b: {  	v6 =	vld [tilespmem:$0x120];
	_ =	sdelay $0x4  }
0x29c: {  	v7 =	vshll.u32 v6, $0x2  }
0x29d: {  	v7 =	vand.u32 $0x7C, v7  }
0x29e: {  	v7 =	vor.u32 v4, v7;
	_ =	sdelay $0x2  }
0x29f: {  	v6 =	vshrl.u32 v6, $0x5  }
0x2a0: {  	[tilespmem:$0x220] =	vst v6  }
0x2a1: {  	[tilespmem:v7+s12+$0x0] =	vst.idx.msk $0xffff, v2  }
0x2a2: {  	v6 =	vld [tilespmem:$0x130];
	_ =	sdelay $0x4  }
0x2a3: {  	v7 =	vshll.u32 v6, $0x2  }
0x2a4: {  	v7 =	vand.u32 $0x7C, v7  }
0x2a5: {  	v7 =	vor.u32 v5, v7;
	_ =	sdelay $0x2  }
0x2a6: {  	v6 =	vshrl.u32 v6, $0x5  }
0x2a7: {  	[tilespmem:$0x230] =	vst v6  }
0x2a8: {  	[tilespmem:v7+s12+$0x0] =	vst.idx.msk $0xffff, v2  }
0x2a9: {  	[spmem:s19] =	stream.indirect.scatter.add.f32 [tilespmem:s12], [sflag:$0x5], $0x80, s3, s13, $0xb8;
	[tilespmem:$0x1E500] =	vst v63  }
0x2aa: {  	_ =	swait.ge [sflag:s4], $0x2000  }
0x2ab: {  	[sflag:s4] =	ssyncset.done $0x0  }
0x2ac: {  	[sflag:s4] =	ssyncadd.s32 $0xFFFFE000  }
0x2ad: {  	v6 =	vld [tilespmem:$0x100];
	_ =	sdelay $0x4  }
0x2ae: {  	v6 =	vshll.u32 v6, $0x2  }
0x2af: {  	v6 =	vand.u32 $0x7C, v6  }
0x2b0: {  	v6 =	vor.u32 v0, v6;
	_ =	sdelay $0x4  }
0x2b1: {  	[tilespmem:v6+s12+$0x0] =	vst.idx.msk $0xffff, v1  }
0x2b2: {  	v6 =	vld [tilespmem:$0x110];
	_ =	sdelay $0x4  }
0x2b3: {  	v6 =	vshll.u32 v6, $0x2  }
0x2b4: {  	v6 =	vand.u32 $0x7C, v6  }
0x2b5: {  	v6 =	vor.u32 v3, v6;
	_ =	sdelay $0x4  }
0x2b6: {  	[tilespmem:v6+s12+$0x0] =	vst.idx.msk $0xffff, v1  }
0x2b7: {  	v6 =	vld [tilespmem:$0x120];
	_ =	sdelay $0x4  }
0x2b8: {  	v6 =	vshll.u32 v6, $0x2  }
0x2b9: {  	v6 =	vand.u32 $0x7C, v6  }
0x2ba: {  	v6 =	vor.u32 v4, v6;
	_ =	sdelay $0x4  }
0x2bb: {  	[tilespmem:v6+s12+$0x0] =	vst.idx.msk $0xffff, v1  }
0x2bc: {  	v6 =	vld [tilespmem:$0x130];
	_ =	sdelay $0x4  }
0x2bd: {  	v6 =	vshll.u32 v6, $0x2  }
0x2be: {  	v6 =	vand.u32 $0x7C, v6  }
0x2bf: {  	v6 =	vor.u32 v5, v6;
	_ =	sdelay $0x4  }
0x2c0: {  	[tilespmem:v6+s12+$0x0] =	vst.idx.msk $0xffff, v1  }
0x2c1: {  	v6 =	vld [tilespmem:$0x140];
	_ =	sdelay $0x4  }
0x2c2: {  	v7 =	vshll.u32 v6, $0x2  }
0x2c3: {  	v7 =	vand.u32 $0x7C, v7  }
0x2c4: {  	v7 =	vor.u32 v0, v7;
	_ =	sdelay $0x2  }
0x2c5: {  	v6 =	vshrl.u32 v6, $0x5  }
0x2c6: {  	[tilespmem:$0x200] =	vst v6  }
0x2c7: {  	[tilespmem:v7+s12+$0x0] =	vst.idx.msk $0xffff, v2  }
0x2c8: {  	v6 =	vld [tilespmem:$0x150];
	_ =	sdelay $0x4  }
0x2c9: {  	v7 =	vshll.u32 v6, $0x2  }
0x2ca: {  	v7 =	vand.u32 $0x7C, v7  }
0x2cb: {  	v7 =	vor.u32 v3, v7;
	_ =	sdelay $0x2  }
0x2cc: {  	v6 =	vshrl.u32 v6, $0x5  }
0x2cd: {  	[tilespmem:$0x210] =	vst v6  }
0x2ce: {  	[tilespmem:v7+s12+$0x0] =	vst.idx.msk $0xffff, v2  }
0x2cf: {  	v6 =	vld [tilespmem:$0x160];
	_ =	sdelay $0x4  }
0x2d0: {  	v7 =	vshll.u32 v6, $0x2  }
0x2d1: {  	v7 =	vand.u32 $0x7C, v7  }
0x2d2: {  	v7 =	vor.u32 v4, v7;
	_ =	sdelay $0x2  }
0x2d3: {  	v6 =	vshrl.u32 v6, $0x5  }
0x2d4: {  	[tilespmem:$0x220] =	vst v6  }
0x2d5: {  	[tilespmem:v7+s12+$0x0] =	vst.idx.msk $0xffff, v2  }
0x2d6: {  	v6 =	vld [tilespmem:$0x170];
	_ =	sdelay $0x4  }
0x2d7: {  	v7 =	vshll.u32 v6, $0x2  }
0x2d8: {  	v7 =	vand.u32 $0x7C, v7  }
0x2d9: {  	v7 =	vor.u32 v5, v7;
	_ =	sdelay $0x2  }
0x2da: {  	v6 =	vshrl.u32 v6, $0x5  }
0x2db: {  	[tilespmem:$0x230] =	vst v6  }
0x2dc: {  	[tilespmem:v7+s12+$0x0] =	vst.idx.msk $0xffff, v2  }
0x2dd: {  	[spmem:s19] =	stream.indirect.scatter.add.f32 [tilespmem:s12], [sflag:$0x5], $0x80, s3, s13, $0xb8;
	[tilespmem:$0x1E500] =	vst v63  }
0x2de: {  	_ =	swait.ge [sflag:s4], $0x2000  }
0x2df: {  	[sflag:s4] =	ssyncset.done $0x0  }
0x2e0: {  	[sflag:s4] =	ssyncadd.s32 $0xFFFFE000  }
0x2e1: {  	v6 =	vld [tilespmem:$0x140];
	_ =	sdelay $0x4  }
0x2e2: {  	v6 =	vshll.u32 v6, $0x2  }
0x2e3: {  	v6 =	vand.u32 $0x7C, v6  }
0x2e4: {  	v6 =	vor.u32 v0, v6;
	_ =	sdelay $0x4  }
0x2e5: {  	[tilespmem:v6+s12+$0x0] =	vst.idx.msk $0xffff, v1  }
0x2e6: {  	v6 =	vld [tilespmem:$0x150];
	_ =	sdelay $0x4  }
0x2e7: {  	v6 =	vshll.u32 v6, $0x2  }
0x2e8: {  	v6 =	vand.u32 $0x7C, v6  }
0x2e9: {  	v6 =	vor.u32 v3, v6;
	_ =	sdelay $0x4  }
0x2ea: {  	[tilespmem:v6+s12+$0x0] =	vst.idx.msk $0xffff, v1  }
0x2eb: {  	v6 =	vld [tilespmem:$0x160];
	_ =	sdelay $0x4  }
0x2ec: {  	v6 =	vshll.u32 v6, $0x2  }
0x2ed: {  	v6 =	vand.u32 $0x7C, v6  }
0x2ee: {  	v6 =	vor.u32 v4, v6;
	_ =	sdelay $0x4  }
0x2ef: {  	[tilespmem:v6+s12+$0x0] =	vst.idx.msk $0xffff, v1  }
0x2f0: {  	v6 =	vld [tilespmem:$0x170];
	_ =	sdelay $0x4  }
0x2f1: {  	v6 =	vshll.u32 v6, $0x2  }
0x2f2: {  	v6 =	vand.u32 $0x7C, v6  }
0x2f3: {  	v6 =	vor.u32 v5, v6;
	_ =	sdelay $0x4  }
0x2f4: {  	[tilespmem:v6+s12+$0x0] =	vst.idx.msk $0xffff, v1  }
0x2f5: {  	_ =	swait.ge [sflag:s26], $0x4000  }
0x2f6: {  	[sflag:s26] =	ssyncset.done $0x0  }
.Ltmp5:
0x2f7: {  	[sflag:s26] =	ssyncadd.s32 $0xFFFFC000;
	(pc) =	sbr.rel .LBB2_7-.Ltmp5, $4  }
0x2f8: {  	[spmem:s18] =	stream.indirect.scatter.add.f32 [tilespmem:s9], [sflag:$0x5], $0x80, s5, s6, $0xb8;
	[tilespmem:$0x1E500] =	vst v63  }
0x2f9: {  	_ =	swait.ge [sflag:s4], $0x4000  }
0x2fa: {  	[sflag:s4] =	ssyncset.done $0x0  }
0x2fb: {  	[sflag:s4] =	ssyncadd.s32 $0xFFFFC000  }
.LBB2_8:
0x2fc: {  	_ =	sfence.sel $0x180000  }
0x2fd: {  	[bflag:$0x0] =	sbarrier.arrive $0xFFFF  }
0x2fe: {  	_ =	strace $0x90000047  }
0x2ff: {  	s0 =	stileid.u32;
	[bflag:$0x2] =	sbarrier.arrive $0xFFFF  }
0x300: {  	p0 =	sne.s32 s0, $0x0;
	s0 =	rddreg [dreg:$0x4]  }
0x301: {  	s0 =	sadd.s32 @!p0 $0x100000, s0  }
0x302: {  	[sflag:s0] =	ssyncadd.tile.s32 @!p0 $0x1;
	_ =	shalt  }
.Lfunc_end2:
_tile_overlayer_lowered:
.L_overlay_start_2:
0x303: {  	(tag) =	ssettag $0x2  }
0x304: {  	s0 =	rddreg [dreg:$0x0];
	s2 =	stileid.u32  }
0x305: {  	s1 =	rddreg [dreg:$0x1];
	p0 =	sne.s32 s2, $0x0  }
0x306: {  	s3 =	rddreg [dreg:$0x2];
	[bflag:$0x3] =	sbarrier.arrive $0xFFFF;
	s2 =	simm.s32 @!p0 $0x1C05  }
0x307: {  	[timem:s3], [sflag:s2] =	dma.local @!p0 [hbm:s0], s1  }
0x308: {  	s0 =	simm.s32 @!p0 $0x5  }
0x309: {  	_ =	swait.ge @!p0 [sflag:s0], s1  }
0x30a: {  	s1 =	ssub.s32 @!p0 $0x0, s1;
	[sflag:s0] =	ssyncset.done @!p0 $0x0  }
0x30b: {  	[sflag:s0] =	ssyncadd.s32 @!p0 s1  }
0x30c: {  	[bflag:$0x3] =	sbarrier.arrive $0xFFFF  }
0x30d: {  	_ =	shalt  }

// kernel: kernel.9.cloned.1.call-start
scs
__scs_entry_jumppad:
0x0: {  	(pc) =	sbr.rel $0x88, $3  }
0x1: {  	(tag) =	ssettag $0x0;
	lr =	simm.s32 $0x1  }
0x2: {  	[smem:$0x3F97] =	sst lr;
	_ =	strace $0xD0000000  }
0x3: {  	_ = 	snop  }
0x4: {  	_ = 	snop  }
0x5: {  	_ = 	snop  }
0x6: {  	_ = 	snop  }
0x7: {  	_ = 	snop  }
__scs_overlays_trampoline_lowered:
0x8: {  	[smem:$0x3FA6] =	sst s0  }
0x9: {  	[smem:$0x3FA7] =	sst s1  }
0xa: {  	[smem:$0x3FA8] =	sst s2  }
0xb: {  	[smem:$0x3FA9] =	sst s3  }
0xc: {  	[smem:$0x3FAA] =	sst s4  }
0xd: {  	[smem:$0x3FAB] =	sst s5  }
0xe: {  	[smem:$0x3FAC] =	sst s6  }
0xf: {  	[smem:$0x3FAD] =	sst s7  }
0x10: {  	[smem:$0x3FAE] =	sst s8  }
0x11: {  	[smem:$0x3FAF] =	sst s9;
	s0 =	simm.s32 @!p0 $0x0  }
0x12: {  	s1 =	sld [smem:$0x3F95];
	s0 =	simm.s32 @p0 $0x1  }
0x13: {  	[smem:$0x3FB0] =	sst s0;
	s0 =	simm.s32 @!p1 $0x0  }
0x14: {  	s2 =	sld [smem:$0x3F94];
	s0 =	simm.s32 @p1 $0x1  }
0x15: {  	[smem:$0x3FB1] =	sst s0;
	s0 =	simm.s32 @!p2 $0x0  }
0x16: {  	s3 =	sld [smem:$0x3FDB];
	s0 =	simm.s32 @p2 $0x1  }
0x17: {  	s4 =	simm.s32 $0x1BF5;
	[smem:$0x3FB3] =	sst s0  }
0x18: {  	s0 =	sld [smem:$0x3F96];
	_ =	swait.ge [sflag:s4], $0x0  }
0x19: {  	s7 =	sld [smem:$0x3F97]  }
0x1a: {  	s8 =	sadd.s32 $0xFFFFE003, lr  }
0x1b: {  	s9 =	sadd.s32 $0xFFFFFEF7, lr;
	s5 =	simm.s32 $0xFFFFFFFF;
	p2 =	slt.u32 s8, $0xFFFFF086  }
0x1c: {  	p1 =	slt.u32 s9, $0xF7A;
	s5 =	simm.s32 @!p2 $0x0  }
0x1d: {  	s5 =	simm.s32 @p1 $0x1;
	p0 =	seq.s32 s7, s2  }
0x1e: {  	s7 =	smul.u32 @!p0 $0xF7A, s2;
	p2 =	seq.s32 @!p0 s5, $0x0  }
0x1f: {  	s9 =	smul.u32 $0xF7A, s1;
	s8 =	simm.s32 @!p0 $0x1BF5;
	p2 =	por !p2, p0  }
0x20: {  	[sflag:s8] =	ssyncset.s32 @!p0 $0xFFFFF086;
	s6 =	sadd.s32 @!p0 s3, s7;
	s7 =	simm.s32 @!p0 $0x108  }
0x21: {  	s3 =	sadd.s32 s3, s9;
	s6 =	sadd.s32 @!p0 $0x88, s6;
	s7 =	simm.s32 @p2 $0x1082  }
0x22: {  	[simem:s7], [sflag:s8] =	dma.local @!p0 [hbm:s6], $0xF7A  }
0x23: {  	s9 =	sor.u32 $0xD0000000, s2;
	s6 =	simm.s32 $0x108;
	_ =	swait.ge @!p0 [sflag:s8], $0x0  }
0x24: {  	s3 =	sadd.s32 $0x88, s3;
	s6 =	simm.s32 @!p1 $0x1082;
	[sflag:s4] =	ssyncset.s32 $0xFFFFF086  }
0x25: {  	[simem:s6], [sflag:s4] =	dma.local [hbm:s3], $0xF7A  }
0x26: {  	[smem:$0x3F97] =	sst s1;
	(tag) =	ssettag s2;
	_ =	strace s9  }
0x27: {  	s1 =	sld [smem:$0x3FA7]  }
0x28: {  	s2 =	sld [smem:$0x3FA8]  }
0x29: {  	s4 =	sld [smem:$0x3FAA]  }
0x2a: {  	p0 =	seq.s32 s5, $0x0;
	s5 =	sld [smem:$0x3FAB]  }
0x2b: {  	s6 =	sld [smem:$0x3FAC]  }
0x2c: {  	s7 =	sld [smem:$0x3FAD]  }
0x2d: {  	s3 =	simm.s32 $0x108;
	s8 =	sld [smem:$0x3FAE]  }
0x2e: {  	s3 =	simm.s32 @!p0 $0x1082;
	s9 =	sld [smem:$0x3FAF]  }
0x2f: {  	lr =	sadd.s32 s0, s3;
	s0 =	sld [smem:$0x3FA6]  }
0x30: {  	s3 =	sld [smem:$0x3FA9]  }
0x31: {  	[smem:$0x3FB2] =	sst s10  }
0x32: {  	s10 =	sld [smem:$0x3FB0];
	_ =	sdelay $0x3  }
0x33: {  	p0 =	seq.s32 s10, $0x1;
	s10 =	sld [smem:$0x3FB2];
	_ =	sdelay $0x3  }
0x34: {  	[smem:$0x3FB2] =	sst s10  }
0x35: {  	s10 =	sld [smem:$0x3FB1];
	_ =	sdelay $0x3  }
0x36: {  	p1 =	seq.s32 s10, $0x1;
	s10 =	sld [smem:$0x3FB2];
	_ =	sdelay $0x3  }
0x37: {  	[smem:$0x3FB2] =	sst s10  }
0x38: {  	s10 =	sld [smem:$0x3FB3]  }
0x39: {  	_ = 	snop;
	(pc) =	sbr.ind lr, $3  }
0x3a: {  	_ = 	snop  }
0x3b: {  	_ = 	snop  }
0x3c: {  	p2 =	seq.s32 s10, $0x1;
	s10 =	sld [smem:$0x3FB2]  }
0x3d: {  	_ =	shalt  }
0x3e: {  	_ =	shalt  }
0x3f: {  	_ =	shalt  }
0x40: {  	_ =	shalt  }
0x41: {  	_ =	shalt  }
0x42: {  	_ =	shalt  }
0x43: {  	_ =	shalt  }
0x44: {  	_ =	shalt  }
0x45: {  	_ =	shalt  }
0x46: {  	_ =	shalt  }
0x47: {  	_ =	shalt  }
0x48: {  	_ =	shalt  }
0x49: {  	_ =	shalt  }
0x4a: {  	_ =	shalt  }
0x4b: {  	_ =	shalt  }
0x4c: {  	_ =	shalt  }
0x4d: {  	_ =	shalt  }
0x4e: {  	_ =	shalt  }
0x4f: {  	_ =	shalt  }
0x50: {  	_ =	shalt  }
0x51: {  	_ =	shalt  }
0x52: {  	_ =	shalt  }
0x53: {  	_ =	shalt  }
0x54: {  	_ =	shalt  }
0x55: {  	_ =	shalt  }
0x56: {  	_ =	shalt  }
0x57: {  	_ =	shalt  }
0x58: {  	_ =	shalt  }
0x59: {  	_ =	shalt  }
0x5a: {  	_ =	shalt  }
0x5b: {  	_ =	shalt  }
0x5c: {  	_ =	shalt  }
0x5d: {  	_ =	shalt  }
0x5e: {  	_ =	shalt  }
0x5f: {  	_ =	shalt  }
0x60: {  	_ =	shalt  }
0x61: {  	_ =	shalt  }
0x62: {  	_ =	shalt  }
0x63: {  	_ =	shalt  }
0x64: {  	_ =	shalt  }
0x65: {  	_ =	shalt  }
0x66: {  	_ =	shalt  }
0x67: {  	_ =	shalt  }
0x68: {  	_ =	shalt  }
0x69: {  	_ =	shalt  }
0x6a: {  	_ =	shalt  }
0x6b: {  	_ =	shalt  }
0x6c: {  	_ =	shalt  }
0x6d: {  	_ =	shalt  }
0x6e: {  	_ =	shalt  }
0x6f: {  	_ =	shalt  }
0x70: {  	_ =	shalt  }
0x71: {  	_ =	shalt  }
0x72: {  	_ =	shalt  }
0x73: {  	_ =	shalt  }
0x74: {  	_ =	shalt  }
0x75: {  	_ =	shalt  }
0x76: {  	_ =	shalt  }
0x77: {  	_ =	shalt  }
0x78: {  	_ =	shalt  }
0x79: {  	_ =	shalt  }
0x7a: {  	_ =	shalt  }
0x7b: {  	_ =	shalt  }
0x7c: {  	_ =	shalt  }
0x7d: {  	_ =	shalt  }
0x7e: {  	_ =	shalt  }
0x7f: {  	_ =	shalt  }
0x80: {  	_ =	shalt  }
0x81: {  	_ =	shalt  }
0x82: {  	_ =	shalt  }
0x83: {  	_ =	shalt  }
0x84: {  	_ =	shalt  }
0x85: {  	_ =	shalt  }
0x86: {  	_ =	shalt  }
0x87: {  	_ =	shalt  }
.Lfunc_end0:
.L_simem_size_0:
called_computation.1_lowered:
.L_overlay_start_0:
0x88: {  	s2 =	sld [smem:$0x3FD9]  }
0x89: {  	s3 =	sld [smem:$0x3FFE];
	_ =	sdelay $0x1  }
0x8a: {  	s1 =	srdreg.scid  }
0x8b: {  	s0 =	sand.u32 $0x1, s1  }
0x8c: {  	s17 =	sshll.u32 s0, $0xA;
	s2 =	sadd.s32 s3, s2  }
0x8d: {  	s2 =	sadd.s32 s2, s17  }
0x8e: {  	[smem:$0x3FBE] =	sst s2  }
0x8f: {  	_ = 	snop  }
0x90: {  	s2 =	sld [smem:$0x3FD0];
	(tm) =	ssettm $0x1  }
0x91: {  	s18 =	sld [smem:$0x3FFB];
	_ =	sdelay $0x3  }
0x92: {  	_ =	strace s18  }
0x93: {  	s3 =	sld [smem:$0x3FFC];
	_ =	sdelay $0x3  }
0x94: {  	_ =	strace s3  }
0x95: {  	s3 =	sld [smem:$0x3FFD];
	_ =	sdelay $0x3  }
0x96: {  	_ =	strace s3  }
0x97: {  	_ =	strace $0x8FFFFFFF  }
0x98: {  	s19 =	sld [smem:$0x3FDB];
	_ =	sdelay $0x1  }
0x99: {  	s4 =	simm.s32 $_scs_section_size  }
0x9a: {  	s5 =	simm.s32 $_size__tile_overlayer_lowered;
	s6 =	simm.s32 $_tile_overlayer_lowered  }
0x9b: {  	s22 =	simm.s32 $0x1BFF;
	s21 =	sshll.u32 s6, $0x1;
	s3 =	sadd.s32 s4, s19  }
0x9c: {  	s7 =	simm.s32 $0x0;
	s20 =	sshll.u32 s5, $0x1;
	s5 =	sadd.s32 s21, s3  }
0x9d: {  	[timem:s7], [sflag:s22] =	dma.local [hbm:s5], s20  }
0x9e: {  	_ =	swait.ge [sflag:s22], s20  }
0x9f: {  	s4 =	ssub.s32 $0x0, s20;
	[sflag:s22] =	ssyncset.done $0x0  }
0xa0: {  	[sflag:s22] =	ssyncadd.s32 s4;
	_ =	sdelay $0x1  }
0xa1: {  	s23 =	simm.s32 $0x1B8B  }
0xa2: {  	_ =	swait.ge [sflag:s23], $0x1  }
0xa3: {  	[sflag:s23] =	ssyncset.done $0x0  }
0xa4: {  	s25 =	simm.s32 $0x1B8E;
	s24 =	sld [smem:$0x3FFE];
	[sflag:s23] =	ssyncadd.s32 $0xFFFFFFFF  }
0xa5: {  	s26 =	simm.s32 $execute0_lowered;
	[smem:$0x3FD2] =	sst s25  }
0xa6: {  	s5 =	sshll.u32 s26, $0x1;
	_ =	strace $0x80000049;
	[dreg:$0x1] =	wrdreg $0xFFFFFFFF  }
0xa7: {  	s28 =	simm.s32 $_size_execute0_lowered;
	s3 =	sadd.s32 s3, s5;
	[dreg:$0x0] =	wrdreg $0x0  }
0xa8: {  	s5 =	sshll.u32 s28, $0x1;
	[dreg:$0x2] =	wrdreg s3  }
0xa9: {  	[dreg:$0x3] =	wrdreg s5  }
0xaa: {  	[dreg:$0x4] =	wrdreg $0xC0  }
0xab: {  	_ =	task [dreg:s7], $0x5FFFF  }
0xac: {  	[dreg:$0x1] =	wrdreg $0xFFFFFFFF  }
0xad: {  	[dreg:$0x0] =	wrdreg $0x60  }
0xae: {  	[dreg:$0x2] =	wrdreg s2  }
0xaf: {  	[dreg:$0x3] =	wrdreg s24  }
0xb0: {  	[dreg:$0x4] =	wrdreg $0x82000  }
0xb1: {  	[dreg:$0x5] =	wrdreg $0x9  }
0xb2: {  	_ =	task.clear_ibuf [dreg:s7], $0x6FFFF;
	_ =	strace $0x90000049  }
0xb3: {  	s29 =	simm.s32 $0x9;
	_ =	strace $0x8000004B  }
0xb4: {  	_ =	swait.ge [sflag:s29], $0x1  }
0xb5: {  	[sflag:s29] =	ssyncadd.s32 $0xFFFFFFFF  }
0xb6: {  	_ =	strace $0x9000004B  }
0xb7: {  	_ =	sfence  }
0xb8: {  	s30 =	sld [smem:$0x0];
	_ =	sdelay $0x2  }
0xb9: {  	s31 =	sshll.u32 s1, $0xD;
	s1 =	sshrl.u32 s1, $0x2  }
0xba: {  	s3 =	sand.u32 $0x4000, s31;
	s1 =	sadd.s32 s1, s30  }
0xbb: {  	s0 =	sor.u32 s3, s0;
	s1 =	sshll.u32 s1, $0x11  }
0xbc: {  	s0 =	sor.u32 s1, s0  }
0xbd: {  	s0 =	sadd.s32 $0x8F2B, s0  }
0xbe: {  	[sflag:s0] =	ssyncadd.remote.s32 $0x1  }
0xbf: {  	_ =	sfence.sel $0xFFFF  }
0xc0: {  	[dreg:$0x0] =	wrdreg $0xFFFFFFFF;
	(pc) =	sbr.abs _section_cstart, $3  }
0xc1: {  	[dreg:$0x1] =	wrdreg $0xFFFFFFFF  }
0xc2: {  	_ =	task.clear_ibuf [dreg:s7], $0x2FFFF;
	_ =	strace $0x9FFFFFFF  }
0xc3: {  	(tm) =	ssettm $0x7FFFFFFF  }
tec
execute0_lowered:
.L_overlay_start_1:
0x0: {  	(tag) =	ssettag $0x1  }
0x1: {  	s2 =	srdreg.scid;
	s1 =	rddreg [dreg:$0x1]  }
0x2: {  	s0 =	simm.s32 $0x0;
	s26 =	stileid.u32;
	s3 =	sand.u32 $0x1, s2  }
0x3: {  	[smem:$0x7FF] =	sst s0;
	s4 =	sadd.s32 $0xC800, s1;
	s9 =	smul.u32 $0x2800, s26  }
0x4: {  	s5 =	sadd.s32 $0x2A00, s1;
	s10 =	sor.u32 $0x10, s26;
	s22 =	smul.u32 $0x138800, s3  }
0x5: {  	s6 =	sadd.s32 $0x16C00, s1;
	s11 =	sor.u32 $0x20, s26;
	s12 =	smul.u32 $0x2800, s10  }
0x6: {  	s8 =	sshll.u32 s26, $0x5;
	s14 =	sor.u32 $0x30, s26;
	s15 =	smul.u32 $0x2800, s11  }
0x7: {  	s23 =	sor.u32 $0x40, s26;
	s24 =	sor.u32 $0x50, s26;
	s17 =	smul.u32 $0x2800, s14  }
0x8: {  	s25 =	sor.u32 $0x60, s26;
	p0 =	sgt.u32 s26, $0xC;
	s19 =	smul.u32 $0x2800, s23  }
0x9: {  	p1 =	sgt.u32 s26, $0x1;
	s2 =	ssub.s32 $0x2, s3;
	s20 =	smul.u32 $0x2800, s24  }
0xa: {  	s3 =	sshll.u32 s3, $0x4;
	s21 =	smul.u32 $0x2800, s25;
	s7 =	sshrl.u32 s2, $0x1  }
0xb: {  	s13 =	sor.u32 s3, s8;
	s16 =	sadd.s32 $0x118000, s9;
	s2 =	ssub.s32 s2, s7  }
0xc: {  	s18 =	sadd.s32 s22, s16;
	s9 =	sadd.s32 s22, s9;
	s12 =	sadd.s32 s22, s12  }
0xd: {  	s15 =	sadd.s32 s22, s15;
	s17 =	sadd.s32 s22, s17;
	s19 =	sadd.s32 s22, s19  }
0xe: {  	s20 =	sadd.s32 s22, s20;
	s7 =	sadd.s32 s22, s21;
	s28 =	sadd.s32 s4, s13  }
0xf: {  	s22 =	sadd.s32 s5, s13;
	s18 =	sshrl.u32 s18, $0x3;
	s9 =	sshrl.u32 s9, $0x3  }
0x10: {  	[dreg:$0x4] =	wrdreg s28;
	s29 =	sshrl.u32 s12, $0x3;
	s30 =	sshrl.u32 s15, $0x3  }
0x11: {  	s31 =	sshrl.u32 s17, $0x3;
	[dreg:$0xd] =	wrdreg s22;
	s18 =	sadd.s32 s6, s18  }
0x12: {  	s19 =	sshrl.u32 s19, $0x3;
	s9 =	sadd.s32 s6, s9;
	[dreg:$0x5] =	wrdreg s18  }
0x13: {  	s20 =	sshrl.u32 s20, $0x3;
	s17 =	sadd.s32 s6, s30;
	[dreg:$0x6] =	wrdreg s9  }
0x14: {  	s28 =	sor.u32 $0x200, s13;
	s21 =	sadd.s32 s6, s20;
	[dreg:$0x8] =	wrdreg s17  }
0x15: {  	s7 =	sshrl.u32 s7, $0x3;
	s30 =	sadd.s32 s4, s28;
	[dreg:$0xb] =	wrdreg s21  }
0x16: {  	s2 =	smax.u32 s2, $0x1;
	s15 =	smul.u32 $0xA000, s24;
	[dreg:$0xe] =	wrdreg s30  }
0x17: {  	s9 =	sadd.s32 s6, s29;
	s18 =	sadd.s32 s6, s31;
	s17 =	rddreg [dreg:$0x0]  }
0x18: {  	s29 =	sor.u32 $0x9C00, s13;
	s13 =	smul.u32 $0xA000, s14;
	[dreg:$0x7] =	wrdreg s9  }
0x19: {  	s21 =	sadd.s32 $0x16600, s1;
	s14 =	smul.u32 $0xA000, s23;
	[dreg:$0x9] =	wrdreg s18  }
0x1a: {  	s9 =	sadd.s32 s6, s19;
	s6 =	sadd.s32 s6, s7;
	s19 =	rddreg [dreg:$0x2]  }
0x1b: {  	s31 =	sadd.s32 s4, s29;
	s7 =	sadd.s32 s5, s29;
	[dreg:$0xa] =	wrdreg s9  }
0x1c: {  	s4 =	sadd.s32 s8, s4;
	[dreg:$0xc] =	wrdreg s6;
	s6 =	sadd.s32 s5, s28  }
0x1d: {  	[dreg:$0x10] =	wrdreg s31;
	s5 =	sadd.s32 s8, s5;
	s8 =	smul.u32 $0xA000, s26  }
0x1e: {  	s24 =	sshrl.u32 s15, $0x2;
	[dreg:$0x11] =	wrdreg s7;
	s9 =	smul.u32 $0xA000, s10  }
0x1f: {  	s20 =	sadd.s32 s3, s4;
	s10 =	smul.u32 $0xA000, s11;
	s11 =	sshll.u32 s26, $0x6  }
0x20: {  	s23 =	sshrl.u32 s13, $0x2;
	s28 =	smul.u32 $0xA000, s25;
	s30 =	sadd.s32 s24, s19  }
0x21: {  	s7 =	simm.s32 $0x200;
	[dreg:$0xf] =	wrdreg s6;
	s18 =	sadd.s32 s3, s5  }
0x22: {  	s22 =	sor.u32 $0x1C05, s11;
	s5 =	sadd.s32 s16, s19;
	s6 =	simm.s32 $0x3  }
0x23: {  	s11 =	simm.s32 $0x2;
	_ =	strace $0x8000004A;
	s3 =	sshrl.u32 s8, $0x2  }
0x24: {  	[dreg:$0x12] =	wrdreg s2;
	s1 =	sshrl.u32 s9, $0x2;
	s4 =	sshrl.u32 s10, $0x2  }
0x25: {  	s2 =	sshrl.u32 s14, $0x2;
	[dreg:$0x17] =	wrdreg s30;
	s31 =	sshrl.u32 s28, $0x2  }
0x26: {  	s8 =	simm.s32 $0x4;
	s9 =	simm.s32 $0x4200;
	s10 =	simm.s32 $0x1  }
0x27: {  	s12 =	sadd.s32 s3, s19;
	s1 =	sadd.s32 s1, s19;
	s16 =	sadd.s32 s4, s19  }
0x28: {  	s29 =	sadd.s32 s2, s19;
	s3 =	simm.s32 $0x100;
	[dreg:$0x13] =	wrdreg s1  }
0x29: {  	s4 =	simm.s32 $0x80;
	[dreg:$0x14] =	wrdreg s16;
	s1 =	sadd.s32 s23, s19  }
0x2a: {  	[dreg:$0x16] =	wrdreg s29;
	s16 =	smov.u32 s12;
	s2 =	sadd.s32 $0x118000, s12  }
0x2b: {  	s12 =	simm.s32 $0x0;
	[dreg:$0x15] =	wrdreg s1;
	s1 =	sadd.s32 s31, s19  }
0x2c: {  	[dreg:$0x18] =	wrdreg s1;
	s1 =	sshrl.u32 @!p0 s2, $0x3;
	s2 =	simm.s32 $0x5  }
0x2d: {  	[dreg:$0x19] =	wrdreg s1;
	s1 =	sshrl.u32 @!p0 s5, $0x3;
	s5 =	simm.s32 $0x180  }
.LBB2_1:
0x2e: {  	s13 =	sshrl.u32 s16, $0x3  }
0x2f: {  	[spmem:s13], [sflag:s22] =	dma.local [hbm:s21], $0x500  }
0x30: {  	_ =	swait.ge [sflag:s2], $0x500  }
0x31: {  	[sflag:s2] =	ssyncset.done $0x0;
	s14 =	rddreg [dreg:$0x13]  }
0x32: {  	[sflag:s2] =	ssyncadd.s32 $0xFFFFFB00;
	s14 =	sshrl.u32 s14, $0x3  }
0x33: {  	[spmem:s14], [sflag:s22] =	dma.local [hbm:s21], $0x500  }
0x34: {  	_ =	swait.ge [sflag:s2], $0x500  }
0x35: {  	[sflag:s2] =	ssyncset.done $0x0;
	s15 =	rddreg [dreg:$0x14]  }
0x36: {  	[sflag:s2] =	ssyncadd.s32 $0xFFFFFB00;
	s15 =	sshrl.u32 s15, $0x3  }
0x37: {  	[spmem:s15], [sflag:s22] =	dma.local [hbm:s21], $0x500  }
0x38: {  	_ =	swait.ge [sflag:s2], $0x500  }
0x39: {  	[sflag:s2] =	ssyncset.done $0x0;
	s23 =	rddreg [dreg:$0x15]  }
0x3a: {  	[sflag:s2] =	ssyncadd.s32 $0xFFFFFB00;
	s24 =	sshrl.u32 s23, $0x3  }
0x3b: {  	[spmem:s24], [sflag:s22] =	dma.local [hbm:s21], $0x500  }
0x3c: {  	_ =	swait.ge [sflag:s2], $0x500  }
0x3d: {  	[sflag:s2] =	ssyncset.done $0x0;
	s26 =	rddreg [dreg:$0x16]  }
0x3e: {  	[sflag:s2] =	ssyncadd.s32 $0xFFFFFB00;
	s25 =	sshrl.u32 s26, $0x3  }
0x3f: {  	[spmem:s25], [sflag:s22] =	dma.local [hbm:s21], $0x500  }
0x40: {  	_ =	swait.ge [sflag:s2], $0x500  }
0x41: {  	[sflag:s2] =	ssyncset.done $0x0;
	s29 =	rddreg [dreg:$0x17]  }
0x42: {  	[sflag:s2] =	ssyncadd.s32 $0xFFFFFB00;
	s26 =	sshrl.u32 s29, $0x3  }
0x43: {  	[spmem:s26], [sflag:s22] =	dma.local [hbm:s21], $0x500  }
0x44: {  	_ =	swait.ge [sflag:s2], $0x500  }
0x45: {  	[sflag:s2] =	ssyncset.done $0x0;
	s30 =	rddreg [dreg:$0x18]  }
0x46: {  	[sflag:s2] =	ssyncadd.s32 $0xFFFFFB00;
	s23 =	sshrl.u32 s30, $0x3  }
0x47: {  	[spmem:s23], [sflag:s22] =	dma.local [hbm:s21], $0x500  }
0x48: {  	_ =	swait.ge [sflag:s2], $0x500  }
0x49: {  	[sflag:s2] =	ssyncset.done $0x0  }
0x4a: {  	s28 =	rddreg [dreg:$0x19];
	[sflag:s2] =	ssyncadd.s32 $0xFFFFFB00  }
0x4b: {  	[spmem:s28], [sflag:s22] =	dma.local @!p0 [hbm:s21], $0x500  }
0x4c: {  	s28 =	simm.s32 @!p0 $0x5  }
0x4d: {  	_ =	swait.ge @!p0 [sflag:s28], $0x500  }
0x4e: {  	[sflag:s28] =	ssyncset.done @!p0 $0x0  }
0x4f: {  	[sflag:s28] =	ssyncadd.s32 @!p0 $0xFFFFFB00  }
0x50: {  	[bflag:$0x0] =	sbarrier.arrive $0xFFFF  }
0x51: {  	s28 =	rddreg [dreg:$0x4]  }
0x52: {  	[tilespmem:s0], [sflag:$0x3] =	stream.linear.gather [hbm4b:s28+s0], $0x80, $0x38;
	[tilespmem:$0x1BA80] =	vst v63  }
0x53: {  	s28 =	rddreg [dreg:$0xd]  }
0x54: {  	[tilespmem:s3], [sflag:$0x3] =	stream.linear.gather [hbm4b:s28+s0], $0x80, $0x38;
	[tilespmem:$0x1BA80] =	vst v63  }
0x55: {  	s28 =	rddreg [dreg:$0xe]  }
0x56: {  	[tilespmem:s4], [sflag:$0x4] =	stream.linear.gather [hbm4b:s28+s0], $0x80, $0x38;
	[tilespmem:$0x1BA80] =	vst v63  }
0x57: {  	s28 =	rddreg [dreg:$0xf]  }
0x58: {  	[tilespmem:s5], [sflag:$0x4] =	stream.linear.gather [hbm4b:s28+s0], $0x80, $0x38;
	[tilespmem:$0x1BA80] =	vst v63  }
0x59: {  	_ =	swait.ge [sflag:s6], $0x80  }
0x5a: {  	[sflag:s6] =	ssyncset.done $0x0  }
0x5b: {  	[sflag:s6] =	ssyncadd.s32 $0xFFFFFF80  }
0x5c: {  	_ =	swait.ge [sflag:s6], $0x80  }
0x5d: {  	[sflag:s6] =	ssyncset.done $0x0  }
0x5e: {  	[sflag:s6] =	ssyncadd.s32 $0xFFFFFF80  }
0x5f: {  	[tilespmem:s7], [sflag:$0x1] =	stream.indirect.gather [hbm4b:s17+s4], $0x80, s0, s4, $0xb8;
	[tilespmem:$0x1BA80] =	vst v63  }
0x60: {  	_ =	swait.ge [sflag:s8], $0x80  }
0x61: {  	[sflag:s8] =	ssyncset.done $0x0  }
0x62: {  	[sflag:s8] =	ssyncadd.s32 $0xFFFFFF80  }
0x63: {  	_ =	swait.ge [sflag:s8], $0x80  }
0x64: {  	[sflag:s8] =	ssyncset.done $0x0  }
0x65: {  	[sflag:s8] =	ssyncadd.s32 $0xFFFFFF80  }
0x66: {  	[tilespmem:s9], [sflag:$0x2] =	stream.indirect.gather [hbm4b:s17+s4], $0x80, s4, s4, $0xb8;
	[tilespmem:$0x1BA80] =	vst v63  }
0x67: {  	_ =	swait.ge [sflag:s10], $0x4000  }
0x68: {  	[sflag:s10] =	ssyncset.done $0x0  }
0x69: {  	[sflag:s10] =	ssyncadd.s32 $0xFFFFC000  }
0x6a: {  	[spmem:s19] =	stream.indirect.scatter.add.f32 [tilespmem:s7], [sflag:$0x5], $0x80, s3, s4, $0xb8;
	[tilespmem:$0x1BA80] =	vst v63  }
0x6b: {  	_ =	swait.ge [sflag:s2], $0x4000  }
0x6c: {  	s28 =	sadd.s32 $0x0, s20;
	[sflag:s2] =	ssyncset.done $0x0  }
0x6d: {  	s30 =	sadd.s32 $0x0, s18;
	s29 =	sadd.s32 $0x400, s28;
	[sflag:s2] =	ssyncadd.s32 $0xFFFFC000  }
0x6e: {  	[tilespmem:s0], [sflag:$0x3] =	stream.linear.gather [hbm4b:s29+s0], $0x80, $0x38;
	[tilespmem:$0x1BA80] =	vst v63  }
0x6f: {  	s31 =	sadd.s32 $0x400, s30  }
0x70: {  	[tilespmem:s3], [sflag:$0x3] =	stream.linear.gather [hbm4b:s31+s0], $0x80, $0x38;
	[tilespmem:$0x1BA80] =	vst v63  }
0x71: {  	_ =	swait.ge [sflag:s11], $0x4000  }
0x72: {  	[sflag:s11] =	ssyncset.done $0x0  }
0x73: {  	[sflag:s11] =	ssyncadd.s32 $0xFFFFC000  }
0x74: {  	[spmem:s19] =	stream.indirect.scatter.add.f32 [tilespmem:s9], [sflag:$0x5], $0x80, s5, s4, $0xb8;
	[tilespmem:$0x1BA80] =	vst v63  }
0x75: {  	_ =	swait.ge [sflag:s2], $0x4000  }
0x76: {  	[sflag:s2] =	ssyncset.done $0x0  }
0x77: {  	s28 =	sadd.s32 $0x600, s28;
	[sflag:s2] =	ssyncadd.s32 $0xFFFFC000  }
0x78: {  	[tilespmem:s4], [sflag:$0x4] =	stream.linear.gather [hbm4b:s28+s0], $0x80, $0x38;
	[tilespmem:$0x1BA80] =	vst v63  }
0x79: {  	s28 =	sadd.s32 $0x600, s30  }
0x7a: {  	[tilespmem:s5], [sflag:$0x4] =	stream.linear.gather [hbm4b:s28+s0], $0x80, $0x38;
	[tilespmem:$0x1BA80] =	vst v63  }
0x7b: {  	_ =	swait.ge [sflag:s6], $0x80  }
0x7c: {  	[sflag:s6] =	ssyncset.done $0x0  }
0x7d: {  	[sflag:s6] =	ssyncadd.s32 $0xFFFFFF80  }
0x7e: {  	_ =	swait.ge [sflag:s6], $0x80  }
0x7f: {  	[sflag:s6] =	ssyncset.done $0x0  }
0x80: {  	s28 =	simm.s32 $0x400;
	[sflag:s6] =	ssyncadd.s32 $0xFFFFFF80  }
.LBB2_2:
0x81: {  	[tilespmem:s7], [sflag:$0x1] =	stream.indirect.gather [hbm4b:s17+s4], $0x80, s0, s4, $0xb8;
	[tilespmem:$0x1BA80] =	vst v63  }
0x82: {  	s29 =	smov.u32 s28  }
0x83: {  	p2 =	sne.s32 s28, $0x9400;
	s28 =	sadd.s32 $0x400, s28;
	_ =	swait.ge [sflag:s8], $0x80  }
0x84: {  	[sflag:s8] =	ssyncset.done $0x0  }
0x85: {  	[sflag:s8] =	ssyncadd.s32 $0xFFFFFF80  }
0x86: {  	_ =	swait.ge [sflag:s8], $0x80  }
0x87: {  	[sflag:s8] =	ssyncset.done $0x0  }
0x88: {  	[sflag:s8] =	ssyncadd.s32 $0xFFFFFF80  }
0x89: {  	[tilespmem:s9], [sflag:$0x2] =	stream.indirect.gather [hbm4b:s17+s4], $0x80, s4, s4, $0xb8;
	[tilespmem:$0x1BA80] =	vst v63  }
0x8a: {  	_ =	swait.ge [sflag:s10], $0x4000  }
0x8b: {  	[sflag:s10] =	ssyncset.done $0x0  }
0x8c: {  	[sflag:s10] =	ssyncadd.s32 $0xFFFFC000  }
0x8d: {  	[spmem:s19] =	stream.indirect.scatter.add.f32 [tilespmem:s7], [sflag:$0x5], $0x80, s3, s4, $0xb8;
	[tilespmem:$0x1BA80] =	vst v63  }
0x8e: {  	_ =	swait.ge [sflag:s2], $0x4000  }
0x8f: {  	s30 =	sadd.s32 s29, s20;
	[sflag:s2] =	ssyncset.done $0x0  }
0x90: {  	s29 =	sadd.s32 s29, s18;
	s31 =	sadd.s32 $0x400, s30;
	[sflag:s2] =	ssyncadd.s32 $0xFFFFC000  }
0x91: {  	[tilespmem:s0], [sflag:$0x3] =	stream.linear.gather [hbm4b:s31+s0], $0x80, $0x38;
	[tilespmem:$0x1BA80] =	vst v63  }
0x92: {  	s31 =	sadd.s32 $0x400, s29  }
0x93: {  	[tilespmem:s3], [sflag:$0x3] =	stream.linear.gather [hbm4b:s31+s0], $0x80, $0x38;
	[tilespmem:$0x1BA80] =	vst v63  }
0x94: {  	_ =	swait.ge [sflag:s11], $0x4000  }
0x95: {  	[sflag:s11] =	ssyncset.done $0x0  }
0x96: {  	[sflag:s11] =	ssyncadd.s32 $0xFFFFC000  }
0x97: {  	[spmem:s19] =	stream.indirect.scatter.add.f32 [tilespmem:s9], [sflag:$0x5], $0x80, s5, s4, $0xb8;
	[tilespmem:$0x1BA80] =	vst v63  }
0x98: {  	_ =	swait.ge [sflag:s2], $0x4000  }
0x99: {  	[sflag:s2] =	ssyncset.done $0x0  }
0x9a: {  	s30 =	sadd.s32 $0x600, s30;
	[sflag:s2] =	ssyncadd.s32 $0xFFFFC000  }
0x9b: {  	[tilespmem:s4], [sflag:$0x4] =	stream.linear.gather [hbm4b:s30+s0], $0x80, $0x38;
	[tilespmem:$0x1BA80] =	vst v63  }
0x9c: {  	s29 =	sadd.s32 $0x600, s29  }
0x9d: {  	[tilespmem:s5], [sflag:$0x4] =	stream.linear.gather [hbm4b:s29+s0], $0x80, $0x38;
	[tilespmem:$0x1BA80] =	vst v63  }
0x9e: {  	_ =	swait.ge [sflag:s6], $0x80  }
.Ltmp0:
0x9f: {  	[sflag:s6] =	ssyncset.done $0x0;
	(pc) =	sbr.rel @p2 .LBB2_2-.Ltmp0, $4  }
0xa0: {  	[sflag:s6] =	ssyncadd.s32 $0xFFFFFF80  }
0xa1: {  	_ =	swait.ge [sflag:s6], $0x80  }
0xa2: {  	[sflag:s6] =	ssyncset.done $0x0  }
0xa3: {  	[sflag:s6] =	ssyncadd.s32 $0xFFFFFF80  }
0xa4: {  	[tilespmem:s7], [sflag:$0x1] =	stream.indirect.gather [hbm4b:s17+s4], $0x80, s0, s4, $0xb8;
	[tilespmem:$0x1BA80] =	vst v63  }
0xa5: {  	_ =	swait.ge [sflag:s8], $0x80  }
0xa6: {  	[sflag:s8] =	ssyncset.done $0x0  }
0xa7: {  	[sflag:s8] =	ssyncadd.s32 $0xFFFFFF80  }
0xa8: {  	_ =	swait.ge [sflag:s8], $0x80  }
0xa9: {  	[sflag:s8] =	ssyncset.done $0x0  }
0xaa: {  	[sflag:s8] =	ssyncadd.s32 $0xFFFFFF80  }
0xab: {  	[tilespmem:s9], [sflag:$0x2] =	stream.indirect.gather [hbm4b:s17+s4], $0x80, s4, s4, $0xb8;
	[tilespmem:$0x1BA80] =	vst v63  }
0xac: {  	_ =	swait.ge [sflag:s10], $0x4000  }
0xad: {  	[sflag:s10] =	ssyncset.done $0x0  }
0xae: {  	[sflag:s10] =	ssyncadd.s32 $0xFFFFC000  }
0xaf: {  	[spmem:s19] =	stream.indirect.scatter.add.f32 [tilespmem:s7], [sflag:$0x5], $0x80, s3, s4, $0xb8;
	[tilespmem:$0x1BA80] =	vst v63  }
0xb0: {  	_ =	swait.ge [sflag:s2], $0x4000  }
0xb1: {  	[sflag:s2] =	ssyncset.done $0x0  }
0xb2: {  	[sflag:s2] =	ssyncadd.s32 $0xFFFFC000  }
0xb3: {  	_ =	swait.ge [sflag:s11], $0x4000  }
0xb4: {  	[sflag:s11] =	ssyncset.done $0x0  }
0xb5: {  	[sflag:s11] =	ssyncadd.s32 $0xFFFFC000  }
0xb6: {  	[spmem:s19] =	stream.indirect.scatter.add.f32 [tilespmem:s9], [sflag:$0x5], $0x80, s5, s4, $0xb8;
	[tilespmem:$0x1BA80] =	vst v63  }
0xb7: {  	_ =	swait.ge [sflag:s2], $0x4000  }
0xb8: {  	[sflag:s2] =	ssyncset.done $0x0  }
0xb9: {  	s28 =	simm.s32 @!p1 $0x0;
	s29 =	rddreg [dreg:$0x10];
	[sflag:s2] =	ssyncadd.s32 $0xFFFFC000  }
0xba: {  	[tilespmem:s28], [sflag:$0x3] =	stream.linear.gather @!p1 [hbm4b:s29+s28], $0x80, $0x38;
	[tilespmem:$0x1BA80] =	vst v63  }
0xbb: {  	s30 =	rddreg [dreg:$0x11];
	s29 =	simm.s32 @!p1 $0x100  }
0xbc: {  	[tilespmem:s29], [sflag:$0x3] =	stream.linear.gather @!p1 [hbm4b:s30+s28], $0x80, $0x38;
	[tilespmem:$0x1BA80] =	vst v63  }
0xbd: {  	s30 =	simm.s32 @!p1 $0x3  }
0xbe: {  	_ =	swait.ge @!p1 [sflag:s30], $0x80  }
0xbf: {  	[sflag:s30] =	ssyncset.done @!p1 $0x0  }
0xc0: {  	[sflag:s30] =	ssyncadd.s32 @!p1 $0xFFFFFF80  }
0xc1: {  	_ =	swait.ge @!p1 [sflag:s30], $0x80  }
0xc2: {  	[sflag:s30] =	ssyncset.done @!p1 $0x0  }
0xc3: {  	s31 =	simm.s32 @!p1 $0x200;
	[sflag:s30] =	ssyncadd.s32 @!p1 $0xFFFFFF80;
	s30 =	simm.s32 @!p1 $0x80  }
0xc4: {  	[tilespmem:s31], [sflag:$0x1] =	stream.indirect.gather @!p1 [hbm4b:s17+s30], $0x80, s28, s30, $0xb8;
	[tilespmem:$0x1BA80] =	vst v63  }
0xc5: {  	s28 =	simm.s32 @!p1 $0x1  }
0xc6: {  	_ =	swait.ge @!p1 [sflag:s28], $0x4000  }
0xc7: {  	[sflag:s28] =	ssyncset.done @!p1 $0x0  }
0xc8: {  	[sflag:s28] =	ssyncadd.s32 @!p1 $0xFFFFC000;
	s28 =	simm.s32 @!p1 $0x5  }
0xc9: {  	[spmem:s19] =	stream.indirect.scatter.add.f32 @!p1 [tilespmem:s31], [sflag:$0x5], $0x80, s29, s30, $0xb8;
	[tilespmem:$0x1BA80] =	vst v63  }
0xca: {  	_ =	swait.ge @!p1 [sflag:s28], $0x4000  }
0xcb: {  	[sflag:s28] =	ssyncset.done @!p1 $0x0  }
0xcc: {  	[sflag:s28] =	ssyncadd.s32 @!p1 $0xFFFFC000  }
0xcd: {  	[bflag:$0x0] =	sbarrier.arrive $0xFFFF  }
0xce: {  	s30 =	rddreg [dreg:$0x6]  }
0xcf: {  	[hbm:s30], [sflag:s22] =	dma.local [spmem:s13], $0x500  }
0xd0: {  	_ =	swait.ge [sflag:s2], $0x500  }
0xd1: {  	[sflag:s2] =	ssyncset.done $0x0  }
0xd2: {  	s31 =	rddreg [dreg:$0x7];
	[sflag:s2] =	ssyncadd.s32 $0xFFFFFB00  }
0xd3: {  	[hbm:s31], [sflag:s22] =	dma.local [spmem:s14], $0x500  }
0xd4: {  	_ =	swait.ge [sflag:s2], $0x500  }
0xd5: {  	[sflag:s2] =	ssyncset.done $0x0  }
0xd6: {  	s14 =	rddreg [dreg:$0x8];
	[sflag:s2] =	ssyncadd.s32 $0xFFFFFB00  }
0xd7: {  	[hbm:s14], [sflag:s22] =	dma.local [spmem:s15], $0x500  }
0xd8: {  	_ =	swait.ge [sflag:s2], $0x500  }
0xd9: {  	[sflag:s2] =	ssyncset.done $0x0  }
0xda: {  	s15 =	rddreg [dreg:$0x9];
	[sflag:s2] =	ssyncadd.s32 $0xFFFFFB00  }
0xdb: {  	[hbm:s15], [sflag:s22] =	dma.local [spmem:s24], $0x500  }
0xdc: {  	_ =	swait.ge [sflag:s2], $0x500  }
0xdd: {  	[sflag:s2] =	ssyncset.done $0x0  }
0xde: {  	s28 =	rddreg [dreg:$0xa];
	[sflag:s2] =	ssyncadd.s32 $0xFFFFFB00  }
0xdf: {  	[hbm:s28], [sflag:s22] =	dma.local [spmem:s25], $0x500  }
0xe0: {  	_ =	swait.ge [sflag:s2], $0x500  }
0xe1: {  	[sflag:s2] =	ssyncset.done $0x0  }
0xe2: {  	s29 =	rddreg [dreg:$0xb];
	[sflag:s2] =	ssyncadd.s32 $0xFFFFFB00  }
0xe3: {  	[hbm:s29], [sflag:s22] =	dma.local [spmem:s26], $0x500  }
0xe4: {  	_ =	swait.ge [sflag:s2], $0x500  }
0xe5: {  	[sflag:s2] =	ssyncset.done $0x0  }
0xe6: {  	s30 =	rddreg [dreg:$0xc];
	[sflag:s2] =	ssyncadd.s32 $0xFFFFFB00  }
0xe7: {  	[hbm:s30], [sflag:s22] =	dma.local [spmem:s23], $0x500  }
0xe8: {  	_ =	swait.ge [sflag:s2], $0x500  }
0xe9: {  	[sflag:s2] =	ssyncset.done $0x0  }
0xea: {  	s13 =	rddreg [dreg:$0x5];
	[sflag:s2] =	ssyncadd.s32 $0xFFFFFB00  }
0xeb: {  	[hbm:s13], [sflag:s22] =	dma.local @!p0 [spmem:s1], $0x500  }
0xec: {  	s13 =	simm.s32 @!p0 $0x5  }
0xed: {  	_ =	swait.ge @!p0 [sflag:s13], $0x500  }
0xee: {  	s12 =	sadd.s32 $0x1, s12;
	s31 =	rddreg [dreg:$0x12]  }
0xef: {  	p2 =	sne.s32 s12, s31  }
.Ltmp1:
0xf0: {  	_ = 	snop;
	(pc) =	sbr.rel @p2 .LBB2_1-.Ltmp1, $3  }
0xf1: {  	_ =	sdelay $0x1  }
0xf2: {  	[sflag:s13] =	ssyncset.done @!p0 $0x0  }
0xf3: {  	[sflag:s13] =	ssyncadd.s32 @!p0 $0xFFFFFB00  }
0xf4: {  	_ =	sfence.sel $0x180000  }
0xf5: {  	[bflag:$0x0] =	sbarrier.arrive $0xFFFF  }
0xf6: {  	_ =	strace $0x9000004A  }
0xf7: {  	s0 =	stileid.u32;
	[bflag:$0x2] =	sbarrier.arrive $0xFFFF  }
0xf8: {  	p0 =	sne.s32 s0, $0x0;
	s0 =	rddreg [dreg:$0x3]  }
0xf9: {  	s0 =	sadd.s32 @!p0 $0x100000, s0  }
0xfa: {  	[sflag:s0] =	ssyncadd.tile.s32 @!p0 $0x1;
	_ =	shalt  }
.Lfunc_end2:
_tile_overlayer_lowered:
.L_overlay_start_2:
0xfb: {  	(tag) =	ssettag $0x2  }
0xfc: {  	s0 =	rddreg [dreg:$0x0];
	s2 =	stileid.u32  }
0xfd: {  	s1 =	rddreg [dreg:$0x1];
	p0 =	sne.s32 s2, $0x0  }
0xfe: {  	s3 =	rddreg [dreg:$0x2];
	[bflag:$0x3] =	sbarrier.arrive $0xFFFF;
	s2 =	simm.s32 @!p0 $0x1C05  }
0xff: {  	[timem:s3], [sflag:s2] =	dma.local @!p0 [hbm:s0], s1  }
0x100: {  	s0 =	simm.s32 @!p0 $0x5  }
0x101: {  	_ =	swait.ge @!p0 [sflag:s0], s1  }
0x102: {  	s1 =	ssub.s32 @!p0 $0x0, s1;
	[sflag:s0] =	ssyncset.done @!p0 $0x0  }
0x103: {  	[sflag:s0] =	ssyncadd.s32 @!p0 s1  }
0x104: {  	[bflag:$0x3] =	sbarrier.arrive $0xFFFF  }
0x105: {  	_ =	shalt  }

</sc_bundles>
